<compile_context>
chip_gen: v7x
topology: tpu7x:2x2x1
jax: 0.10.2.dev20260603
libtpu: 0.0.44.dev20260713+nightly
codegen_flags: <defaults>
</compile_context>

<pallas_src>
import functools

import jax
import jax.numpy as jnp
from jax import lax
from jax.experimental import pallas as pl
from jax.experimental.pallas import tpu as pltpu
from jax.experimental.pallas import tpu_sc as plsc

R1, R2 = 16, 16
N1, N2 = 256, 256
B = 16384

NC, NS, L = 2, 16, 16
NW = NC * NS
BW = B // NW
CB = BW // 128
NROW = 64
RSTRIDE = N1 * N2 * R2


def _build():
    mesh = plsc.VectorSubcoreMesh(
        core_axis_name="c", subcore_axis_name="s",
        num_cores=NC, num_subcores=NS)

    @functools.partial(
        pl.kernel,
        out_type=jax.ShapeDtypeStruct((R1 * 2, B * 8), jnp.float32),
        mesh=mesh,
        compiler_params=pltpu.CompilerParams(
            needs_layout_passes=False, use_tc_tiling_on_sc=False),
        scratch_types=[
            pltpu.VMEM((CB, 2, 128), jnp.int32),
            pltpu.VMEM((BW,), jnp.int32),
            pltpu.VMEM((NROW, 128), jnp.int32),
            pltpu.VMEM((NROW * 128,), jnp.float32),
            pltpu.VMEM((NROW * 128,), jnp.float32),
            pltpu.SemaphoreType.DMA,
            pltpu.SemaphoreType.DMA,
            pltpu.SemaphoreType.DMA,
        ],
    )
    def run(idx_hbm, tab_hbm, out_hbm,
            pair_v, gb_v, idq, dat0, dat1, gsem0, gsem1, osem):
        w = lax.axis_index("s") * NC + lax.axis_index("c")
        pltpu.sync_copy(idx_hbm.at[pl.ds(w * CB, CB)], pair_v)

        for c4 in range(CB):
            for ch in range(8):
                i0 = pair_v[c4, 0, pl.ds(ch * L, L)]
                i1 = pair_v[c4, 1, pl.ds(ch * L, L)]
                gb_v[pl.ds(c4 * 128 + ch * L, L)] = (
                    i0 * 4096 + (i1 >> 7) * 1024 + (i1 & 127))

        def expand(m, carry):
            c2 = (m // 32) * 2048 + (m % 8) * 128
            gb0 = ((m // 8) % 4) * 128
            for ch in range(8):
                gb = gb_v[pl.ds(gb0 + ch * L, L)]
                idq[m, pl.ds(ch * L, L)] = gb + c2
            return carry
        lax.fori_loop(0, NROW, expand, 0)

        dats = (dat0, dat1)
        gsems = (gsem0, gsem1)

        def fire(g):
            tslice = tab_hbm.at[pl.ds(g * RSTRIDE, RSTRIDE)]
            datv, sem = dats[g % 2], gsems[g % 2]
            def body(s, carry):
                pltpu.async_copy(
                    tslice.at[idq.at[s]], datv.at[pl.ds(s * 128, 128)], sem)
                return carry
            lax.fori_loop(0, NROW, body, 0)

        def drain(g, sem):
            pltpu.make_async_copy(
                tab_hbm.at[pl.ds(0, NROW * 128)], dats[g % 2], sem).wait()

        def fire_out(g):
            for t in range(2):
                pltpu.async_copy(
                    dats[g % 2].at[pl.ds(t * 4096, 4096)],
                    out_hbm.at[2 * g + t, pl.ds(w * 4096, 4096)], osem)

        fire(0)
        for g in range(1, R1):
            if g >= 2:
                drain(g, osem)
            fire(g)
            drain(g - 1, gsems[(g - 1) % 2])
            fire_out(g - 1)
        drain(R1, osem)
        drain(R1 - 1, gsems[(R1 - 1) % 2])
        fire_out(R1 - 1)
        drain(R1 + 1, osem)

    return run


_tt_gather = _build()


@jax.jit
def kernel(indices, TT_core):
    idx3 = indices.reshape(128, 128, 2).transpose(0, 2, 1)
    tab = (TT_core.reshape(R1, N1, 2, 128, 2, 8)
           .transpose(0, 1, 4, 2, 5, 3).reshape(R1 * N1 * N2 * R2))
    out3 = _tt_gather(idx3, tab)
    return (out3.reshape(R1, 2, 128, 8, 128)
            .transpose(2, 4, 0, 1, 3).reshape(B, R1, R2))

# --- scband reference (transcript-rebuilt; emitter-appended) ---
"""Pipeline reference for scband-tt-component-14370960573263 (READ-ONLY COPY).

The authoritative reference and input builder live on the scoring server;
editing this copy changes nothing except your own understanding.
"""

import jax, jax.numpy as jnp
import numpy as np

R1 = 16
R2 = 16
N_LIST = [256, 256]
BATCH = 16384


def setup_inputs(seed: int = 0) -> dict:
    key = jax.random.key(seed)
    k_core, k_idx = jax.random.split(key)
    # Learned TT core parameter: shape [r_1, n_1, n_2, r_2]
    TT_core = jax.random.normal(k_core, (R1, N_LIST[0], N_LIST[1], R2), dtype=jnp.float32)
    # indices: [B, len(n_list)] multi-mode index tensor (int32 used to avoid x64 flag; values identical)
    indices = jax.random.randint(k_idx, (BATCH, 2), 0, N_LIST[0], dtype=jnp.int32)
    return {"indices": indices, "TT_core": TT_core}


def reference(indices, TT_core):
    # permutation_list = [i+1 for i in range(len(n_list))] + [0, -1] = [1, 2, 0, -1]
    T = jnp.transpose(TT_core, (1, 2, 0, 3))  # -> [n_1, n_2, r_1, r_2]
    # forward: indices has ndim > 1 -> unbind along dim 1 -> advanced indexing per mode
    idx_tuple = tuple(indices[:, i] for i in range(indices.shape[1]))
    out = T[idx_tuple]  # gather -> [B, r_1, r_2]
    return out

if __name__ == "__main__":
    import jax
    _d = setup_inputs()
    print(jax.jit(kernel)(*tuple(_d.values())))

</pallas_src>

<mosaic_0001>
#map = affine_map<(d0, d1) -> (0, 0, 0)>
#map1 = affine_map<(d0, d1) -> (0)>
#map2 = affine_map<(d0, d1) -> (0, 0)>
module attributes {stable_mosaic.version = 14 : i64} {
  func.func @run(%arg0: i32, %arg1: i32, %arg2: memref<128x2x128xi32, #tpu.memory_space<hbm>>, %arg3: memref<16777216xf32, #tpu.memory_space<hbm>>, %arg4: memref<32x131072xf32, #tpu.memory_space<hbm>>, %arg5: memref<4x2x128xi32, #tpu.memory_space<vmem>>, %arg6: memref<512xi32, #tpu.memory_space<vmem>>, %arg7: memref<64x128xi32, #tpu.memory_space<vmem>>, %arg8: memref<8192xf32, #tpu.memory_space<vmem>>, %arg9: memref<8192xf32, #tpu.memory_space<vmem>>, %arg10: memref<!tpu.dma_semaphore, #tpu.memory_space<semaphore_mem>>, %arg11: memref<!tpu.dma_semaphore, #tpu.memory_space<semaphore_mem>>, %arg12: memref<!tpu.dma_semaphore, #tpu.memory_space<semaphore_mem>>) attributes {dimension_semantics = [#tpu.dimension_semantics<core_parallel>, #tpu.dimension_semantics<subcore_parallel>], iteration_bounds = array<i64: 2, 16>, scalar_prefetch = 0 : i64, scratch_operands = 8 : i64, tpu.core_type = #tpu.core_type<sc_vector_subcore>, window_params = [{transform_indices = #map}, {transform_indices = #map1}, {transform_indices = #map2}]} {
    %mul3A = arith.constant 2 : i32
    %mul3A_0 = arith.muli %arg1, %mul3A : i32
    %add3A = arith.addi %mul3A_0, %arg0 : i32
    %mul3A_1 = arith.constant 4 : i32
    %mul3A_2 = arith.muli %add3A, %mul3A_1 : i32
    "tpu.region"() ({
      %run_scoped3A = tpu.sem_alloc : memref<!tpu.dma_semaphore, #tpu.memory_space<semaphore_mem>>
      %dma_start3A_1474 = arith.constant 0 : i32
      %dma_start3A_1475 = arith.constant 0 : i32
      %dma_start3A_1476 = tpu.memref_slice %arg2[%mul3A_2, %dma_start3A_1474, %dma_start3A_1475] : memref<128x2x128xi32, #tpu.memory_space<hbm>> -> memref<4x2x128xi32, #tpu.memory_space<hbm>>
      %dma_start3A_1477 = arith.constant 0 : i32
      %dma_start3A_1478 = arith.constant 0 : i32
      %dma_start3A_1479 = tpu.memref_slice %arg2[%mul3A_2, %dma_start3A_1477, %dma_start3A_1478] : memref<128x2x128xi32, #tpu.memory_space<hbm>> -> memref<4x2x128xi32, #tpu.memory_space<hbm>>
      tpu.enqueue_dma source(%dma_start3A_1479 : memref<4x2x128xi32, #tpu.memory_space<hbm>>) target(%arg5 : memref<4x2x128xi32, #tpu.memory_space<vmem>>) target_semaphore(%run_scoped3A : memref<!tpu.dma_semaphore, #tpu.memory_space<semaphore_mem>>)
      %dma_wait3A_1480 = arith.constant 0 : i32
      %dma_wait3A_1481 = arith.constant 0 : i32
      %dma_wait3A_1482 = tpu.memref_slice %arg2[%mul3A_2, %dma_wait3A_1480, %dma_wait3A_1481] : memref<128x2x128xi32, #tpu.memory_space<hbm>> -> memref<4x2x128xi32, #tpu.memory_space<hbm>>
      %dma_wait3A_1483 = arith.constant 0 : i32
      %dma_wait3A_1484 = arith.constant 0 : i32
      %dma_wait3A_1485 = tpu.memref_slice %arg2[%mul3A_2, %dma_wait3A_1483, %dma_wait3A_1484] : memref<128x2x128xi32, #tpu.memory_space<hbm>> -> memref<4x2x128xi32, #tpu.memory_space<hbm>>
      tpu.wait_dma2 semaphore(%run_scoped3A : memref<!tpu.dma_semaphore, #tpu.memory_space<semaphore_mem>>) src(%dma_wait3A_1485 : memref<4x2x128xi32, #tpu.memory_space<hbm>>) dst(%arg5 : memref<4x2x128xi32, #tpu.memory_space<vmem>>)
      tpu.yield
    }) : () -> ()
    %get3A = arith.constant 0 : i32
    %get3A_3 = arith.constant 0 : i32
    %get3A_4 = arith.index_cast %get3A : i32 to index
    %get3A_5 = arith.index_cast %get3A_3 : i32 to index
    %get3A_6 = arith.constant 0 : index
    %get3A_7 = tpu.vector_load %arg5[%get3A_4, %get3A_5, %get3A_6] {strides = array<i32>} : memref<4x2x128xi32, #tpu.memory_space<vmem>>, vector<16xi32>,
    %get3A_8 = arith.constant 0 : i32
    %get3A_9 = arith.constant 1 : i32
    %get3A_10 = arith.index_cast %get3A_8 : i32 to index
    %get3A_11 = arith.index_cast %get3A_9 : i32 to index
    %get3A_12 = arith.constant 0 : index
    %get3A_13 = tpu.vector_load %arg5[%get3A_10, %get3A_11, %get3A_12] {strides = array<i32>} : memref<4x2x128xi32, #tpu.memory_space<vmem>>, vector<16xi32>,
    %mul3A_14 = arith.constant 4096 : i32
    %mul3A_15 = vector.broadcast %mul3A_14 : i32 to vector<16xi32>
    %mul3A_16 = arith.muli %get3A_7, %mul3A_15 : vector<16xi32>
    %shift_right_arithmetic3A = arith.constant 7 : i32
    %shift_right_arithmetic3A_17 = vector.broadcast %shift_right_arithmetic3A : i32 to vector<16xi32>
    %shift_right_arithmetic3A_18 = arith.shrsi %get3A_13, %shift_right_arithmetic3A_17 : vector<16xi32>
    %mul3A_19 = arith.constant 1024 : i32
    %mul3A_20 = vector.broadcast %mul3A_19 : i32 to vector<16xi32>
    %mul3A_21 = arith.muli %shift_right_arithmetic3A_18, %mul3A_20 : vector<16xi32>
    %add3A_22 = arith.addi %mul3A_16, %mul3A_21 : vector<16xi32>
    %and3A = arith.constant 127 : i32
    %and3A_23 = vector.broadcast %and3A : i32 to vector<16xi32>
    %and3A_24 = arith.andi %get3A_13, %and3A_23 : vector<16xi32>
    %add3A_25 = arith.addi %add3A_22, %and3A_24 : vector<16xi32>
    %swap3A = arith.constant 0 : index
    %swap3A_26 = tpu.vector_load %arg6[%swap3A] {strides = array<i32>} : memref<512xi32, #tpu.memory_space<vmem>>, vector<16xi32>,
    tpu.vector_store %arg6[%swap3A], %add3A_25 {strides = array<i32>} : memref<512xi32, #tpu.memory_space<vmem>>, vector<16xi32>,
    %get3A_27 = arith.constant 0 : i32
    %get3A_28 = arith.constant 0 : i32
    %get3A_29 = arith.index_cast %get3A_27 : i32 to index
    %get3A_30 = arith.index_cast %get3A_28 : i32 to index
    %get3A_31 = arith.constant 16 : index
    %get3A_32 = tpu.vector_load %arg5[%get3A_29, %get3A_30, %get3A_31] {strides = array<i32>} : memref<4x2x128xi32, #tpu.memory_space<vmem>>, vector<16xi32>,
    %get3A_33 = arith.constant 0 : i32
    %get3A_34 = arith.constant 1 : i32
    %get3A_35 = arith.index_cast %get3A_33 : i32 to index
    %get3A_36 = arith.index_cast %get3A_34 : i32 to index
    %get3A_37 = arith.constant 16 : index
    %get3A_38 = tpu.vector_load %arg5[%get3A_35, %get3A_36, %get3A_37] {strides = array<i32>} : memref<4x2x128xi32, #tpu.memory_space<vmem>>, vector<16xi32>,
    %mul3A_39 = arith.constant 4096 : i32
    %mul3A_40 = vector.broadcast %mul3A_39 : i32 to vector<16xi32>
    %mul3A_41 = arith.muli %get3A_32, %mul3A_40 : vector<16xi32>
    %shift_right_arithmetic3A_42 = arith.constant 7 : i32
    %shift_right_arithmetic3A_43 = vector.broadcast %shift_right_arithmetic3A_42 : i32 to vector<16xi32>
    %shift_right_arithmetic3A_44 = arith.shrsi %get3A_38, %shift_right_arithmetic3A_43 : vector<16xi32>
    %mul3A_45 = arith.constant 1024 : i32
    %mul3A_46 = vector.broadcast %mul3A_45 : i32 to vector<16xi32>
    %mul3A_47 = arith.muli %shift_right_arithmetic3A_44, %mul3A_46 : vector<16xi32>
    %add3A_48 = arith.addi %mul3A_41, %mul3A_47 : vector<16xi32>
    %and3A_49 = arith.constant 127 : i32
    %and3A_50 = vector.broadcast %and3A_49 : i32 to vector<16xi32>
    %and3A_51 = arith.andi %get3A_38, %and3A_50 : vector<16xi32>
    %add3A_52 = arith.addi %add3A_48, %and3A_51 : vector<16xi32>
    %swap3A_53 = arith.constant 16 : index
    %swap3A_54 = tpu.vector_load %arg6[%swap3A_53] {strides = array<i32>} : memref<512xi32, #tpu.memory_space<vmem>>, vector<16xi32>,
    tpu.vector_store %arg6[%swap3A_53], %add3A_52 {strides = array<i32>} : memref<512xi32, #tpu.memory_space<vmem>>, vector<16xi32>,
    %get3A_55 = arith.constant 0 : i32
    %get3A_56 = arith.constant 0 : i32
    %get3A_57 = arith.index_cast %get3A_55 : i32 to index
    %get3A_58 = arith.index_cast %get3A_56 : i32 to index
    %get3A_59 = arith.constant 32 : index
    %get3A_60 = tpu.vector_load %arg5[%get3A_57, %get3A_58, %get3A_59] {strides = array<i32>} : memref<4x2x128xi32, #tpu.memory_space<vmem>>, vector<16xi32>,
    %get3A_61 = arith.constant 0 : i32
    %get3A_62 = arith.constant 1 : i32
    %get3A_63 = arith.index_cast %get3A_61 : i32 to index
    %get3A_64 = arith.index_cast %get3A_62 : i32 to index
    %get3A_65 = arith.constant 32 : index
    %get3A_66 = tpu.vector_load %arg5[%get3A_63, %get3A_64, %get3A_65] {strides = array<i32>} : memref<4x2x128xi32, #tpu.memory_space<vmem>>, vector<16xi32>,
    %mul3A_67 = arith.constant 4096 : i32
    %mul3A_68 = vector.broadcast %mul3A_67 : i32 to vector<16xi32>
    %mul3A_69 = arith.muli %get3A_60, %mul3A_68 : vector<16xi32>
    %shift_right_arithmetic3A_70 = arith.constant 7 : i32
    %shift_right_arithmetic3A_71 = vector.broadcast %shift_right_arithmetic3A_70 : i32 to vector<16xi32>
    %shift_right_arithmetic3A_72 = arith.shrsi %get3A_66, %shift_right_arithmetic3A_71 : vector<16xi32>
    %mul3A_73 = arith.constant 1024 : i32
    %mul3A_74 = vector.broadcast %mul3A_73 : i32 to vector<16xi32>
    %mul3A_75 = arith.muli %shift_right_arithmetic3A_72, %mul3A_74 : vector<16xi32>
    %add3A_76 = arith.addi %mul3A_69, %mul3A_75 : vector<16xi32>
    %and3A_77 = arith.constant 127 : i32
    %and3A_78 = vector.broadcast %and3A_77 : i32 to vector<16xi32>
    %and3A_79 = arith.andi %get3A_66, %and3A_78 : vector<16xi32>
    %add3A_80 = arith.addi %add3A_76, %and3A_79 : vector<16xi32>
    %swap3A_81 = arith.constant 32 : index
    %swap3A_82 = tpu.vector_load %arg6[%swap3A_81] {strides = array<i32>} : memref<512xi32, #tpu.memory_space<vmem>>, vector<16xi32>,
    tpu.vector_store %arg6[%swap3A_81], %add3A_80 {strides = array<i32>} : memref<512xi32, #tpu.memory_space<vmem>>, vector<16xi32>,
    %get3A_83 = arith.constant 0 : i32
    %get3A_84 = arith.constant 0 : i32
    %get3A_85 = arith.index_cast %get3A_83 : i32 to index
    %get3A_86 = arith.index_cast %get3A_84 : i32 to index
    %get3A_87 = arith.constant 48 : index
    %get3A_88 = tpu.vector_load %arg5[%get3A_85, %get3A_86, %get3A_87] {strides = array<i32>} : memref<4x2x128xi32, #tpu.memory_space<vmem>>, vector<16xi32>,
    %get3A_89 = arith.constant 0 : i32
    %get3A_90 = arith.constant 1 : i32
    %get3A_91 = arith.index_cast %get3A_89 : i32 to index
    %get3A_92 = arith.index_cast %get3A_90 : i32 to index
    %get3A_93 = arith.constant 48 : index
    %get3A_94 = tpu.vector_load %arg5[%get3A_91, %get3A_92, %get3A_93] {strides = array<i32>} : memref<4x2x128xi32, #tpu.memory_space<vmem>>, vector<16xi32>,
    %mul3A_95 = arith.constant 4096 : i32
    %mul3A_96 = vector.broadcast %mul3A_95 : i32 to vector<16xi32>
    %mul3A_97 = arith.muli %get3A_88, %mul3A_96 : vector<16xi32>
    %shift_right_arithmetic3A_98 = arith.constant 7 : i32
    %shift_right_arithmetic3A_99 = vector.broadcast %shift_right_arithmetic3A_98 : i32 to vector<16xi32>
    %shift_right_arithmetic3A_100 = arith.shrsi %get3A_94, %shift_right_arithmetic3A_99 : vector<16xi32>
    %mul3A_101 = arith.constant 1024 : i32
    %mul3A_102 = vector.broadcast %mul3A_101 : i32 to vector<16xi32>
    %mul3A_103 = arith.muli %shift_right_arithmetic3A_100, %mul3A_102 : vector<16xi32>
    %add3A_104 = arith.addi %mul3A_97, %mul3A_103 : vector<16xi32>
    %and3A_105 = arith.constant 127 : i32
    %and3A_106 = vector.broadcast %and3A_105 : i32 to vector<16xi32>
    %and3A_107 = arith.andi %get3A_94, %and3A_106 : vector<16xi32>
    %add3A_108 = arith.addi %add3A_104, %and3A_107 : vector<16xi32>
    %swap3A_109 = arith.constant 48 : index
    %swap3A_110 = tpu.vector_load %arg6[%swap3A_109] {strides = array<i32>} : memref<512xi32, #tpu.memory_space<vmem>>, vector<16xi32>,
    tpu.vector_store %arg6[%swap3A_109], %add3A_108 {strides = array<i32>} : memref<512xi32, #tpu.memory_space<vmem>>, vector<16xi32>,
    %get3A_111 = arith.constant 0 : i32
    %get3A_112 = arith.constant 0 : i32
    %get3A_113 = arith.index_cast %get3A_111 : i32 to index
    %get3A_114 = arith.index_cast %get3A_112 : i32 to index
    %get3A_115 = arith.constant 64 : index
    %get3A_116 = tpu.vector_load %arg5[%get3A_113, %get3A_114, %get3A_115] {strides = array<i32>} : memref<4x2x128xi32, #tpu.memory_space<vmem>>, vector<16xi32>,
    %get3A_117 = arith.constant 0 : i32
    %get3A_118 = arith.constant 1 : i32
    %get3A_119 = arith.index_cast %get3A_117 : i32 to index
    %get3A_120 = arith.index_cast %get3A_118 : i32 to index
    %get3A_121 = arith.constant 64 : index
    %get3A_122 = tpu.vector_load %arg5[%get3A_119, %get3A_120, %get3A_121] {strides = array<i32>} : memref<4x2x128xi32, #tpu.memory_space<vmem>>, vector<16xi32>,
    %mul3A_123 = arith.constant 4096 : i32
    %mul3A_124 = vector.broadcast %mul3A_123 : i32 to vector<16xi32>
    %mul3A_125 = arith.muli %get3A_116, %mul3A_124 : vector<16xi32>
    %shift_right_arithmetic3A_126 = arith.constant 7 : i32
    %shift_right_arithmetic3A_127 = vector.broadcast %shift_right_arithmetic3A_126 : i32 to vector<16xi32>
    %shift_right_arithmetic3A_128 = arith.shrsi %get3A_122, %shift_right_arithmetic3A_127 : vector<16xi32>
    %mul3A_129 = arith.constant 1024 : i32
    %mul3A_130 = vector.broadcast %mul3A_129 : i32 to vector<16xi32>
    %mul3A_131 = arith.muli %shift_right_arithmetic3A_128, %mul3A_130 : vector<16xi32>
    %add3A_132 = arith.addi %mul3A_125, %mul3A_131 : vector<16xi32>
    %and3A_133 = arith.constant 127 : i32
    %and3A_134 = vector.broadcast %and3A_133 : i32 to vector<16xi32>
    %and3A_135 = arith.andi %get3A_122, %and3A_134 : vector<16xi32>
    %add3A_136 = arith.addi %add3A_132, %and3A_135 : vector<16xi32>
    %swap3A_137 = arith.constant 64 : index
    %swap3A_138 = tpu.vector_load %arg6[%swap3A_137] {strides = array<i32>} : memref<512xi32, #tpu.memory_space<vmem>>, vector<16xi32>,
    tpu.vector_store %arg6[%swap3A_137], %add3A_136 {strides = array<i32>} : memref<512xi32, #tpu.memory_space<vmem>>, vector<16xi32>,
    %get3A_139 = arith.constant 0 : i32
    %get3A_140 = arith.constant 0 : i32
    %get3A_141 = arith.index_cast %get3A_139 : i32 to index
    %get3A_142 = arith.index_cast %get3A_140 : i32 to index
    %get3A_143 = arith.constant 80 : index
    %get3A_144 = tpu.vector_load %arg5[%get3A_141, %get3A_142, %get3A_143] {strides = array<i32>} : memref<4x2x128xi32, #tpu.memory_space<vmem>>, vector<16xi32>,
    %get3A_145 = arith.constant 0 : i32
    %get3A_146 = arith.constant 1 : i32
    %get3A_147 = arith.index_cast %get3A_145 : i32 to index
    %get3A_148 = arith.index_cast %get3A_146 : i32 to index
    %get3A_149 = arith.constant 80 : index
    %get3A_150 = tpu.vector_load %arg5[%get3A_147, %get3A_148, %get3A_149] {strides = array<i32>} : memref<4x2x128xi32, #tpu.memory_space<vmem>>, vector<16xi32>,
    %mul3A_151 = arith.constant 4096 : i32
    %mul3A_152 = vector.broadcast %mul3A_151 : i32 to vector<16xi32>
    %mul3A_153 = arith.muli %get3A_144, %mul3A_152 : vector<16xi32>
    %shift_right_arithmetic3A_154 = arith.constant 7 : i32
    %shift_right_arithmetic3A_155 = vector.broadcast %shift_right_arithmetic3A_154 : i32 to vector<16xi32>
    %shift_right_arithmetic3A_156 = arith.shrsi %get3A_150, %shift_right_arithmetic3A_155 : vector<16xi32>
    %mul3A_157 = arith.constant 1024 : i32
    %mul3A_158 = vector.broadcast %mul3A_157 : i32 to vector<16xi32>
    %mul3A_159 = arith.muli %shift_right_arithmetic3A_156, %mul3A_158 : vector<16xi32>
    %add3A_160 = arith.addi %mul3A_153, %mul3A_159 : vector<16xi32>
    %and3A_161 = arith.constant 127 : i32
    %and3A_162 = vector.broadcast %and3A_161 : i32 to vector<16xi32>
    %and3A_163 = arith.andi %get3A_150, %and3A_162 : vector<16xi32>
    %add3A_164 = arith.addi %add3A_160, %and3A_163 : vector<16xi32>
    %swap3A_165 = arith.constant 80 : index
    %swap3A_166 = tpu.vector_load %arg6[%swap3A_165] {strides = array<i32>} : memref<512xi32, #tpu.memory_space<vmem>>, vector<16xi32>,
    tpu.vector_store %arg6[%swap3A_165], %add3A_164 {strides = array<i32>} : memref<512xi32, #tpu.memory_space<vmem>>, vector<16xi32>,
    %get3A_167 = arith.constant 0 : i32
    %get3A_168 = arith.constant 0 : i32
    %get3A_169 = arith.index_cast %get3A_167 : i32 to index
    %get3A_170 = arith.index_cast %get3A_168 : i32 to index
    %get3A_171 = arith.constant 96 : index
    %get3A_172 = tpu.vector_load %arg5[%get3A_169, %get3A_170, %get3A_171] {strides = array<i32>} : memref<4x2x128xi32, #tpu.memory_space<vmem>>, vector<16xi32>,
    %get3A_173 = arith.constant 0 : i32
    %get3A_174 = arith.constant 1 : i32
    %get3A_175 = arith.index_cast %get3A_173 : i32 to index
    %get3A_176 = arith.index_cast %get3A_174 : i32 to index
    %get3A_177 = arith.constant 96 : index
    %get3A_178 = tpu.vector_load %arg5[%get3A_175, %get3A_176, %get3A_177] {strides = array<i32>} : memref<4x2x128xi32, #tpu.memory_space<vmem>>, vector<16xi32>,
    %mul3A_179 = arith.constant 4096 : i32
    %mul3A_180 = vector.broadcast %mul3A_179 : i32 to vector<16xi32>
    %mul3A_181 = arith.muli %get3A_172, %mul3A_180 : vector<16xi32>
    %shift_right_arithmetic3A_182 = arith.constant 7 : i32
    %shift_right_arithmetic3A_183 = vector.broadcast %shift_right_arithmetic3A_182 : i32 to vector<16xi32>
    %shift_right_arithmetic3A_184 = arith.shrsi %get3A_178, %shift_right_arithmetic3A_183 : vector<16xi32>
    %mul3A_185 = arith.constant 1024 : i32
    %mul3A_186 = vector.broadcast %mul3A_185 : i32 to vector<16xi32>
    %mul3A_187 = arith.muli %shift_right_arithmetic3A_184, %mul3A_186 : vector<16xi32>
    %add3A_188 = arith.addi %mul3A_181, %mul3A_187 : vector<16xi32>
    %and3A_189 = arith.constant 127 : i32
    %and3A_190 = vector.broadcast %and3A_189 : i32 to vector<16xi32>
    %and3A_191 = arith.andi %get3A_178, %and3A_190 : vector<16xi32>
    %add3A_192 = arith.addi %add3A_188, %and3A_191 : vector<16xi32>
    %swap3A_193 = arith.constant 96 : index
    %swap3A_194 = tpu.vector_load %arg6[%swap3A_193] {strides = array<i32>} : memref<512xi32, #tpu.memory_space<vmem>>, vector<16xi32>,
    tpu.vector_store %arg6[%swap3A_193], %add3A_192 {strides = array<i32>} : memref<512xi32, #tpu.memory_space<vmem>>, vector<16xi32>,
    %get3A_195 = arith.constant 0 : i32
    %get3A_196 = arith.constant 0 : i32
    %get3A_197 = arith.index_cast %get3A_195 : i32 to index
    %get3A_198 = arith.index_cast %get3A_196 : i32 to index
    %get3A_199 = arith.constant 112 : index
    %get3A_200 = tpu.vector_load %arg5[%get3A_197, %get3A_198, %get3A_199] {strides = array<i32>} : memref<4x2x128xi32, #tpu.memory_space<vmem>>, vector<16xi32>,
    %get3A_201 = arith.constant 0 : i32
    %get3A_202 = arith.constant 1 : i32
    %get3A_203 = arith.index_cast %get3A_201 : i32 to index
    %get3A_204 = arith.index_cast %get3A_202 : i32 to index
    %get3A_205 = arith.constant 112 : index
    %get3A_206 = tpu.vector_load %arg5[%get3A_203, %get3A_204, %get3A_205] {strides = array<i32>} : memref<4x2x128xi32, #tpu.memory_space<vmem>>, vector<16xi32>,
    %mul3A_207 = arith.constant 4096 : i32
    %mul3A_208 = vector.broadcast %mul3A_207 : i32 to vector<16xi32>
    %mul3A_209 = arith.muli %get3A_200, %mul3A_208 : vector<16xi32>
    %shift_right_arithmetic3A_210 = arith.constant 7 : i32
    %shift_right_arithmetic3A_211 = vector.broadcast %shift_right_arithmetic3A_210 : i32 to vector<16xi32>
    %shift_right_arithmetic3A_212 = arith.shrsi %get3A_206, %shift_right_arithmetic3A_211 : vector<16xi32>
    %mul3A_213 = arith.constant 1024 : i32
    %mul3A_214 = vector.broadcast %mul3A_213 : i32 to vector<16xi32>
    %mul3A_215 = arith.muli %shift_right_arithmetic3A_212, %mul3A_214 : vector<16xi32>
    %add3A_216 = arith.addi %mul3A_209, %mul3A_215 : vector<16xi32>
    %and3A_217 = arith.constant 127 : i32
    %and3A_218 = vector.broadcast %and3A_217 : i32 to vector<16xi32>
    %and3A_219 = arith.andi %get3A_206, %and3A_218 : vector<16xi32>
    %add3A_220 = arith.addi %add3A_216, %and3A_219 : vector<16xi32>
    %swap3A_221 = arith.constant 112 : index
    %swap3A_222 = tpu.vector_load %arg6[%swap3A_221] {strides = array<i32>} : memref<512xi32, #tpu.memory_space<vmem>>, vector<16xi32>,
    tpu.vector_store %arg6[%swap3A_221], %add3A_220 {strides = array<i32>} : memref<512xi32, #tpu.memory_space<vmem>>, vector<16xi32>,
    %get3A_223 = arith.constant 1 : i32
    %get3A_224 = arith.constant 0 : i32
    %get3A_225 = arith.index_cast %get3A_223 : i32 to index
    %get3A_226 = arith.index_cast %get3A_224 : i32 to index
    %get3A_227 = arith.constant 0 : index
    %get3A_228 = tpu.vector_load %arg5[%get3A_225, %get3A_226, %get3A_227] {strides = array<i32>} : memref<4x2x128xi32, #tpu.memory_space<vmem>>, vector<16xi32>,
    %get3A_229 = arith.constant 1 : i32
    %get3A_230 = arith.constant 1 : i32
    %get3A_231 = arith.index_cast %get3A_229 : i32 to index
    %get3A_232 = arith.index_cast %get3A_230 : i32 to index
    %get3A_233 = arith.constant 0 : index
    %get3A_234 = tpu.vector_load %arg5[%get3A_231, %get3A_232, %get3A_233] {strides = array<i32>} : memref<4x2x128xi32, #tpu.memory_space<vmem>>, vector<16xi32>,
    %mul3A_235 = arith.constant 4096 : i32
    %mul3A_236 = vector.broadcast %mul3A_235 : i32 to vector<16xi32>
    %mul3A_237 = arith.muli %get3A_228, %mul3A_236 : vector<16xi32>
    %shift_right_arithmetic3A_238 = arith.constant 7 : i32
    %shift_right_arithmetic3A_239 = vector.broadcast %shift_right_arithmetic3A_238 : i32 to vector<16xi32>
    %shift_right_arithmetic3A_240 = arith.shrsi %get3A_234, %shift_right_arithmetic3A_239 : vector<16xi32>
    %mul3A_241 = arith.constant 1024 : i32
    %mul3A_242 = vector.broadcast %mul3A_241 : i32 to vector<16xi32>
    %mul3A_243 = arith.muli %shift_right_arithmetic3A_240, %mul3A_242 : vector<16xi32>
    %add3A_244 = arith.addi %mul3A_237, %mul3A_243 : vector<16xi32>
    %and3A_245 = arith.constant 127 : i32
    %and3A_246 = vector.broadcast %and3A_245 : i32 to vector<16xi32>
    %and3A_247 = arith.andi %get3A_234, %and3A_246 : vector<16xi32>
    %add3A_248 = arith.addi %add3A_244, %and3A_247 : vector<16xi32>
    %swap3A_249 = arith.constant 128 : index
    %swap3A_250 = tpu.vector_load %arg6[%swap3A_249] {strides = array<i32>} : memref<512xi32, #tpu.memory_space<vmem>>, vector<16xi32>,
    tpu.vector_store %arg6[%swap3A_249], %add3A_248 {strides = array<i32>} : memref<512xi32, #tpu.memory_space<vmem>>, vector<16xi32>,
    %get3A_251 = arith.constant 1 : i32
    %get3A_252 = arith.constant 0 : i32
    %get3A_253 = arith.index_cast %get3A_251 : i32 to index
    %get3A_254 = arith.index_cast %get3A_252 : i32 to index
    %get3A_255 = arith.constant 16 : index
    %get3A_256 = tpu.vector_load %arg5[%get3A_253, %get3A_254, %get3A_255] {strides = array<i32>} : memref<4x2x128xi32, #tpu.memory_space<vmem>>, vector<16xi32>,
    %get3A_257 = arith.constant 1 : i32
    %get3A_258 = arith.constant 1 : i32
    %get3A_259 = arith.index_cast %get3A_257 : i32 to index
    %get3A_260 = arith.index_cast %get3A_258 : i32 to index
    %get3A_261 = arith.constant 16 : index
    %get3A_262 = tpu.vector_load %arg5[%get3A_259, %get3A_260, %get3A_261] {strides = array<i32>} : memref<4x2x128xi32, #tpu.memory_space<vmem>>, vector<16xi32>,
    %mul3A_263 = arith.constant 4096 : i32
    %mul3A_264 = vector.broadcast %mul3A_263 : i32 to vector<16xi32>
    %mul3A_265 = arith.muli %get3A_256, %mul3A_264 : vector<16xi32>
    %shift_right_arithmetic3A_266 = arith.constant 7 : i32
    %shift_right_arithmetic3A_267 = vector.broadcast %shift_right_arithmetic3A_266 : i32 to vector<16xi32>
    %shift_right_arithmetic3A_268 = arith.shrsi %get3A_262, %shift_right_arithmetic3A_267 : vector<16xi32>
    %mul3A_269 = arith.constant 1024 : i32
    %mul3A_270 = vector.broadcast %mul3A_269 : i32 to vector<16xi32>
    %mul3A_271 = arith.muli %shift_right_arithmetic3A_268, %mul3A_270 : vector<16xi32>
    %add3A_272 = arith.addi %mul3A_265, %mul3A_271 : vector<16xi32>
    %and3A_273 = arith.constant 127 : i32
    %and3A_274 = vector.broadcast %and3A_273 : i32 to vector<16xi32>
    %and3A_275 = arith.andi %get3A_262, %and3A_274 : vector<16xi32>
    %add3A_276 = arith.addi %add3A_272, %and3A_275 : vector<16xi32>
    %swap3A_277 = arith.constant 144 : index
    %swap3A_278 = tpu.vector_load %arg6[%swap3A_277] {strides = array<i32>} : memref<512xi32, #tpu.memory_space<vmem>>, vector<16xi32>,
    tpu.vector_store %arg6[%swap3A_277], %add3A_276 {strides = array<i32>} : memref<512xi32, #tpu.memory_space<vmem>>, vector<16xi32>,
    %get3A_279 = arith.constant 1 : i32
    %get3A_280 = arith.constant 0 : i32
    %get3A_281 = arith.index_cast %get3A_279 : i32 to index
    %get3A_282 = arith.index_cast %get3A_280 : i32 to index
    %get3A_283 = arith.constant 32 : index
    %get3A_284 = tpu.vector_load %arg5[%get3A_281, %get3A_282, %get3A_283] {strides = array<i32>} : memref<4x2x128xi32, #tpu.memory_space<vmem>>, vector<16xi32>,
    %get3A_285 = arith.constant 1 : i32
    %get3A_286 = arith.constant 1 : i32
    %get3A_287 = arith.index_cast %get3A_285 : i32 to index
    %get3A_288 = arith.index_cast %get3A_286 : i32 to index
    %get3A_289 = arith.constant 32 : index
    %get3A_290 = tpu.vector_load %arg5[%get3A_287, %get3A_288, %get3A_289] {strides = array<i32>} : memref<4x2x128xi32, #tpu.memory_space<vmem>>, vector<16xi32>,
    %mul3A_291 = arith.constant 4096 : i32
    %mul3A_292 = vector.broadcast %mul3A_291 : i32 to vector<16xi32>
    %mul3A_293 = arith.muli %get3A_284, %mul3A_292 : vector<16xi32>
    %shift_right_arithmetic3A_294 = arith.constant 7 : i32
    %shift_right_arithmetic3A_295 = vector.broadcast %shift_right_arithmetic3A_294 : i32 to vector<16xi32>
    %shift_right_arithmetic3A_296 = arith.shrsi %get3A_290, %shift_right_arithmetic3A_295 : vector<16xi32>
    %mul3A_297 = arith.constant 1024 : i32
    %mul3A_298 = vector.broadcast %mul3A_297 : i32 to vector<16xi32>
    %mul3A_299 = arith.muli %shift_right_arithmetic3A_296, %mul3A_298 : vector<16xi32>
    %add3A_300 = arith.addi %mul3A_293, %mul3A_299 : vector<16xi32>
    %and3A_301 = arith.constant 127 : i32
    %and3A_302 = vector.broadcast %and3A_301 : i32 to vector<16xi32>
    %and3A_303 = arith.andi %get3A_290, %and3A_302 : vector<16xi32>
    %add3A_304 = arith.addi %add3A_300, %and3A_303 : vector<16xi32>
    %swap3A_305 = arith.constant 160 : index
    %swap3A_306 = tpu.vector_load %arg6[%swap3A_305] {strides = array<i32>} : memref<512xi32, #tpu.memory_space<vmem>>, vector<16xi32>,
    tpu.vector_store %arg6[%swap3A_305], %add3A_304 {strides = array<i32>} : memref<512xi32, #tpu.memory_space<vmem>>, vector<16xi32>,
    %get3A_307 = arith.constant 1 : i32
    %get3A_308 = arith.constant 0 : i32
    %get3A_309 = arith.index_cast %get3A_307 : i32 to index
    %get3A_310 = arith.index_cast %get3A_308 : i32 to index
    %get3A_311 = arith.constant 48 : index
    %get3A_312 = tpu.vector_load %arg5[%get3A_309, %get3A_310, %get3A_311] {strides = array<i32>} : memref<4x2x128xi32, #tpu.memory_space<vmem>>, vector<16xi32>,
    %get3A_313 = arith.constant 1 : i32
    %get3A_314 = arith.constant 1 : i32
    %get3A_315 = arith.index_cast %get3A_313 : i32 to index
    %get3A_316 = arith.index_cast %get3A_314 : i32 to index
    %get3A_317 = arith.constant 48 : index
    %get3A_318 = tpu.vector_load %arg5[%get3A_315, %get3A_316, %get3A_317] {strides = array<i32>} : memref<4x2x128xi32, #tpu.memory_space<vmem>>, vector<16xi32>,
    %mul3A_319 = arith.constant 4096 : i32
    %mul3A_320 = vector.broadcast %mul3A_319 : i32 to vector<16xi32>
    %mul3A_321 = arith.muli %get3A_312, %mul3A_320 : vector<16xi32>
    %shift_right_arithmetic3A_322 = arith.constant 7 : i32
    %shift_right_arithmetic3A_323 = vector.broadcast %shift_right_arithmetic3A_322 : i32 to vector<16xi32>
    %shift_right_arithmetic3A_324 = arith.shrsi %get3A_318, %shift_right_arithmetic3A_323 : vector<16xi32>
    %mul3A_325 = arith.constant 1024 : i32
    %mul3A_326 = vector.broadcast %mul3A_325 : i32 to vector<16xi32>
    %mul3A_327 = arith.muli %shift_right_arithmetic3A_324, %mul3A_326 : vector<16xi32>
    %add3A_328 = arith.addi %mul3A_321, %mul3A_327 : vector<16xi32>
    %and3A_329 = arith.constant 127 : i32
    %and3A_330 = vector.broadcast %and3A_329 : i32 to vector<16xi32>
    %and3A_331 = arith.andi %get3A_318, %and3A_330 : vector<16xi32>
    %add3A_332 = arith.addi %add3A_328, %and3A_331 : vector<16xi32>
    %swap3A_333 = arith.constant 176 : index
    %swap3A_334 = tpu.vector_load %arg6[%swap3A_333] {strides = array<i32>} : memref<512xi32, #tpu.memory_space<vmem>>, vector<16xi32>,
    tpu.vector_store %arg6[%swap3A_333], %add3A_332 {strides = array<i32>} : memref<512xi32, #tpu.memory_space<vmem>>, vector<16xi32>,
    %get3A_335 = arith.constant 1 : i32
    %get3A_336 = arith.constant 0 : i32
    %get3A_337 = arith.index_cast %get3A_335 : i32 to index
    %get3A_338 = arith.index_cast %get3A_336 : i32 to index
    %get3A_339 = arith.constant 64 : index
    %get3A_340 = tpu.vector_load %arg5[%get3A_337, %get3A_338, %get3A_339] {strides = array<i32>} : memref<4x2x128xi32, #tpu.memory_space<vmem>>, vector<16xi32>,
    %get3A_341 = arith.constant 1 : i32
    %get3A_342 = arith.constant 1 : i32
    %get3A_343 = arith.index_cast %get3A_341 : i32 to index
    %get3A_344 = arith.index_cast %get3A_342 : i32 to index
    %get3A_345 = arith.constant 64 : index
    %get3A_346 = tpu.vector_load %arg5[%get3A_343, %get3A_344, %get3A_345] {strides = array<i32>} : memref<4x2x128xi32, #tpu.memory_space<vmem>>, vector<16xi32>,
    %mul3A_347 = arith.constant 4096 : i32
    %mul3A_348 = vector.broadcast %mul3A_347 : i32 to vector<16xi32>
    %mul3A_349 = arith.muli %get3A_340, %mul3A_348 : vector<16xi32>
    %shift_right_arithmetic3A_350 = arith.constant 7 : i32
    %shift_right_arithmetic3A_351 = vector.broadcast %shift_right_arithmetic3A_350 : i32 to vector<16xi32>
    %shift_right_arithmetic3A_352 = arith.shrsi %get3A_346, %shift_right_arithmetic3A_351 : vector<16xi32>
    %mul3A_353 = arith.constant 1024 : i32
    %mul3A_354 = vector.broadcast %mul3A_353 : i32 to vector<16xi32>
    %mul3A_355 = arith.muli %shift_right_arithmetic3A_352, %mul3A_354 : vector<16xi32>
    %add3A_356 = arith.addi %mul3A_349, %mul3A_355 : vector<16xi32>
    %and3A_357 = arith.constant 127 : i32
    %and3A_358 = vector.broadcast %and3A_357 : i32 to vector<16xi32>
    %and3A_359 = arith.andi %get3A_346, %and3A_358 : vector<16xi32>
    %add3A_360 = arith.addi %add3A_356, %and3A_359 : vector<16xi32>
    %swap3A_361 = arith.constant 192 : index
    %swap3A_362 = tpu.vector_load %arg6[%swap3A_361] {strides = array<i32>} : memref<512xi32, #tpu.memory_space<vmem>>, vector<16xi32>,
    tpu.vector_store %arg6[%swap3A_361], %add3A_360 {strides = array<i32>} : memref<512xi32, #tpu.memory_space<vmem>>, vector<16xi32>,
    %get3A_363 = arith.constant 1 : i32
    %get3A_364 = arith.constant 0 : i32
    %get3A_365 = arith.index_cast %get3A_363 : i32 to index
    %get3A_366 = arith.index_cast %get3A_364 : i32 to index
    %get3A_367 = arith.constant 80 : index
    %get3A_368 = tpu.vector_load %arg5[%get3A_365, %get3A_366, %get3A_367] {strides = array<i32>} : memref<4x2x128xi32, #tpu.memory_space<vmem>>, vector<16xi32>,
    %get3A_369 = arith.constant 1 : i32
    %get3A_370 = arith.constant 1 : i32
    %get3A_371 = arith.index_cast %get3A_369 : i32 to index
    %get3A_372 = arith.index_cast %get3A_370 : i32 to index
    %get3A_373 = arith.constant 80 : index
    %get3A_374 = tpu.vector_load %arg5[%get3A_371, %get3A_372, %get3A_373] {strides = array<i32>} : memref<4x2x128xi32, #tpu.memory_space<vmem>>, vector<16xi32>,
    %mul3A_375 = arith.constant 4096 : i32
    %mul3A_376 = vector.broadcast %mul3A_375 : i32 to vector<16xi32>
    %mul3A_377 = arith.muli %get3A_368, %mul3A_376 : vector<16xi32>
    %shift_right_arithmetic3A_378 = arith.constant 7 : i32
    %shift_right_arithmetic3A_379 = vector.broadcast %shift_right_arithmetic3A_378 : i32 to vector<16xi32>
    %shift_right_arithmetic3A_380 = arith.shrsi %get3A_374, %shift_right_arithmetic3A_379 : vector<16xi32>
    %mul3A_381 = arith.constant 1024 : i32
    %mul3A_382 = vector.broadcast %mul3A_381 : i32 to vector<16xi32>
    %mul3A_383 = arith.muli %shift_right_arithmetic3A_380, %mul3A_382 : vector<16xi32>
    %add3A_384 = arith.addi %mul3A_377, %mul3A_383 : vector<16xi32>
    %and3A_385 = arith.constant 127 : i32
    %and3A_386 = vector.broadcast %and3A_385 : i32 to vector<16xi32>
    %and3A_387 = arith.andi %get3A_374, %and3A_386 : vector<16xi32>
    %add3A_388 = arith.addi %add3A_384, %and3A_387 : vector<16xi32>
    %swap3A_389 = arith.constant 208 : index
    %swap3A_390 = tpu.vector_load %arg6[%swap3A_389] {strides = array<i32>} : memref<512xi32, #tpu.memory_space<vmem>>, vector<16xi32>,
    tpu.vector_store %arg6[%swap3A_389], %add3A_388 {strides = array<i32>} : memref<512xi32, #tpu.memory_space<vmem>>, vector<16xi32>,
    %get3A_391 = arith.constant 1 : i32
    %get3A_392 = arith.constant 0 : i32
    %get3A_393 = arith.index_cast %get3A_391 : i32 to index
    %get3A_394 = arith.index_cast %get3A_392 : i32 to index
    %get3A_395 = arith.constant 96 : index
    %get3A_396 = tpu.vector_load %arg5[%get3A_393, %get3A_394, %get3A_395] {strides = array<i32>} : memref<4x2x128xi32, #tpu.memory_space<vmem>>, vector<16xi32>,
    %get3A_397 = arith.constant 1 : i32
    %get3A_398 = arith.constant 1 : i32
    %get3A_399 = arith.index_cast %get3A_397 : i32 to index
    %get3A_400 = arith.index_cast %get3A_398 : i32 to index
    %get3A_401 = arith.constant 96 : index
    %get3A_402 = tpu.vector_load %arg5[%get3A_399, %get3A_400, %get3A_401] {strides = array<i32>} : memref<4x2x128xi32, #tpu.memory_space<vmem>>, vector<16xi32>,
    %mul3A_403 = arith.constant 4096 : i32
    %mul3A_404 = vector.broadcast %mul3A_403 : i32 to vector<16xi32>
    %mul3A_405 = arith.muli %get3A_396, %mul3A_404 : vector<16xi32>
    %shift_right_arithmetic3A_406 = arith.constant 7 : i32
    %shift_right_arithmetic3A_407 = vector.broadcast %shift_right_arithmetic3A_406 : i32 to vector<16xi32>
    %shift_right_arithmetic3A_408 = arith.shrsi %get3A_402, %shift_right_arithmetic3A_407 : vector<16xi32>
    %mul3A_409 = arith.constant 1024 : i32
    %mul3A_410 = vector.broadcast %mul3A_409 : i32 to vector<16xi32>
    %mul3A_411 = arith.muli %shift_right_arithmetic3A_408, %mul3A_410 : vector<16xi32>
    %add3A_412 = arith.addi %mul3A_405, %mul3A_411 : vector<16xi32>
    %and3A_413 = arith.constant 127 : i32
    %and3A_414 = vector.broadcast %and3A_413 : i32 to vector<16xi32>
    %and3A_415 = arith.andi %get3A_402, %and3A_414 : vector<16xi32>
    %add3A_416 = arith.addi %add3A_412, %and3A_415 : vector<16xi32>
    %swap3A_417 = arith.constant 224 : index
    %swap3A_418 = tpu.vector_load %arg6[%swap3A_417] {strides = array<i32>} : memref<512xi32, #tpu.memory_space<vmem>>, vector<16xi32>,
    tpu.vector_store %arg6[%swap3A_417], %add3A_416 {strides = array<i32>} : memref<512xi32, #tpu.memory_space<vmem>>, vector<16xi32>,
    %get3A_419 = arith.constant 1 : i32
    %get3A_420 = arith.constant 0 : i32
    %get3A_421 = arith.index_cast %get3A_419 : i32 to index
    %get3A_422 = arith.index_cast %get3A_420 : i32 to index
    %get3A_423 = arith.constant 112 : index
    %get3A_424 = tpu.vector_load %arg5[%get3A_421, %get3A_422, %get3A_423] {strides = array<i32>} : memref<4x2x128xi32, #tpu.memory_space<vmem>>, vector<16xi32>,
    %get3A_425 = arith.constant 1 : i32
    %get3A_426 = arith.constant 1 : i32
    %get3A_427 = arith.index_cast %get3A_425 : i32 to index
    %get3A_428 = arith.index_cast %get3A_426 : i32 to index
    %get3A_429 = arith.constant 112 : index
    %get3A_430 = tpu.vector_load %arg5[%get3A_427, %get3A_428, %get3A_429] {strides = array<i32>} : memref<4x2x128xi32, #tpu.memory_space<vmem>>, vector<16xi32>,
    %mul3A_431 = arith.constant 4096 : i32
    %mul3A_432 = vector.broadcast %mul3A_431 : i32 to vector<16xi32>
    %mul3A_433 = arith.muli %get3A_424, %mul3A_432 : vector<16xi32>
    %shift_right_arithmetic3A_434 = arith.constant 7 : i32
    %shift_right_arithmetic3A_435 = vector.broadcast %shift_right_arithmetic3A_434 : i32 to vector<16xi32>
    %shift_right_arithmetic3A_436 = arith.shrsi %get3A_430, %shift_right_arithmetic3A_435 : vector<16xi32>
    %mul3A_437 = arith.constant 1024 : i32
    %mul3A_438 = vector.broadcast %mul3A_437 : i32 to vector<16xi32>
    %mul3A_439 = arith.muli %shift_right_arithmetic3A_436, %mul3A_438 : vector<16xi32>
    %add3A_440 = arith.addi %mul3A_433, %mul3A_439 : vector<16xi32>
    %and3A_441 = arith.constant 127 : i32
    %and3A_442 = vector.broadcast %and3A_441 : i32 to vector<16xi32>
    %and3A_443 = arith.andi %get3A_430, %and3A_442 : vector<16xi32>
    %add3A_444 = arith.addi %add3A_440, %and3A_443 : vector<16xi32>
    %swap3A_445 = arith.constant 240 : index
    %swap3A_446 = tpu.vector_load %arg6[%swap3A_445] {strides = array<i32>} : memref<512xi32, #tpu.memory_space<vmem>>, vector<16xi32>,
    tpu.vector_store %arg6[%swap3A_445], %add3A_444 {strides = array<i32>} : memref<512xi32, #tpu.memory_space<vmem>>, vector<16xi32>,
    %get3A_447 = arith.constant 2 : i32
    %get3A_448 = arith.constant 0 : i32
    %get3A_449 = arith.index_cast %get3A_447 : i32 to index
    %get3A_450 = arith.index_cast %get3A_448 : i32 to index
    %get3A_451 = arith.constant 0 : index
    %get3A_452 = tpu.vector_load %arg5[%get3A_449, %get3A_450, %get3A_451] {strides = array<i32>} : memref<4x2x128xi32, #tpu.memory_space<vmem>>, vector<16xi32>,
    %get3A_453 = arith.constant 2 : i32
    %get3A_454 = arith.constant 1 : i32
    %get3A_455 = arith.index_cast %get3A_453 : i32 to index
    %get3A_456 = arith.index_cast %get3A_454 : i32 to index
    %get3A_457 = arith.constant 0 : index
    %get3A_458 = tpu.vector_load %arg5[%get3A_455, %get3A_456, %get3A_457] {strides = array<i32>} : memref<4x2x128xi32, #tpu.memory_space<vmem>>, vector<16xi32>,
    %mul3A_459 = arith.constant 4096 : i32
    %mul3A_460 = vector.broadcast %mul3A_459 : i32 to vector<16xi32>
    %mul3A_461 = arith.muli %get3A_452, %mul3A_460 : vector<16xi32>
    %shift_right_arithmetic3A_462 = arith.constant 7 : i32
    %shift_right_arithmetic3A_463 = vector.broadcast %shift_right_arithmetic3A_462 : i32 to vector<16xi32>
    %shift_right_arithmetic3A_464 = arith.shrsi %get3A_458, %shift_right_arithmetic3A_463 : vector<16xi32>
    %mul3A_465 = arith.constant 1024 : i32
    %mul3A_466 = vector.broadcast %mul3A_465 : i32 to vector<16xi32>
    %mul3A_467 = arith.muli %shift_right_arithmetic3A_464, %mul3A_466 : vector<16xi32>
    %add3A_468 = arith.addi %mul3A_461, %mul3A_467 : vector<16xi32>
    %and3A_469 = arith.constant 127 : i32
    %and3A_470 = vector.broadcast %and3A_469 : i32 to vector<16xi32>
    %and3A_471 = arith.andi %get3A_458, %and3A_470 : vector<16xi32>
    %add3A_472 = arith.addi %add3A_468, %and3A_471 : vector<16xi32>
    %swap3A_473 = arith.constant 256 : index
    %swap3A_474 = tpu.vector_load %arg6[%swap3A_473] {strides = array<i32>} : memref<512xi32, #tpu.memory_space<vmem>>, vector<16xi32>,
    tpu.vector_store %arg6[%swap3A_473], %add3A_472 {strides = array<i32>} : memref<512xi32, #tpu.memory_space<vmem>>, vector<16xi32>,
    %get3A_475 = arith.constant 2 : i32
    %get3A_476 = arith.constant 0 : i32
    %get3A_477 = arith.index_cast %get3A_475 : i32 to index
    %get3A_478 = arith.index_cast %get3A_476 : i32 to index
    %get3A_479 = arith.constant 16 : index
    %get3A_480 = tpu.vector_load %arg5[%get3A_477, %get3A_478, %get3A_479] {strides = array<i32>} : memref<4x2x128xi32, #tpu.memory_space<vmem>>, vector<16xi32>,
    %get3A_481 = arith.constant 2 : i32
    %get3A_482 = arith.constant 1 : i32
    %get3A_483 = arith.index_cast %get3A_481 : i32 to index
    %get3A_484 = arith.index_cast %get3A_482 : i32 to index
    %get3A_485 = arith.constant 16 : index
    %get3A_486 = tpu.vector_load %arg5[%get3A_483, %get3A_484, %get3A_485] {strides = array<i32>} : memref<4x2x128xi32, #tpu.memory_space<vmem>>, vector<16xi32>,
    %mul3A_487 = arith.constant 4096 : i32
    %mul3A_488 = vector.broadcast %mul3A_487 : i32 to vector<16xi32>
    %mul3A_489 = arith.muli %get3A_480, %mul3A_488 : vector<16xi32>
    %shift_right_arithmetic3A_490 = arith.constant 7 : i32
    %shift_right_arithmetic3A_491 = vector.broadcast %shift_right_arithmetic3A_490 : i32 to vector<16xi32>
    %shift_right_arithmetic3A_492 = arith.shrsi %get3A_486, %shift_right_arithmetic3A_491 : vector<16xi32>
    %mul3A_493 = arith.constant 1024 : i32
    %mul3A_494 = vector.broadcast %mul3A_493 : i32 to vector<16xi32>
    %mul3A_495 = arith.muli %shift_right_arithmetic3A_492, %mul3A_494 : vector<16xi32>
    %add3A_496 = arith.addi %mul3A_489, %mul3A_495 : vector<16xi32>
    %and3A_497 = arith.constant 127 : i32
    %and3A_498 = vector.broadcast %and3A_497 : i32 to vector<16xi32>
    %and3A_499 = arith.andi %get3A_486, %and3A_498 : vector<16xi32>
    %add3A_500 = arith.addi %add3A_496, %and3A_499 : vector<16xi32>
    %swap3A_501 = arith.constant 272 : index
    %swap3A_502 = tpu.vector_load %arg6[%swap3A_501] {strides = array<i32>} : memref<512xi32, #tpu.memory_space<vmem>>, vector<16xi32>,
    tpu.vector_store %arg6[%swap3A_501], %add3A_500 {strides = array<i32>} : memref<512xi32, #tpu.memory_space<vmem>>, vector<16xi32>,
    %get3A_503 = arith.constant 2 : i32
    %get3A_504 = arith.constant 0 : i32
    %get3A_505 = arith.index_cast %get3A_503 : i32 to index
    %get3A_506 = arith.index_cast %get3A_504 : i32 to index
    %get3A_507 = arith.constant 32 : index
    %get3A_508 = tpu.vector_load %arg5[%get3A_505, %get3A_506, %get3A_507] {strides = array<i32>} : memref<4x2x128xi32, #tpu.memory_space<vmem>>, vector<16xi32>,
    %get3A_509 = arith.constant 2 : i32
    %get3A_510 = arith.constant 1 : i32
    %get3A_511 = arith.index_cast %get3A_509 : i32 to index
    %get3A_512 = arith.index_cast %get3A_510 : i32 to index
    %get3A_513 = arith.constant 32 : index
    %get3A_514 = tpu.vector_load %arg5[%get3A_511, %get3A_512, %get3A_513] {strides = array<i32>} : memref<4x2x128xi32, #tpu.memory_space<vmem>>, vector<16xi32>,
    %mul3A_515 = arith.constant 4096 : i32
    %mul3A_516 = vector.broadcast %mul3A_515 : i32 to vector<16xi32>
    %mul3A_517 = arith.muli %get3A_508, %mul3A_516 : vector<16xi32>
    %shift_right_arithmetic3A_518 = arith.constant 7 : i32
    %shift_right_arithmetic3A_519 = vector.broadcast %shift_right_arithmetic3A_518 : i32 to vector<16xi32>
    %shift_right_arithmetic3A_520 = arith.shrsi %get3A_514, %shift_right_arithmetic3A_519 : vector<16xi32>
    %mul3A_521 = arith.constant 1024 : i32
    %mul3A_522 = vector.broadcast %mul3A_521 : i32 to vector<16xi32>
    %mul3A_523 = arith.muli %shift_right_arithmetic3A_520, %mul3A_522 : vector<16xi32>
    %add3A_524 = arith.addi %mul3A_517, %mul3A_523 : vector<16xi32>
    %and3A_525 = arith.constant 127 : i32
    %and3A_526 = vector.broadcast %and3A_525 : i32 to vector<16xi32>
    %and3A_527 = arith.andi %get3A_514, %and3A_526 : vector<16xi32>
    %add3A_528 = arith.addi %add3A_524, %and3A_527 : vector<16xi32>
    %swap3A_529 = arith.constant 288 : index
    %swap3A_530 = tpu.vector_load %arg6[%swap3A_529] {strides = array<i32>} : memref<512xi32, #tpu.memory_space<vmem>>, vector<16xi32>,
    tpu.vector_store %arg6[%swap3A_529], %add3A_528 {strides = array<i32>} : memref<512xi32, #tpu.memory_space<vmem>>, vector<16xi32>,
    %get3A_531 = arith.constant 2 : i32
    %get3A_532 = arith.constant 0 : i32
    %get3A_533 = arith.index_cast %get3A_531 : i32 to index
    %get3A_534 = arith.index_cast %get3A_532 : i32 to index
    %get3A_535 = arith.constant 48 : index
    %get3A_536 = tpu.vector_load %arg5[%get3A_533, %get3A_534, %get3A_535] {strides = array<i32>} : memref<4x2x128xi32, #tpu.memory_space<vmem>>, vector<16xi32>,
    %get3A_537 = arith.constant 2 : i32
    %get3A_538 = arith.constant 1 : i32
    %get3A_539 = arith.index_cast %get3A_537 : i32 to index
    %get3A_540 = arith.index_cast %get3A_538 : i32 to index
    %get3A_541 = arith.constant 48 : index
    %get3A_542 = tpu.vector_load %arg5[%get3A_539, %get3A_540, %get3A_541] {strides = array<i32>} : memref<4x2x128xi32, #tpu.memory_space<vmem>>, vector<16xi32>,
    %mul3A_543 = arith.constant 4096 : i32
    %mul3A_544 = vector.broadcast %mul3A_543 : i32 to vector<16xi32>
    %mul3A_545 = arith.muli %get3A_536, %mul3A_544 : vector<16xi32>
    %shift_right_arithmetic3A_546 = arith.constant 7 : i32
    %shift_right_arithmetic3A_547 = vector.broadcast %shift_right_arithmetic3A_546 : i32 to vector<16xi32>
    %shift_right_arithmetic3A_548 = arith.shrsi %get3A_542, %shift_right_arithmetic3A_547 : vector<16xi32>
    %mul3A_549 = arith.constant 1024 : i32
    %mul3A_550 = vector.broadcast %mul3A_549 : i32 to vector<16xi32>
    %mul3A_551 = arith.muli %shift_right_arithmetic3A_548, %mul3A_550 : vector<16xi32>
    %add3A_552 = arith.addi %mul3A_545, %mul3A_551 : vector<16xi32>
    %and3A_553 = arith.constant 127 : i32
    %and3A_554 = vector.broadcast %and3A_553 : i32 to vector<16xi32>
    %and3A_555 = arith.andi %get3A_542, %and3A_554 : vector<16xi32>
    %add3A_556 = arith.addi %add3A_552, %and3A_555 : vector<16xi32>
    %swap3A_557 = arith.constant 304 : index
    %swap3A_558 = tpu.vector_load %arg6[%swap3A_557] {strides = array<i32>} : memref<512xi32, #tpu.memory_space<vmem>>, vector<16xi32>,
    tpu.vector_store %arg6[%swap3A_557], %add3A_556 {strides = array<i32>} : memref<512xi32, #tpu.memory_space<vmem>>, vector<16xi32>,
    %get3A_559 = arith.constant 2 : i32
    %get3A_560 = arith.constant 0 : i32
    %get3A_561 = arith.index_cast %get3A_559 : i32 to index
    %get3A_562 = arith.index_cast %get3A_560 : i32 to index
    %get3A_563 = arith.constant 64 : index
    %get3A_564 = tpu.vector_load %arg5[%get3A_561, %get3A_562, %get3A_563] {strides = array<i32>} : memref<4x2x128xi32, #tpu.memory_space<vmem>>, vector<16xi32>,
    %get3A_565 = arith.constant 2 : i32
    %get3A_566 = arith.constant 1 : i32
    %get3A_567 = arith.index_cast %get3A_565 : i32 to index
    %get3A_568 = arith.index_cast %get3A_566 : i32 to index
    %get3A_569 = arith.constant 64 : index
    %get3A_570 = tpu.vector_load %arg5[%get3A_567, %get3A_568, %get3A_569] {strides = array<i32>} : memref<4x2x128xi32, #tpu.memory_space<vmem>>, vector<16xi32>,
    %mul3A_571 = arith.constant 4096 : i32
    %mul3A_572 = vector.broadcast %mul3A_571 : i32 to vector<16xi32>
    %mul3A_573 = arith.muli %get3A_564, %mul3A_572 : vector<16xi32>
    %shift_right_arithmetic3A_574 = arith.constant 7 : i32
    %shift_right_arithmetic3A_575 = vector.broadcast %shift_right_arithmetic3A_574 : i32 to vector<16xi32>
    %shift_right_arithmetic3A_576 = arith.shrsi %get3A_570, %shift_right_arithmetic3A_575 : vector<16xi32>
    %mul3A_577 = arith.constant 1024 : i32
    %mul3A_578 = vector.broadcast %mul3A_577 : i32 to vector<16xi32>
    %mul3A_579 = arith.muli %shift_right_arithmetic3A_576, %mul3A_578 : vector<16xi32>
    %add3A_580 = arith.addi %mul3A_573, %mul3A_579 : vector<16xi32>
    %and3A_581 = arith.constant 127 : i32
    %and3A_582 = vector.broadcast %and3A_581 : i32 to vector<16xi32>
    %and3A_583 = arith.andi %get3A_570, %and3A_582 : vector<16xi32>
    %add3A_584 = arith.addi %add3A_580, %and3A_583 : vector<16xi32>
    %swap3A_585 = arith.constant 320 : index
    %swap3A_586 = tpu.vector_load %arg6[%swap3A_585] {strides = array<i32>} : memref<512xi32, #tpu.memory_space<vmem>>, vector<16xi32>,
    tpu.vector_store %arg6[%swap3A_585], %add3A_584 {strides = array<i32>} : memref<512xi32, #tpu.memory_space<vmem>>, vector<16xi32>,
    %get3A_587 = arith.constant 2 : i32
    %get3A_588 = arith.constant 0 : i32
    %get3A_589 = arith.index_cast %get3A_587 : i32 to index
    %get3A_590 = arith.index_cast %get3A_588 : i32 to index
    %get3A_591 = arith.constant 80 : index
    %get3A_592 = tpu.vector_load %arg5[%get3A_589, %get3A_590, %get3A_591] {strides = array<i32>} : memref<4x2x128xi32, #tpu.memory_space<vmem>>, vector<16xi32>,
    %get3A_593 = arith.constant 2 : i32
    %get3A_594 = arith.constant 1 : i32
    %get3A_595 = arith.index_cast %get3A_593 : i32 to index
    %get3A_596 = arith.index_cast %get3A_594 : i32 to index
    %get3A_597 = arith.constant 80 : index
    %get3A_598 = tpu.vector_load %arg5[%get3A_595, %get3A_596, %get3A_597] {strides = array<i32>} : memref<4x2x128xi32, #tpu.memory_space<vmem>>, vector<16xi32>,
    %mul3A_599 = arith.constant 4096 : i32
    %mul3A_600 = vector.broadcast %mul3A_599 : i32 to vector<16xi32>
    %mul3A_601 = arith.muli %get3A_592, %mul3A_600 : vector<16xi32>
    %shift_right_arithmetic3A_602 = arith.constant 7 : i32
    %shift_right_arithmetic3A_603 = vector.broadcast %shift_right_arithmetic3A_602 : i32 to vector<16xi32>
    %shift_right_arithmetic3A_604 = arith.shrsi %get3A_598, %shift_right_arithmetic3A_603 : vector<16xi32>
    %mul3A_605 = arith.constant 1024 : i32
    %mul3A_606 = vector.broadcast %mul3A_605 : i32 to vector<16xi32>
    %mul3A_607 = arith.muli %shift_right_arithmetic3A_604, %mul3A_606 : vector<16xi32>
    %add3A_608 = arith.addi %mul3A_601, %mul3A_607 : vector<16xi32>
    %and3A_609 = arith.constant 127 : i32
    %and3A_610 = vector.broadcast %and3A_609 : i32 to vector<16xi32>
    %and3A_611 = arith.andi %get3A_598, %and3A_610 : vector<16xi32>
    %add3A_612 = arith.addi %add3A_608, %and3A_611 : vector<16xi32>
    %swap3A_613 = arith.constant 336 : index
    %swap3A_614 = tpu.vector_load %arg6[%swap3A_613] {strides = array<i32>} : memref<512xi32, #tpu.memory_space<vmem>>, vector<16xi32>,
    tpu.vector_store %arg6[%swap3A_613], %add3A_612 {strides = array<i32>} : memref<512xi32, #tpu.memory_space<vmem>>, vector<16xi32>,
    %get3A_615 = arith.constant 2 : i32
    %get3A_616 = arith.constant 0 : i32
    %get3A_617 = arith.index_cast %get3A_615 : i32 to index
    %get3A_618 = arith.index_cast %get3A_616 : i32 to index
    %get3A_619 = arith.constant 96 : index
    %get3A_620 = tpu.vector_load %arg5[%get3A_617, %get3A_618, %get3A_619] {strides = array<i32>} : memref<4x2x128xi32, #tpu.memory_space<vmem>>, vector<16xi32>,
    %get3A_621 = arith.constant 2 : i32
    %get3A_622 = arith.constant 1 : i32
    %get3A_623 = arith.index_cast %get3A_621 : i32 to index
    %get3A_624 = arith.index_cast %get3A_622 : i32 to index
    %get3A_625 = arith.constant 96 : index
    %get3A_626 = tpu.vector_load %arg5[%get3A_623, %get3A_624, %get3A_625] {strides = array<i32>} : memref<4x2x128xi32, #tpu.memory_space<vmem>>, vector<16xi32>,
    %mul3A_627 = arith.constant 4096 : i32
    %mul3A_628 = vector.broadcast %mul3A_627 : i32 to vector<16xi32>
    %mul3A_629 = arith.muli %get3A_620, %mul3A_628 : vector<16xi32>
    %shift_right_arithmetic3A_630 = arith.constant 7 : i32
    %shift_right_arithmetic3A_631 = vector.broadcast %shift_right_arithmetic3A_630 : i32 to vector<16xi32>
    %shift_right_arithmetic3A_632 = arith.shrsi %get3A_626, %shift_right_arithmetic3A_631 : vector<16xi32>
    %mul3A_633 = arith.constant 1024 : i32
    %mul3A_634 = vector.broadcast %mul3A_633 : i32 to vector<16xi32>
    %mul3A_635 = arith.muli %shift_right_arithmetic3A_632, %mul3A_634 : vector<16xi32>
    %add3A_636 = arith.addi %mul3A_629, %mul3A_635 : vector<16xi32>
    %and3A_637 = arith.constant 127 : i32
    %and3A_638 = vector.broadcast %and3A_637 : i32 to vector<16xi32>
    %and3A_639 = arith.andi %get3A_626, %and3A_638 : vector<16xi32>
    %add3A_640 = arith.addi %add3A_636, %and3A_639 : vector<16xi32>
    %swap3A_641 = arith.constant 352 : index
    %swap3A_642 = tpu.vector_load %arg6[%swap3A_641] {strides = array<i32>} : memref<512xi32, #tpu.memory_space<vmem>>, vector<16xi32>,
    tpu.vector_store %arg6[%swap3A_641], %add3A_640 {strides = array<i32>} : memref<512xi32, #tpu.memory_space<vmem>>, vector<16xi32>,
    %get3A_643 = arith.constant 2 : i32
    %get3A_644 = arith.constant 0 : i32
    %get3A_645 = arith.index_cast %get3A_643 : i32 to index
    %get3A_646 = arith.index_cast %get3A_644 : i32 to index
    %get3A_647 = arith.constant 112 : index
    %get3A_648 = tpu.vector_load %arg5[%get3A_645, %get3A_646, %get3A_647] {strides = array<i32>} : memref<4x2x128xi32, #tpu.memory_space<vmem>>, vector<16xi32>,
    %get3A_649 = arith.constant 2 : i32
    %get3A_650 = arith.constant 1 : i32
    %get3A_651 = arith.index_cast %get3A_649 : i32 to index
    %get3A_652 = arith.index_cast %get3A_650 : i32 to index
    %get3A_653 = arith.constant 112 : index
    %get3A_654 = tpu.vector_load %arg5[%get3A_651, %get3A_652, %get3A_653] {strides = array<i32>} : memref<4x2x128xi32, #tpu.memory_space<vmem>>, vector<16xi32>,
    %mul3A_655 = arith.constant 4096 : i32
    %mul3A_656 = vector.broadcast %mul3A_655 : i32 to vector<16xi32>
    %mul3A_657 = arith.muli %get3A_648, %mul3A_656 : vector<16xi32>
    %shift_right_arithmetic3A_658 = arith.constant 7 : i32
    %shift_right_arithmetic3A_659 = vector.broadcast %shift_right_arithmetic3A_658 : i32 to vector<16xi32>
    %shift_right_arithmetic3A_660 = arith.shrsi %get3A_654, %shift_right_arithmetic3A_659 : vector<16xi32>
    %mul3A_661 = arith.constant 1024 : i32
    %mul3A_662 = vector.broadcast %mul3A_661 : i32 to vector<16xi32>
    %mul3A_663 = arith.muli %shift_right_arithmetic3A_660, %mul3A_662 : vector<16xi32>
    %add3A_664 = arith.addi %mul3A_657, %mul3A_663 : vector<16xi32>
    %and3A_665 = arith.constant 127 : i32
    %and3A_666 = vector.broadcast %and3A_665 : i32 to vector<16xi32>
    %and3A_667 = arith.andi %get3A_654, %and3A_666 : vector<16xi32>
    %add3A_668 = arith.addi %add3A_664, %and3A_667 : vector<16xi32>
    %swap3A_669 = arith.constant 368 : index
    %swap3A_670 = tpu.vector_load %arg6[%swap3A_669] {strides = array<i32>} : memref<512xi32, #tpu.memory_space<vmem>>, vector<16xi32>,
    tpu.vector_store %arg6[%swap3A_669], %add3A_668 {strides = array<i32>} : memref<512xi32, #tpu.memory_space<vmem>>, vector<16xi32>,
    %get3A_671 = arith.constant 3 : i32
    %get3A_672 = arith.constant 0 : i32
    %get3A_673 = arith.index_cast %get3A_671 : i32 to index
    %get3A_674 = arith.index_cast %get3A_672 : i32 to index
    %get3A_675 = arith.constant 0 : index
    %get3A_676 = tpu.vector_load %arg5[%get3A_673, %get3A_674, %get3A_675] {strides = array<i32>} : memref<4x2x128xi32, #tpu.memory_space<vmem>>, vector<16xi32>,
    %get3A_677 = arith.constant 3 : i32
    %get3A_678 = arith.constant 1 : i32
    %get3A_679 = arith.index_cast %get3A_677 : i32 to index
    %get3A_680 = arith.index_cast %get3A_678 : i32 to index
    %get3A_681 = arith.constant 0 : index
    %get3A_682 = tpu.vector_load %arg5[%get3A_679, %get3A_680, %get3A_681] {strides = array<i32>} : memref<4x2x128xi32, #tpu.memory_space<vmem>>, vector<16xi32>,
    %mul3A_683 = arith.constant 4096 : i32
    %mul3A_684 = vector.broadcast %mul3A_683 : i32 to vector<16xi32>
    %mul3A_685 = arith.muli %get3A_676, %mul3A_684 : vector<16xi32>
    %shift_right_arithmetic3A_686 = arith.constant 7 : i32
    %shift_right_arithmetic3A_687 = vector.broadcast %shift_right_arithmetic3A_686 : i32 to vector<16xi32>
    %shift_right_arithmetic3A_688 = arith.shrsi %get3A_682, %shift_right_arithmetic3A_687 : vector<16xi32>
    %mul3A_689 = arith.constant 1024 : i32
    %mul3A_690 = vector.broadcast %mul3A_689 : i32 to vector<16xi32>
    %mul3A_691 = arith.muli %shift_right_arithmetic3A_688, %mul3A_690 : vector<16xi32>
    %add3A_692 = arith.addi %mul3A_685, %mul3A_691 : vector<16xi32>
    %and3A_693 = arith.constant 127 : i32
    %and3A_694 = vector.broadcast %and3A_693 : i32 to vector<16xi32>
    %and3A_695 = arith.andi %get3A_682, %and3A_694 : vector<16xi32>
    %add3A_696 = arith.addi %add3A_692, %and3A_695 : vector<16xi32>
    %swap3A_697 = arith.constant 384 : index
    %swap3A_698 = tpu.vector_load %arg6[%swap3A_697] {strides = array<i32>} : memref<512xi32, #tpu.memory_space<vmem>>, vector<16xi32>,
    tpu.vector_store %arg6[%swap3A_697], %add3A_696 {strides = array<i32>} : memref<512xi32, #tpu.memory_space<vmem>>, vector<16xi32>,
    %get3A_699 = arith.constant 3 : i32
    %get3A_700 = arith.constant 0 : i32
    %get3A_701 = arith.index_cast %get3A_699 : i32 to index
    %get3A_702 = arith.index_cast %get3A_700 : i32 to index
    %get3A_703 = arith.constant 16 : index
    %get3A_704 = tpu.vector_load %arg5[%get3A_701, %get3A_702, %get3A_703] {strides = array<i32>} : memref<4x2x128xi32, #tpu.memory_space<vmem>>, vector<16xi32>,
    %get3A_705 = arith.constant 3 : i32
    %get3A_706 = arith.constant 1 : i32
    %get3A_707 = arith.index_cast %get3A_705 : i32 to index
    %get3A_708 = arith.index_cast %get3A_706 : i32 to index
    %get3A_709 = arith.constant 16 : index
    %get3A_710 = tpu.vector_load %arg5[%get3A_707, %get3A_708, %get3A_709] {strides = array<i32>} : memref<4x2x128xi32, #tpu.memory_space<vmem>>, vector<16xi32>,
    %mul3A_711 = arith.constant 4096 : i32
    %mul3A_712 = vector.broadcast %mul3A_711 : i32 to vector<16xi32>
    %mul3A_713 = arith.muli %get3A_704, %mul3A_712 : vector<16xi32>
    %shift_right_arithmetic3A_714 = arith.constant 7 : i32
    %shift_right_arithmetic3A_715 = vector.broadcast %shift_right_arithmetic3A_714 : i32 to vector<16xi32>
    %shift_right_arithmetic3A_716 = arith.shrsi %get3A_710, %shift_right_arithmetic3A_715 : vector<16xi32>
    %mul3A_717 = arith.constant 1024 : i32
    %mul3A_718 = vector.broadcast %mul3A_717 : i32 to vector<16xi32>
    %mul3A_719 = arith.muli %shift_right_arithmetic3A_716, %mul3A_718 : vector<16xi32>
    %add3A_720 = arith.addi %mul3A_713, %mul3A_719 : vector<16xi32>
    %and3A_721 = arith.constant 127 : i32
    %and3A_722 = vector.broadcast %and3A_721 : i32 to vector<16xi32>
    %and3A_723 = arith.andi %get3A_710, %and3A_722 : vector<16xi32>
    %add3A_724 = arith.addi %add3A_720, %and3A_723 : vector<16xi32>
    %swap3A_725 = arith.constant 400 : index
    %swap3A_726 = tpu.vector_load %arg6[%swap3A_725] {strides = array<i32>} : memref<512xi32, #tpu.memory_space<vmem>>, vector<16xi32>,
    tpu.vector_store %arg6[%swap3A_725], %add3A_724 {strides = array<i32>} : memref<512xi32, #tpu.memory_space<vmem>>, vector<16xi32>,
    %get3A_727 = arith.constant 3 : i32
    %get3A_728 = arith.constant 0 : i32
    %get3A_729 = arith.index_cast %get3A_727 : i32 to index
    %get3A_730 = arith.index_cast %get3A_728 : i32 to index
    %get3A_731 = arith.constant 32 : index
    %get3A_732 = tpu.vector_load %arg5[%get3A_729, %get3A_730, %get3A_731] {strides = array<i32>} : memref<4x2x128xi32, #tpu.memory_space<vmem>>, vector<16xi32>,
    %get3A_733 = arith.constant 3 : i32
    %get3A_734 = arith.constant 1 : i32
    %get3A_735 = arith.index_cast %get3A_733 : i32 to index
    %get3A_736 = arith.index_cast %get3A_734 : i32 to index
    %get3A_737 = arith.constant 32 : index
    %get3A_738 = tpu.vector_load %arg5[%get3A_735, %get3A_736, %get3A_737] {strides = array<i32>} : memref<4x2x128xi32, #tpu.memory_space<vmem>>, vector<16xi32>,
    %mul3A_739 = arith.constant 4096 : i32
    %mul3A_740 = vector.broadcast %mul3A_739 : i32 to vector<16xi32>
    %mul3A_741 = arith.muli %get3A_732, %mul3A_740 : vector<16xi32>
    %shift_right_arithmetic3A_742 = arith.constant 7 : i32
    %shift_right_arithmetic3A_743 = vector.broadcast %shift_right_arithmetic3A_742 : i32 to vector<16xi32>
    %shift_right_arithmetic3A_744 = arith.shrsi %get3A_738, %shift_right_arithmetic3A_743 : vector<16xi32>
    %mul3A_745 = arith.constant 1024 : i32
    %mul3A_746 = vector.broadcast %mul3A_745 : i32 to vector<16xi32>
    %mul3A_747 = arith.muli %shift_right_arithmetic3A_744, %mul3A_746 : vector<16xi32>
    %add3A_748 = arith.addi %mul3A_741, %mul3A_747 : vector<16xi32>
    %and3A_749 = arith.constant 127 : i32
    %and3A_750 = vector.broadcast %and3A_749 : i32 to vector<16xi32>
    %and3A_751 = arith.andi %get3A_738, %and3A_750 : vector<16xi32>
    %add3A_752 = arith.addi %add3A_748, %and3A_751 : vector<16xi32>
    %swap3A_753 = arith.constant 416 : index
    %swap3A_754 = tpu.vector_load %arg6[%swap3A_753] {strides = array<i32>} : memref<512xi32, #tpu.memory_space<vmem>>, vector<16xi32>,
    tpu.vector_store %arg6[%swap3A_753], %add3A_752 {strides = array<i32>} : memref<512xi32, #tpu.memory_space<vmem>>, vector<16xi32>,
    %get3A_755 = arith.constant 3 : i32
    %get3A_756 = arith.constant 0 : i32
    %get3A_757 = arith.index_cast %get3A_755 : i32 to index
    %get3A_758 = arith.index_cast %get3A_756 : i32 to index
    %get3A_759 = arith.constant 48 : index
    %get3A_760 = tpu.vector_load %arg5[%get3A_757, %get3A_758, %get3A_759] {strides = array<i32>} : memref<4x2x128xi32, #tpu.memory_space<vmem>>, vector<16xi32>,
    %get3A_761 = arith.constant 3 : i32
    %get3A_762 = arith.constant 1 : i32
    %get3A_763 = arith.index_cast %get3A_761 : i32 to index
    %get3A_764 = arith.index_cast %get3A_762 : i32 to index
    %get3A_765 = arith.constant 48 : index
    %get3A_766 = tpu.vector_load %arg5[%get3A_763, %get3A_764, %get3A_765] {strides = array<i32>} : memref<4x2x128xi32, #tpu.memory_space<vmem>>, vector<16xi32>,
    %mul3A_767 = arith.constant 4096 : i32
    %mul3A_768 = vector.broadcast %mul3A_767 : i32 to vector<16xi32>
    %mul3A_769 = arith.muli %get3A_760, %mul3A_768 : vector<16xi32>
    %shift_right_arithmetic3A_770 = arith.constant 7 : i32
    %shift_right_arithmetic3A_771 = vector.broadcast %shift_right_arithmetic3A_770 : i32 to vector<16xi32>
    %shift_right_arithmetic3A_772 = arith.shrsi %get3A_766, %shift_right_arithmetic3A_771 : vector<16xi32>
    %mul3A_773 = arith.constant 1024 : i32
    %mul3A_774 = vector.broadcast %mul3A_773 : i32 to vector<16xi32>
    %mul3A_775 = arith.muli %shift_right_arithmetic3A_772, %mul3A_774 : vector<16xi32>
    %add3A_776 = arith.addi %mul3A_769, %mul3A_775 : vector<16xi32>
    %and3A_777 = arith.constant 127 : i32
    %and3A_778 = vector.broadcast %and3A_777 : i32 to vector<16xi32>
    %and3A_779 = arith.andi %get3A_766, %and3A_778 : vector<16xi32>
    %add3A_780 = arith.addi %add3A_776, %and3A_779 : vector<16xi32>
    %swap3A_781 = arith.constant 432 : index
    %swap3A_782 = tpu.vector_load %arg6[%swap3A_781] {strides = array<i32>} : memref<512xi32, #tpu.memory_space<vmem>>, vector<16xi32>,
    tpu.vector_store %arg6[%swap3A_781], %add3A_780 {strides = array<i32>} : memref<512xi32, #tpu.memory_space<vmem>>, vector<16xi32>,
    %get3A_783 = arith.constant 3 : i32
    %get3A_784 = arith.constant 0 : i32
    %get3A_785 = arith.index_cast %get3A_783 : i32 to index
    %get3A_786 = arith.index_cast %get3A_784 : i32 to index
    %get3A_787 = arith.constant 64 : index
    %get3A_788 = tpu.vector_load %arg5[%get3A_785, %get3A_786, %get3A_787] {strides = array<i32>} : memref<4x2x128xi32, #tpu.memory_space<vmem>>, vector<16xi32>,
    %get3A_789 = arith.constant 3 : i32
    %get3A_790 = arith.constant 1 : i32
    %get3A_791 = arith.index_cast %get3A_789 : i32 to index
    %get3A_792 = arith.index_cast %get3A_790 : i32 to index
    %get3A_793 = arith.constant 64 : index
    %get3A_794 = tpu.vector_load %arg5[%get3A_791, %get3A_792, %get3A_793] {strides = array<i32>} : memref<4x2x128xi32, #tpu.memory_space<vmem>>, vector<16xi32>,
    %mul3A_795 = arith.constant 4096 : i32
    %mul3A_796 = vector.broadcast %mul3A_795 : i32 to vector<16xi32>
    %mul3A_797 = arith.muli %get3A_788, %mul3A_796 : vector<16xi32>
    %shift_right_arithmetic3A_798 = arith.constant 7 : i32
    %shift_right_arithmetic3A_799 = vector.broadcast %shift_right_arithmetic3A_798 : i32 to vector<16xi32>
    %shift_right_arithmetic3A_800 = arith.shrsi %get3A_794, %shift_right_arithmetic3A_799 : vector<16xi32>
    %mul3A_801 = arith.constant 1024 : i32
    %mul3A_802 = vector.broadcast %mul3A_801 : i32 to vector<16xi32>
    %mul3A_803 = arith.muli %shift_right_arithmetic3A_800, %mul3A_802 : vector<16xi32>
    %add3A_804 = arith.addi %mul3A_797, %mul3A_803 : vector<16xi32>
    %and3A_805 = arith.constant 127 : i32
    %and3A_806 = vector.broadcast %and3A_805 : i32 to vector<16xi32>
    %and3A_807 = arith.andi %get3A_794, %and3A_806 : vector<16xi32>
    %add3A_808 = arith.addi %add3A_804, %and3A_807 : vector<16xi32>
    %swap3A_809 = arith.constant 448 : index
    %swap3A_810 = tpu.vector_load %arg6[%swap3A_809] {strides = array<i32>} : memref<512xi32, #tpu.memory_space<vmem>>, vector<16xi32>,
    tpu.vector_store %arg6[%swap3A_809], %add3A_808 {strides = array<i32>} : memref<512xi32, #tpu.memory_space<vmem>>, vector<16xi32>,
    %get3A_811 = arith.constant 3 : i32
    %get3A_812 = arith.constant 0 : i32
    %get3A_813 = arith.index_cast %get3A_811 : i32 to index
    %get3A_814 = arith.index_cast %get3A_812 : i32 to index
    %get3A_815 = arith.constant 80 : index
    %get3A_816 = tpu.vector_load %arg5[%get3A_813, %get3A_814, %get3A_815] {strides = array<i32>} : memref<4x2x128xi32, #tpu.memory_space<vmem>>, vector<16xi32>,
    %get3A_817 = arith.constant 3 : i32
    %get3A_818 = arith.constant 1 : i32
    %get3A_819 = arith.index_cast %get3A_817 : i32 to index
    %get3A_820 = arith.index_cast %get3A_818 : i32 to index
    %get3A_821 = arith.constant 80 : index
    %get3A_822 = tpu.vector_load %arg5[%get3A_819, %get3A_820, %get3A_821] {strides = array<i32>} : memref<4x2x128xi32, #tpu.memory_space<vmem>>, vector<16xi32>,
    %mul3A_823 = arith.constant 4096 : i32
    %mul3A_824 = vector.broadcast %mul3A_823 : i32 to vector<16xi32>
    %mul3A_825 = arith.muli %get3A_816, %mul3A_824 : vector<16xi32>
    %shift_right_arithmetic3A_826 = arith.constant 7 : i32
    %shift_right_arithmetic3A_827 = vector.broadcast %shift_right_arithmetic3A_826 : i32 to vector<16xi32>
    %shift_right_arithmetic3A_828 = arith.shrsi %get3A_822, %shift_right_arithmetic3A_827 : vector<16xi32>
    %mul3A_829 = arith.constant 1024 : i32
    %mul3A_830 = vector.broadcast %mul3A_829 : i32 to vector<16xi32>
    %mul3A_831 = arith.muli %shift_right_arithmetic3A_828, %mul3A_830 : vector<16xi32>
    %add3A_832 = arith.addi %mul3A_825, %mul3A_831 : vector<16xi32>
    %and3A_833 = arith.constant 127 : i32
    %and3A_834 = vector.broadcast %and3A_833 : i32 to vector<16xi32>
    %and3A_835 = arith.andi %get3A_822, %and3A_834 : vector<16xi32>
    %add3A_836 = arith.addi %add3A_832, %and3A_835 : vector<16xi32>
    %swap3A_837 = arith.constant 464 : index
    %swap3A_838 = tpu.vector_load %arg6[%swap3A_837] {strides = array<i32>} : memref<512xi32, #tpu.memory_space<vmem>>, vector<16xi32>,
    tpu.vector_store %arg6[%swap3A_837], %add3A_836 {strides = array<i32>} : memref<512xi32, #tpu.memory_space<vmem>>, vector<16xi32>,
    %get3A_839 = arith.constant 3 : i32
    %get3A_840 = arith.constant 0 : i32
    %get3A_841 = arith.index_cast %get3A_839 : i32 to index
    %get3A_842 = arith.index_cast %get3A_840 : i32 to index
    %get3A_843 = arith.constant 96 : index
    %get3A_844 = tpu.vector_load %arg5[%get3A_841, %get3A_842, %get3A_843] {strides = array<i32>} : memref<4x2x128xi32, #tpu.memory_space<vmem>>, vector<16xi32>,
    %get3A_845 = arith.constant 3 : i32
    %get3A_846 = arith.constant 1 : i32
    %get3A_847 = arith.index_cast %get3A_845 : i32 to index
    %get3A_848 = arith.index_cast %get3A_846 : i32 to index
    %get3A_849 = arith.constant 96 : index
    %get3A_850 = tpu.vector_load %arg5[%get3A_847, %get3A_848, %get3A_849] {strides = array<i32>} : memref<4x2x128xi32, #tpu.memory_space<vmem>>, vector<16xi32>,
    %mul3A_851 = arith.constant 4096 : i32
    %mul3A_852 = vector.broadcast %mul3A_851 : i32 to vector<16xi32>
    %mul3A_853 = arith.muli %get3A_844, %mul3A_852 : vector<16xi32>
    %shift_right_arithmetic3A_854 = arith.constant 7 : i32
    %shift_right_arithmetic3A_855 = vector.broadcast %shift_right_arithmetic3A_854 : i32 to vector<16xi32>
    %shift_right_arithmetic3A_856 = arith.shrsi %get3A_850, %shift_right_arithmetic3A_855 : vector<16xi32>
    %mul3A_857 = arith.constant 1024 : i32
    %mul3A_858 = vector.broadcast %mul3A_857 : i32 to vector<16xi32>
    %mul3A_859 = arith.muli %shift_right_arithmetic3A_856, %mul3A_858 : vector<16xi32>
    %add3A_860 = arith.addi %mul3A_853, %mul3A_859 : vector<16xi32>
    %and3A_861 = arith.constant 127 : i32
    %and3A_862 = vector.broadcast %and3A_861 : i32 to vector<16xi32>
    %and3A_863 = arith.andi %get3A_850, %and3A_862 : vector<16xi32>
    %add3A_864 = arith.addi %add3A_860, %and3A_863 : vector<16xi32>
    %swap3A_865 = arith.constant 480 : index
    %swap3A_866 = tpu.vector_load %arg6[%swap3A_865] {strides = array<i32>} : memref<512xi32, #tpu.memory_space<vmem>>, vector<16xi32>,
    tpu.vector_store %arg6[%swap3A_865], %add3A_864 {strides = array<i32>} : memref<512xi32, #tpu.memory_space<vmem>>, vector<16xi32>,
    %get3A_867 = arith.constant 3 : i32
    %get3A_868 = arith.constant 0 : i32
    %get3A_869 = arith.index_cast %get3A_867 : i32 to index
    %get3A_870 = arith.index_cast %get3A_868 : i32 to index
    %get3A_871 = arith.constant 112 : index
    %get3A_872 = tpu.vector_load %arg5[%get3A_869, %get3A_870, %get3A_871] {strides = array<i32>} : memref<4x2x128xi32, #tpu.memory_space<vmem>>, vector<16xi32>,
    %get3A_873 = arith.constant 3 : i32
    %get3A_874 = arith.constant 1 : i32
    %get3A_875 = arith.index_cast %get3A_873 : i32 to index
    %get3A_876 = arith.index_cast %get3A_874 : i32 to index
    %get3A_877 = arith.constant 112 : index
    %get3A_878 = tpu.vector_load %arg5[%get3A_875, %get3A_876, %get3A_877] {strides = array<i32>} : memref<4x2x128xi32, #tpu.memory_space<vmem>>, vector<16xi32>,
    %mul3A_879 = arith.constant 4096 : i32
    %mul3A_880 = vector.broadcast %mul3A_879 : i32 to vector<16xi32>
    %mul3A_881 = arith.muli %get3A_872, %mul3A_880 : vector<16xi32>
    %shift_right_arithmetic3A_882 = arith.constant 7 : i32
    %shift_right_arithmetic3A_883 = vector.broadcast %shift_right_arithmetic3A_882 : i32 to vector<16xi32>
    %shift_right_arithmetic3A_884 = arith.shrsi %get3A_878, %shift_right_arithmetic3A_883 : vector<16xi32>
    %mul3A_885 = arith.constant 1024 : i32
    %mul3A_886 = vector.broadcast %mul3A_885 : i32 to vector<16xi32>
    %mul3A_887 = arith.muli %shift_right_arithmetic3A_884, %mul3A_886 : vector<16xi32>
    %add3A_888 = arith.addi %mul3A_881, %mul3A_887 : vector<16xi32>
    %and3A_889 = arith.constant 127 : i32
    %and3A_890 = vector.broadcast %and3A_889 : i32 to vector<16xi32>
    %and3A_891 = arith.andi %get3A_878, %and3A_890 : vector<16xi32>
    %add3A_892 = arith.addi %add3A_888, %and3A_891 : vector<16xi32>
    %swap3A_893 = arith.constant 496 : index
    %swap3A_894 = tpu.vector_load %arg6[%swap3A_893] {strides = array<i32>} : memref<512xi32, #tpu.memory_space<vmem>>, vector<16xi32>,
    tpu.vector_store %arg6[%swap3A_893], %add3A_892 {strides = array<i32>} : memref<512xi32, #tpu.memory_space<vmem>>, vector<16xi32>,
    %scan3A = arith.constant 0 : i32
    %scan3A_895 = arith.constant 0 : i32
    %scan3A_896 = arith.constant 64 : i32
    %scan3A_897 = arith.addi %scan3A_895, %scan3A_896 : i32
    %scan3A_898 = arith.constant 1 : i32
    scf.for %scan3A_1474 = %scan3A_895 to %scan3A_897 step %scan3A_898  : i32 {
      %jit3A = arith.constant 32 : i32
      %div3A = arith.divsi %scan3A_1474, %jit3A : i32
      %sign3A = arith.constant 0 : i32
      %sign3A_1475 = arith.cmpi sgt, %scan3A_1474, %sign3A : i32
      %sign3A_1476 = arith.extui %sign3A_1475 : i1 to i32
      %sign3A_1477 = arith.constant 0 : i32
      %sign3A_1478 = arith.cmpi slt, %scan3A_1474, %sign3A_1477 : i32
      %sign3A_1479 = arith.extui %sign3A_1478 : i1 to i32
      %sign3A_1480 = arith.subi %sign3A_1476, %sign3A_1479 : i32
      %sign3A_1481 = arith.constant 0 : i32
      %sign3A_1482 = arith.cmpi sgt, %jit3A, %sign3A_1481 : i32
      %sign3A_1483 = arith.extui %sign3A_1482 : i1 to i32
      %sign3A_1484 = arith.constant 0 : i32
      %sign3A_1485 = arith.cmpi slt, %jit3A, %sign3A_1484 : i32
      %sign3A_1486 = arith.extui %sign3A_1485 : i1 to i32
      %sign3A_1487 = arith.subi %sign3A_1483, %sign3A_1486 : i32
      %ne3A = arith.cmpi ne, %sign3A_1480, %sign3A_1487 : i32
      %rem3A = arith.remsi %scan3A_1474, %jit3A : i32
      %ne3A_1488 = arith.constant 0 : i32
      %ne3A_1489 = arith.cmpi ne, %rem3A, %ne3A_1488 : i32
      %and3A_1490 = arith.andi %ne3A, %ne3A_1489 : i1
      %sub3A = arith.constant 1 : i32
      %sub3A_1491 = arith.subi %div3A, %sub3A : i32
      %select_n3A = arith.select %and3A_1490, %sub3A_1491, %div3A : i32
      %mul3A_1492 = arith.constant 2048 : i32
      %mul3A_1493 = arith.muli %select_n3A, %mul3A_1492 : i32
      %jit3A_1494 = arith.constant 8 : i32
      %eq3A = arith.constant 0 : i32
      %eq3A_1495 = arith.cmpi eq, %jit3A_1494, %eq3A : i32
      %jit3A_1496 = arith.constant 1 : i32
      %select_n3A_1497 = arith.select %eq3A_1495, %jit3A_1496, %jit3A_1494 : i32
      %rem3A_1498 = arith.remsi %scan3A_1474, %select_n3A_1497 : i32
      %ne3A_1499 = arith.constant 0 : i32
      %ne3A_1500 = arith.cmpi ne, %rem3A_1498, %ne3A_1499 : i32
      %lt3A = arith.constant 0 : i32
      %lt3A_1501 = arith.cmpi slt, %rem3A_1498, %lt3A : i32
      %lt3A_1502 = arith.constant 0 : i32
      %lt3A_1503 = arith.cmpi slt, %select_n3A_1497, %lt3A_1502 : i32
      %ne3A_1504 = arith.xori %lt3A_1501, %lt3A_1503 : i1
      %and3A_1505 = arith.andi %ne3A_1504, %ne3A_1500 : i1
      %add3A_1506 = arith.addi %rem3A_1498, %select_n3A_1497 : i32
      %select_n3A_1507 = arith.select %and3A_1505, %add3A_1506, %rem3A_1498 : i32
      %mul3A_1508 = arith.constant 128 : i32
      %mul3A_1509 = arith.muli %select_n3A_1507, %mul3A_1508 : i32
      %add3A_1510 = arith.addi %mul3A_1493, %mul3A_1509 : i32
      %jit3A_1511 = arith.constant 8 : i32
      %div3A_1512 = arith.divsi %scan3A_1474, %jit3A_1511 : i32
      %sign3A_1513 = arith.constant 0 : i32
      %sign3A_1514 = arith.cmpi sgt, %scan3A_1474, %sign3A_1513 : i32
      %sign3A_1515 = arith.extui %sign3A_1514 : i1 to i32
      %sign3A_1516 = arith.constant 0 : i32
      %sign3A_1517 = arith.cmpi slt, %scan3A_1474, %sign3A_1516 : i32
      %sign3A_1518 = arith.extui %sign3A_1517 : i1 to i32
      %sign3A_1519 = arith.subi %sign3A_1515, %sign3A_1518 : i32
      %sign3A_1520 = arith.constant 0 : i32
      %sign3A_1521 = arith.cmpi sgt, %jit3A_1511, %sign3A_1520 : i32
      %sign3A_1522 = arith.extui %sign3A_1521 : i1 to i32
      %sign3A_1523 = arith.constant 0 : i32
      %sign3A_1524 = arith.cmpi slt, %jit3A_1511, %sign3A_1523 : i32
      %sign3A_1525 = arith.extui %sign3A_1524 : i1 to i32
      %sign3A_1526 = arith.subi %sign3A_1522, %sign3A_1525 : i32
      %ne3A_1527 = arith.cmpi ne, %sign3A_1519, %sign3A_1526 : i32
      %rem3A_1528 = arith.remsi %scan3A_1474, %jit3A_1511 : i32
      %ne3A_1529 = arith.constant 0 : i32
      %ne3A_1530 = arith.cmpi ne, %rem3A_1528, %ne3A_1529 : i32
      %and3A_1531 = arith.andi %ne3A_1527, %ne3A_1530 : i1
      %sub3A_1532 = arith.constant 1 : i32
      %sub3A_1533 = arith.subi %div3A_1512, %sub3A_1532 : i32
      %select_n3A_1534 = arith.select %and3A_1531, %sub3A_1533, %div3A_1512 : i32
      %jit3A_1535 = arith.constant 4 : i32
      %eq3A_1536 = arith.constant 0 : i32
      %eq3A_1537 = arith.cmpi eq, %jit3A_1535, %eq3A_1536 : i32
      %jit3A_1538 = arith.constant 1 : i32
      %select_n3A_1539 = arith.select %eq3A_1537, %jit3A_1538, %jit3A_1535 : i32
      %rem3A_1540 = arith.remsi %select_n3A_1534, %select_n3A_1539 : i32
      %ne3A_1541 = arith.constant 0 : i32
      %ne3A_1542 = arith.cmpi ne, %rem3A_1540, %ne3A_1541 : i32
      %lt3A_1543 = arith.constant 0 : i32
      %lt3A_1544 = arith.cmpi slt, %rem3A_1540, %lt3A_1543 : i32
      %lt3A_1545 = arith.constant 0 : i32
      %lt3A_1546 = arith.cmpi slt, %select_n3A_1539, %lt3A_1545 : i32
      %ne3A_1547 = arith.xori %lt3A_1544, %lt3A_1546 : i1
      %and3A_1548 = arith.andi %ne3A_1547, %ne3A_1542 : i1
      %add3A_1549 = arith.addi %rem3A_1540, %select_n3A_1539 : i32
      %select_n3A_1550 = arith.select %and3A_1548, %add3A_1549, %rem3A_1540 : i32
      %mul3A_1551 = arith.constant 128 : i32
      %mul3A_1552 = arith.muli %select_n3A_1550, %mul3A_1551 : i32
      %add3A_1553 = arith.constant 0 : i32
      %add3A_1554 = arith.addi %mul3A_1552, %add3A_1553 : i32
      %get3A_1555 = arith.index_cast %add3A_1554 : i32 to index
      %get3A_1556 = tpu.vector_load %arg6[%get3A_1555] {strides = array<i32>} : memref<512xi32, #tpu.memory_space<vmem>>, vector<16xi32>,
      %add3A_1557 = vector.broadcast %add3A_1510 : i32 to vector<16xi32>
      %add3A_1558 = arith.addi %get3A_1556, %add3A_1557 : vector<16xi32>
      %swap3A_1559 = arith.index_cast %scan3A_1474 : i32 to index
      %swap3A_1560 = arith.constant 0 : index
      %swap3A_1561 = tpu.vector_load %arg7[%swap3A_1559, %swap3A_1560] {strides = array<i32>} : memref<64x128xi32, #tpu.memory_space<vmem>>, vector<16xi32>,
      tpu.vector_store %arg7[%swap3A_1559, %swap3A_1560], %add3A_1558 {strides = array<i32>} : memref<64x128xi32, #tpu.memory_space<vmem>>, vector<16xi32>,
      %add3A_1562 = arith.constant 16 : i32
      %add3A_1563 = arith.addi %mul3A_1552, %add3A_1562 : i32
      %get3A_1564 = arith.index_cast %add3A_1563 : i32 to index
      %get3A_1565 = tpu.vector_load %arg6[%get3A_1564] {strides = array<i32>} : memref<512xi32, #tpu.memory_space<vmem>>, vector<16xi32>,
      %add3A_1566 = vector.broadcast %add3A_1510 : i32 to vector<16xi32>
      %add3A_1567 = arith.addi %get3A_1565, %add3A_1566 : vector<16xi32>
      %swap3A_1568 = arith.index_cast %scan3A_1474 : i32 to index
      %swap3A_1569 = arith.constant 16 : index
      %swap3A_1570 = tpu.vector_load %arg7[%swap3A_1568, %swap3A_1569] {strides = array<i32>} : memref<64x128xi32, #tpu.memory_space<vmem>>, vector<16xi32>,
      tpu.vector_store %arg7[%swap3A_1568, %swap3A_1569], %add3A_1567 {strides = array<i32>} : memref<64x128xi32, #tpu.memory_space<vmem>>, vector<16xi32>,
      %add3A_1571 = arith.constant 32 : i32
      %add3A_1572 = arith.addi %mul3A_1552, %add3A_1571 : i32
      %get3A_1573 = arith.index_cast %add3A_1572 : i32 to index
      %get3A_1574 = tpu.vector_load %arg6[%get3A_1573] {strides = array<i32>} : memref<512xi32, #tpu.memory_space<vmem>>, vector<16xi32>,
      %add3A_1575 = vector.broadcast %add3A_1510 : i32 to vector<16xi32>
      %add3A_1576 = arith.addi %get3A_1574, %add3A_1575 : vector<16xi32>
      %swap3A_1577 = arith.index_cast %scan3A_1474 : i32 to index
      %swap3A_1578 = arith.constant 32 : index
      %swap3A_1579 = tpu.vector_load %arg7[%swap3A_1577, %swap3A_1578] {strides = array<i32>} : memref<64x128xi32, #tpu.memory_space<vmem>>, vector<16xi32>,
      tpu.vector_store %arg7[%swap3A_1577, %swap3A_1578], %add3A_1576 {strides = array<i32>} : memref<64x128xi32, #tpu.memory_space<vmem>>, vector<16xi32>,
      %add3A_1580 = arith.constant 48 : i32
      %add3A_1581 = arith.addi %mul3A_1552, %add3A_1580 : i32
      %get3A_1582 = arith.index_cast %add3A_1581 : i32 to index
      %get3A_1583 = tpu.vector_load %arg6[%get3A_1582] {strides = array<i32>} : memref<512xi32, #tpu.memory_space<vmem>>, vector<16xi32>,
      %add3A_1584 = vector.broadcast %add3A_1510 : i32 to vector<16xi32>
      %add3A_1585 = arith.addi %get3A_1583, %add3A_1584 : vector<16xi32>
      %swap3A_1586 = arith.index_cast %scan3A_1474 : i32 to index
      %swap3A_1587 = arith.constant 48 : index
      %swap3A_1588 = tpu.vector_load %arg7[%swap3A_1586, %swap3A_1587] {strides = array<i32>} : memref<64x128xi32, #tpu.memory_space<vmem>>, vector<16xi32>,
      tpu.vector_store %arg7[%swap3A_1586, %swap3A_1587], %add3A_1585 {strides = array<i32>} : memref<64x128xi32, #tpu.memory_space<vmem>>, vector<16xi32>,
      %add3A_1589 = arith.constant 64 : i32
      %add3A_1590 = arith.addi %mul3A_1552, %add3A_1589 : i32
      %get3A_1591 = arith.index_cast %add3A_1590 : i32 to index
      %get3A_1592 = tpu.vector_load %arg6[%get3A_1591] {strides = array<i32>} : memref<512xi32, #tpu.memory_space<vmem>>, vector<16xi32>,
      %add3A_1593 = vector.broadcast %add3A_1510 : i32 to vector<16xi32>
      %add3A_1594 = arith.addi %get3A_1592, %add3A_1593 : vector<16xi32>
      %swap3A_1595 = arith.index_cast %scan3A_1474 : i32 to index
      %swap3A_1596 = arith.constant 64 : index
      %swap3A_1597 = tpu.vector_load %arg7[%swap3A_1595, %swap3A_1596] {strides = array<i32>} : memref<64x128xi32, #tpu.memory_space<vmem>>, vector<16xi32>,
      tpu.vector_store %arg7[%swap3A_1595, %swap3A_1596], %add3A_1594 {strides = array<i32>} : memref<64x128xi32, #tpu.memory_space<vmem>>, vector<16xi32>,
      %add3A_1598 = arith.constant 80 : i32
      %add3A_1599 = arith.addi %mul3A_1552, %add3A_1598 : i32
      %get3A_1600 = arith.index_cast %add3A_1599 : i32 to index
      %get3A_1601 = tpu.vector_load %arg6[%get3A_1600] {strides = array<i32>} : memref<512xi32, #tpu.memory_space<vmem>>, vector<16xi32>,
      %add3A_1602 = vector.broadcast %add3A_1510 : i32 to vector<16xi32>
      %add3A_1603 = arith.addi %get3A_1601, %add3A_1602 : vector<16xi32>
      %swap3A_1604 = arith.index_cast %scan3A_1474 : i32 to index
      %swap3A_1605 = arith.constant 80 : index
      %swap3A_1606 = tpu.vector_load %arg7[%swap3A_1604, %swap3A_1605] {strides = array<i32>} : memref<64x128xi32, #tpu.memory_space<vmem>>, vector<16xi32>,
      tpu.vector_store %arg7[%swap3A_1604, %swap3A_1605], %add3A_1603 {strides = array<i32>} : memref<64x128xi32, #tpu.memory_space<vmem>>, vector<16xi32>,
      %add3A_1607 = arith.constant 96 : i32
      %add3A_1608 = arith.addi %mul3A_1552, %add3A_1607 : i32
      %get3A_1609 = arith.index_cast %add3A_1608 : i32 to index
      %get3A_1610 = tpu.vector_load %arg6[%get3A_1609] {strides = array<i32>} : memref<512xi32, #tpu.memory_space<vmem>>, vector<16xi32>,
      %add3A_1611 = vector.broadcast %add3A_1510 : i32 to vector<16xi32>
      %add3A_1612 = arith.addi %get3A_1610, %add3A_1611 : vector<16xi32>
      %swap3A_1613 = arith.index_cast %scan3A_1474 : i32 to index
      %swap3A_1614 = arith.constant 96 : index
      %swap3A_1615 = tpu.vector_load %arg7[%swap3A_1613, %swap3A_1614] {strides = array<i32>} : memref<64x128xi32, #tpu.memory_space<vmem>>, vector<16xi32>,
      tpu.vector_store %arg7[%swap3A_1613, %swap3A_1614], %add3A_1612 {strides = array<i32>} : memref<64x128xi32, #tpu.memory_space<vmem>>, vector<16xi32>,
      %add3A_1616 = arith.constant 112 : i32
      %add3A_1617 = arith.addi %mul3A_1552, %add3A_1616 : i32
      %get3A_1618 = arith.index_cast %add3A_1617 : i32 to index
      %get3A_1619 = tpu.vector_load %arg6[%get3A_1618] {strides = array<i32>} : memref<512xi32, #tpu.memory_space<vmem>>, vector<16xi32>,
      %add3A_1620 = vector.broadcast %add3A_1510 : i32 to vector<16xi32>
      %add3A_1621 = arith.addi %get3A_1619, %add3A_1620 : vector<16xi32>
      %swap3A_1622 = arith.index_cast %scan3A_1474 : i32 to index
      %swap3A_1623 = arith.constant 112 : index
      %swap3A_1624 = tpu.vector_load %arg7[%swap3A_1622, %swap3A_1623] {strides = array<i32>} : memref<64x128xi32, #tpu.memory_space<vmem>>, vector<16xi32>,
      tpu.vector_store %arg7[%swap3A_1622, %swap3A_1623], %add3A_1621 {strides = array<i32>} : memref<64x128xi32, #tpu.memory_space<vmem>>, vector<16xi32>,
    }
    %scan3A_899 = arith.constant 64 : i32
    %scan3A_900 = arith.constant 0 : i32
    %scan3A_901 = arith.constant 0 : i32
    %scan3A_902 = arith.constant 64 : i32
    %scan3A_903 = arith.addi %scan3A_901, %scan3A_902 : i32
    %scan3A_904 = arith.constant 1 : i32
    scf.for %scan3A_1474 = %scan3A_901 to %scan3A_903 step %scan3A_904  : i32 {
      %mul3A_1475 = arith.constant 128 : i32
      %mul3A_1476 = arith.muli %scan3A_1474, %mul3A_1475 : i32
      %dma_start3A_1477 = tpu.memref_slice %arg8[%mul3A_1476] : memref<8192xf32, #tpu.memory_space<vmem>> -> memref<128xf32, #tpu.memory_space<vmem>>
      %dma_start3A_1478 = arith.constant 0 : i32
      %dma_start3A_1479 = tpu.memref_slice %arg7[%scan3A_1474, %dma_start3A_1478] : memref<64x128xi32, #tpu.memory_space<vmem>> -> memref<1x128xi32, #tpu.memory_space<vmem>>
      %dma_start3A_1480 = tpu.memref_squeeze %dma_start3A_1479 : memref<1x128xi32, #tpu.memory_space<vmem>> -> memref<128xi32, #tpu.memory_space<vmem>>
      %dma_start3A_1481 = arith.constant 0 : i32
      %dma_start3A_1482 = tpu.memref_slice %arg3[%dma_start3A_1481] : memref<16777216xf32, #tpu.memory_space<hbm>> -> memref<1048576xf32, #tpu.memory_space<hbm>>
      %dma_start3A_1483 = arith.constant 0 : i32
      %dma_start3A_1484 = tpu.memref_slice %dma_start3A_1482[%dma_start3A_1483] : memref<1048576xf32, #tpu.memory_space<hbm>> -> memref<1048576xf32, #tpu.memory_space<hbm>>
      tpu.enqueue_indirect_dma source(%dma_start3A_1484 : memref<1048576xf32, #tpu.memory_space<hbm>>) target(%dma_start3A_1477 : memref<128xf32, #tpu.memory_space<vmem>>) offsets(%dma_start3A_1480 : memref<128xi32, #tpu.memory_space<vmem>>) semaphore(%arg10 : memref<!tpu.dma_semaphore, #tpu.memory_space<semaphore_mem>>)
    }
    %scan3A_905 = arith.constant 64 : i32
    %scan3A_906 = arith.constant 0 : i32
    %scan3A_907 = arith.constant 0 : i32
    %scan3A_908 = arith.constant 64 : i32
    %scan3A_909 = arith.addi %scan3A_907, %scan3A_908 : i32
    %scan3A_910 = arith.constant 1 : i32
    scf.for %scan3A_1474 = %scan3A_907 to %scan3A_909 step %scan3A_910  : i32 {
      %mul3A_1475 = arith.constant 128 : i32
      %mul3A_1476 = arith.muli %scan3A_1474, %mul3A_1475 : i32
      %dma_start3A_1477 = tpu.memref_slice %arg9[%mul3A_1476] : memref<8192xf32, #tpu.memory_space<vmem>> -> memref<128xf32, #tpu.memory_space<vmem>>
      %dma_start3A_1478 = arith.constant 0 : i32
      %dma_start3A_1479 = tpu.memref_slice %arg7[%scan3A_1474, %dma_start3A_1478] : memref<64x128xi32, #tpu.memory_space<vmem>> -> memref<1x128xi32, #tpu.memory_space<vmem>>
      %dma_start3A_1480 = tpu.memref_squeeze %dma_start3A_1479 : memref<1x128xi32, #tpu.memory_space<vmem>> -> memref<128xi32, #tpu.memory_space<vmem>>
      %dma_start3A_1481 = arith.constant 1048576 : i32
      %dma_start3A_1482 = tpu.memref_slice %arg3[%dma_start3A_1481] : memref<16777216xf32, #tpu.memory_space<hbm>> -> memref<1048576xf32, #tpu.memory_space<hbm>>
      %dma_start3A_1483 = arith.constant 0 : i32
      %dma_start3A_1484 = tpu.memref_slice %dma_start3A_1482[%dma_start3A_1483] : memref<1048576xf32, #tpu.memory_space<hbm>> -> memref<1048576xf32, #tpu.memory_space<hbm>>
      tpu.enqueue_indirect_dma source(%dma_start3A_1484 : memref<1048576xf32, #tpu.memory_space<hbm>>) target(%dma_start3A_1477 : memref<128xf32, #tpu.memory_space<vmem>>) offsets(%dma_start3A_1480 : memref<128xi32, #tpu.memory_space<vmem>>) semaphore(%arg11 : memref<!tpu.dma_semaphore, #tpu.memory_space<semaphore_mem>>)
    }
    %scan3A_911 = arith.constant 64 : i32
    %dma_wait3A = arith.constant 0 : i32
    %dma_wait3A_912 = tpu.memref_slice %arg3[%dma_wait3A] : memref<16777216xf32, #tpu.memory_space<hbm>> -> memref<8192xf32, #tpu.memory_space<hbm>>
    %dma_wait3A_913 = arith.constant 0 : i32
    %dma_wait3A_914 = tpu.memref_slice %arg3[%dma_wait3A_913] : memref<16777216xf32, #tpu.memory_space<hbm>> -> memref<8192xf32, #tpu.memory_space<hbm>>
    tpu.wait_dma2 semaphore(%arg10 : memref<!tpu.dma_semaphore, #tpu.memory_space<semaphore_mem>>) src(%dma_wait3A_914 : memref<8192xf32, #tpu.memory_space<hbm>>) dst(%arg8 : memref<8192xf32, #tpu.memory_space<vmem>>)
    %mul3A_915 = arith.constant 4096 : i32
    %mul3A_916 = arith.muli %add3A, %mul3A_915 : i32
    %dma_start3A = arith.constant 0 : i32
    %dma_start3A_917 = arith.constant 0 : i32
    %dma_start3A_918 = tpu.memref_slice %arg8[%dma_start3A_917] : memref<8192xf32, #tpu.memory_space<vmem>> -> memref<4096xf32, #tpu.memory_space<vmem>>
    %dma_start3A_919 = tpu.memref_slice %arg4[%dma_start3A, %mul3A_916] : memref<32x131072xf32, #tpu.memory_space<hbm>> -> memref<1x4096xf32, #tpu.memory_space<hbm>>
    %dma_start3A_920 = tpu.memref_squeeze %dma_start3A_919 : memref<1x4096xf32, #tpu.memory_space<hbm>> -> memref<4096xf32, #tpu.memory_space<hbm>>
    %dma_start3A_921 = tpu.memref_slice %arg4[%dma_start3A, %mul3A_916] : memref<32x131072xf32, #tpu.memory_space<hbm>> -> memref<1x4096xf32, #tpu.memory_space<hbm>>
    %dma_start3A_922 = tpu.memref_squeeze %dma_start3A_921 : memref<1x4096xf32, #tpu.memory_space<hbm>> -> memref<4096xf32, #tpu.memory_space<hbm>>
    %dma_start3A_923 = arith.constant 0 : i32
    %dma_start3A_924 = tpu.memref_slice %arg8[%dma_start3A_923] : memref<8192xf32, #tpu.memory_space<vmem>> -> memref<4096xf32, #tpu.memory_space<vmem>>
    tpu.enqueue_dma source(%dma_start3A_924 : memref<4096xf32, #tpu.memory_space<vmem>>) target(%dma_start3A_922 : memref<4096xf32, #tpu.memory_space<hbm>>) target_semaphore(%arg12 : memref<!tpu.dma_semaphore, #tpu.memory_space<semaphore_mem>>)
    %mul3A_925 = arith.constant 4096 : i32
    %mul3A_926 = arith.muli %add3A, %mul3A_925 : i32
    %dma_start3A_927 = arith.constant 1 : i32
    %dma_start3A_928 = arith.constant 4096 : i32
    %dma_start3A_929 = tpu.memref_slice %arg8[%dma_start3A_928] : memref<8192xf32, #tpu.memory_space<vmem>> -> memref<4096xf32, #tpu.memory_space<vmem>>
    %dma_start3A_930 = tpu.memref_slice %arg4[%dma_start3A_927, %mul3A_926] : memref<32x131072xf32, #tpu.memory_space<hbm>> -> memref<1x4096xf32, #tpu.memory_space<hbm>>
    %dma_start3A_931 = tpu.memref_squeeze %dma_start3A_930 : memref<1x4096xf32, #tpu.memory_space<hbm>> -> memref<4096xf32, #tpu.memory_space<hbm>>
    %dma_start3A_932 = tpu.memref_slice %arg4[%dma_start3A_927, %mul3A_926] : memref<32x131072xf32, #tpu.memory_space<hbm>> -> memref<1x4096xf32, #tpu.memory_space<hbm>>
    %dma_start3A_933 = tpu.memref_squeeze %dma_start3A_932 : memref<1x4096xf32, #tpu.memory_space<hbm>> -> memref<4096xf32, #tpu.memory_space<hbm>>
    %dma_start3A_934 = arith.constant 4096 : i32
    %dma_start3A_935 = tpu.memref_slice %arg8[%dma_start3A_934] : memref<8192xf32, #tpu.memory_space<vmem>> -> memref<4096xf32, #tpu.memory_space<vmem>>
    tpu.enqueue_dma source(%dma_start3A_935 : memref<4096xf32, #tpu.memory_space<vmem>>) target(%dma_start3A_933 : memref<4096xf32, #tpu.memory_space<hbm>>) target_semaphore(%arg12 : memref<!tpu.dma_semaphore, #tpu.memory_space<semaphore_mem>>)
    %dma_wait3A_936 = arith.constant 0 : i32
    %dma_wait3A_937 = tpu.memref_slice %arg3[%dma_wait3A_936] : memref<16777216xf32, #tpu.memory_space<hbm>> -> memref<8192xf32, #tpu.memory_space<hbm>>
    %dma_wait3A_938 = arith.constant 0 : i32
    %dma_wait3A_939 = tpu.memref_slice %arg3[%dma_wait3A_938] : memref<16777216xf32, #tpu.memory_space<hbm>> -> memref<8192xf32, #tpu.memory_space<hbm>>
    tpu.wait_dma2 semaphore(%arg12 : memref<!tpu.dma_semaphore, #tpu.memory_space<semaphore_mem>>) src(%dma_wait3A_939 : memref<8192xf32, #tpu.memory_space<hbm>>) dst(%arg8 : memref<8192xf32, #tpu.memory_space<vmem>>)
    %scan3A_940 = arith.constant 0 : i32
    %scan3A_941 = arith.constant 0 : i32
    %scan3A_942 = arith.constant 64 : i32
    %scan3A_943 = arith.addi %scan3A_941, %scan3A_942 : i32
    %scan3A_944 = arith.constant 1 : i32
    scf.for %scan3A_1474 = %scan3A_941 to %scan3A_943 step %scan3A_944  : i32 {
      %mul3A_1475 = arith.constant 128 : i32
      %mul3A_1476 = arith.muli %scan3A_1474, %mul3A_1475 : i32
      %dma_start3A_1477 = tpu.memref_slice %arg8[%mul3A_1476] : memref<8192xf32, #tpu.memory_space<vmem>> -> memref<128xf32, #tpu.memory_space<vmem>>
      %dma_start3A_1478 = arith.constant 0 : i32
      %dma_start3A_1479 = tpu.memref_slice %arg7[%scan3A_1474, %dma_start3A_1478] : memref<64x128xi32, #tpu.memory_space<vmem>> -> memref<1x128xi32, #tpu.memory_space<vmem>>
      %dma_start3A_1480 = tpu.memref_squeeze %dma_start3A_1479 : memref<1x128xi32, #tpu.memory_space<vmem>> -> memref<128xi32, #tpu.memory_space<vmem>>
      %dma_start3A_1481 = arith.constant 2097152 : i32
      %dma_start3A_1482 = tpu.memref_slice %arg3[%dma_start3A_1481] : memref<16777216xf32, #tpu.memory_space<hbm>> -> memref<1048576xf32, #tpu.memory_space<hbm>>
      %dma_start3A_1483 = arith.constant 0 : i32
      %dma_start3A_1484 = tpu.memref_slice %dma_start3A_1482[%dma_start3A_1483] : memref<1048576xf32, #tpu.memory_space<hbm>> -> memref<1048576xf32, #tpu.memory_space<hbm>>
      tpu.enqueue_indirect_dma source(%dma_start3A_1484 : memref<1048576xf32, #tpu.memory_space<hbm>>) target(%dma_start3A_1477 : memref<128xf32, #tpu.memory_space<vmem>>) offsets(%dma_start3A_1480 : memref<128xi32, #tpu.memory_space<vmem>>) semaphore(%arg10 : memref<!tpu.dma_semaphore, #tpu.memory_space<semaphore_mem>>)
    }
    %scan3A_945 = arith.constant 64 : i32
    %dma_wait3A_946 = arith.constant 0 : i32
    %dma_wait3A_947 = tpu.memref_slice %arg3[%dma_wait3A_946] : memref<16777216xf32, #tpu.memory_space<hbm>> -> memref<8192xf32, #tpu.memory_space<hbm>>
    %dma_wait3A_948 = arith.constant 0 : i32
    %dma_wait3A_949 = tpu.memref_slice %arg3[%dma_wait3A_948] : memref<16777216xf32, #tpu.memory_space<hbm>> -> memref<8192xf32, #tpu.memory_space<hbm>>
    tpu.wait_dma2 semaphore(%arg11 : memref<!tpu.dma_semaphore, #tpu.memory_space<semaphore_mem>>) src(%dma_wait3A_949 : memref<8192xf32, #tpu.memory_space<hbm>>) dst(%arg9 : memref<8192xf32, #tpu.memory_space<vmem>>)
    %mul3A_950 = arith.constant 4096 : i32
    %mul3A_951 = arith.muli %add3A, %mul3A_950 : i32
    %dma_start3A_952 = arith.constant 2 : i32
    %dma_start3A_953 = arith.constant 0 : i32
    %dma_start3A_954 = tpu.memref_slice %arg9[%dma_start3A_953] : memref<8192xf32, #tpu.memory_space<vmem>> -> memref<4096xf32, #tpu.memory_space<vmem>>
    %dma_start3A_955 = tpu.memref_slice %arg4[%dma_start3A_952, %mul3A_951] : memref<32x131072xf32, #tpu.memory_space<hbm>> -> memref<1x4096xf32, #tpu.memory_space<hbm>>
    %dma_start3A_956 = tpu.memref_squeeze %dma_start3A_955 : memref<1x4096xf32, #tpu.memory_space<hbm>> -> memref<4096xf32, #tpu.memory_space<hbm>>
    %dma_start3A_957 = tpu.memref_slice %arg4[%dma_start3A_952, %mul3A_951] : memref<32x131072xf32, #tpu.memory_space<hbm>> -> memref<1x4096xf32, #tpu.memory_space<hbm>>
    %dma_start3A_958 = tpu.memref_squeeze %dma_start3A_957 : memref<1x4096xf32, #tpu.memory_space<hbm>> -> memref<4096xf32, #tpu.memory_space<hbm>>
    %dma_start3A_959 = arith.constant 0 : i32
    %dma_start3A_960 = tpu.memref_slice %arg9[%dma_start3A_959] : memref<8192xf32, #tpu.memory_space<vmem>> -> memref<4096xf32, #tpu.memory_space<vmem>>
    tpu.enqueue_dma source(%dma_start3A_960 : memref<4096xf32, #tpu.memory_space<vmem>>) target(%dma_start3A_958 : memref<4096xf32, #tpu.memory_space<hbm>>) target_semaphore(%arg12 : memref<!tpu.dma_semaphore, #tpu.memory_space<semaphore_mem>>)
    %mul3A_961 = arith.constant 4096 : i32
    %mul3A_962 = arith.muli %add3A, %mul3A_961 : i32
    %dma_start3A_963 = arith.constant 3 : i32
    %dma_start3A_964 = arith.constant 4096 : i32
    %dma_start3A_965 = tpu.memref_slice %arg9[%dma_start3A_964] : memref<8192xf32, #tpu.memory_space<vmem>> -> memref<4096xf32, #tpu.memory_space<vmem>>
    %dma_start3A_966 = tpu.memref_slice %arg4[%dma_start3A_963, %mul3A_962] : memref<32x131072xf32, #tpu.memory_space<hbm>> -> memref<1x4096xf32, #tpu.memory_space<hbm>>
    %dma_start3A_967 = tpu.memref_squeeze %dma_start3A_966 : memref<1x4096xf32, #tpu.memory_space<hbm>> -> memref<4096xf32, #tpu.memory_space<hbm>>
    %dma_start3A_968 = tpu.memref_slice %arg4[%dma_start3A_963, %mul3A_962] : memref<32x131072xf32, #tpu.memory_space<hbm>> -> memref<1x4096xf32, #tpu.memory_space<hbm>>
    %dma_start3A_969 = tpu.memref_squeeze %dma_start3A_968 : memref<1x4096xf32, #tpu.memory_space<hbm>> -> memref<4096xf32, #tpu.memory_space<hbm>>
    %dma_start3A_970 = arith.constant 4096 : i32
    %dma_start3A_971 = tpu.memref_slice %arg9[%dma_start3A_970] : memref<8192xf32, #tpu.memory_space<vmem>> -> memref<4096xf32, #tpu.memory_space<vmem>>
    tpu.enqueue_dma source(%dma_start3A_971 : memref<4096xf32, #tpu.memory_space<vmem>>) target(%dma_start3A_969 : memref<4096xf32, #tpu.memory_space<hbm>>) target_semaphore(%arg12 : memref<!tpu.dma_semaphore, #tpu.memory_space<semaphore_mem>>)
    %dma_wait3A_972 = arith.constant 0 : i32
    %dma_wait3A_973 = tpu.memref_slice %arg3[%dma_wait3A_972] : memref<16777216xf32, #tpu.memory_space<hbm>> -> memref<8192xf32, #tpu.memory_space<hbm>>
    %dma_wait3A_974 = arith.constant 0 : i32
    %dma_wait3A_975 = tpu.memref_slice %arg3[%dma_wait3A_974] : memref<16777216xf32, #tpu.memory_space<hbm>> -> memref<8192xf32, #tpu.memory_space<hbm>>
    tpu.wait_dma2 semaphore(%arg12 : memref<!tpu.dma_semaphore, #tpu.memory_space<semaphore_mem>>) src(%dma_wait3A_975 : memref<8192xf32, #tpu.memory_space<hbm>>) dst(%arg9 : memref<8192xf32, #tpu.memory_space<vmem>>)
    %scan3A_976 = arith.constant 0 : i32
    %scan3A_977 = arith.constant 0 : i32
    %scan3A_978 = arith.constant 64 : i32
    %scan3A_979 = arith.addi %scan3A_977, %scan3A_978 : i32
    %scan3A_980 = arith.constant 1 : i32
    scf.for %scan3A_1474 = %scan3A_977 to %scan3A_979 step %scan3A_980  : i32 {
      %mul3A_1475 = arith.constant 128 : i32
      %mul3A_1476 = arith.muli %scan3A_1474, %mul3A_1475 : i32
      %dma_start3A_1477 = tpu.memref_slice %arg9[%mul3A_1476] : memref<8192xf32, #tpu.memory_space<vmem>> -> memref<128xf32, #tpu.memory_space<vmem>>
      %dma_start3A_1478 = arith.constant 0 : i32
      %dma_start3A_1479 = tpu.memref_slice %arg7[%scan3A_1474, %dma_start3A_1478] : memref<64x128xi32, #tpu.memory_space<vmem>> -> memref<1x128xi32, #tpu.memory_space<vmem>>
      %dma_start3A_1480 = tpu.memref_squeeze %dma_start3A_1479 : memref<1x128xi32, #tpu.memory_space<vmem>> -> memref<128xi32, #tpu.memory_space<vmem>>
      %dma_start3A_1481 = arith.constant 3145728 : i32
      %dma_start3A_1482 = tpu.memref_slice %arg3[%dma_start3A_1481] : memref<16777216xf32, #tpu.memory_space<hbm>> -> memref<1048576xf32, #tpu.memory_space<hbm>>
      %dma_start3A_1483 = arith.constant 0 : i32
      %dma_start3A_1484 = tpu.memref_slice %dma_start3A_1482[%dma_start3A_1483] : memref<1048576xf32, #tpu.memory_space<hbm>> -> memref<1048576xf32, #tpu.memory_space<hbm>>
      tpu.enqueue_indirect_dma source(%dma_start3A_1484 : memref<1048576xf32, #tpu.memory_space<hbm>>) target(%dma_start3A_1477 : memref<128xf32, #tpu.memory_space<vmem>>) offsets(%dma_start3A_1480 : memref<128xi32, #tpu.memory_space<vmem>>) semaphore(%arg11 : memref<!tpu.dma_semaphore, #tpu.memory_space<semaphore_mem>>)
    }
    %scan3A_981 = arith.constant 64 : i32
    %dma_wait3A_982 = arith.constant 0 : i32
    %dma_wait3A_983 = tpu.memref_slice %arg3[%dma_wait3A_982] : memref<16777216xf32, #tpu.memory_space<hbm>> -> memref<8192xf32, #tpu.memory_space<hbm>>
    %dma_wait3A_984 = arith.constant 0 : i32
    %dma_wait3A_985 = tpu.memref_slice %arg3[%dma_wait3A_984] : memref<16777216xf32, #tpu.memory_space<hbm>> -> memref<8192xf32, #tpu.memory_space<hbm>>
    tpu.wait_dma2 semaphore(%arg10 : memref<!tpu.dma_semaphore, #tpu.memory_space<semaphore_mem>>) src(%dma_wait3A_985 : memref<8192xf32, #tpu.memory_space<hbm>>) dst(%arg8 : memref<8192xf32, #tpu.memory_space<vmem>>)
    %mul3A_986 = arith.constant 4096 : i32
    %mul3A_987 = arith.muli %add3A, %mul3A_986 : i32
    %dma_start3A_988 = arith.constant 4 : i32
    %dma_start3A_989 = arith.constant 0 : i32
    %dma_start3A_990 = tpu.memref_slice %arg8[%dma_start3A_989] : memref<8192xf32, #tpu.memory_space<vmem>> -> memref<4096xf32, #tpu.memory_space<vmem>>
    %dma_start3A_991 = tpu.memref_slice %arg4[%dma_start3A_988, %mul3A_987] : memref<32x131072xf32, #tpu.memory_space<hbm>> -> memref<1x4096xf32, #tpu.memory_space<hbm>>
    %dma_start3A_992 = tpu.memref_squeeze %dma_start3A_991 : memref<1x4096xf32, #tpu.memory_space<hbm>> -> memref<4096xf32, #tpu.memory_space<hbm>>
    %dma_start3A_993 = tpu.memref_slice %arg4[%dma_start3A_988, %mul3A_987] : memref<32x131072xf32, #tpu.memory_space<hbm>> -> memref<1x4096xf32, #tpu.memory_space<hbm>>
    %dma_start3A_994 = tpu.memref_squeeze %dma_start3A_993 : memref<1x4096xf32, #tpu.memory_space<hbm>> -> memref<4096xf32, #tpu.memory_space<hbm>>
    %dma_start3A_995 = arith.constant 0 : i32
    %dma_start3A_996 = tpu.memref_slice %arg8[%dma_start3A_995] : memref<8192xf32, #tpu.memory_space<vmem>> -> memref<4096xf32, #tpu.memory_space<vmem>>
    tpu.enqueue_dma source(%dma_start3A_996 : memref<4096xf32, #tpu.memory_space<vmem>>) target(%dma_start3A_994 : memref<4096xf32, #tpu.memory_space<hbm>>) target_semaphore(%arg12 : memref<!tpu.dma_semaphore, #tpu.memory_space<semaphore_mem>>)
    %mul3A_997 = arith.constant 4096 : i32
    %mul3A_998 = arith.muli %add3A, %mul3A_997 : i32
    %dma_start3A_999 = arith.constant 5 : i32
    %dma_start3A_1000 = arith.constant 4096 : i32
    %dma_start3A_1001 = tpu.memref_slice %arg8[%dma_start3A_1000] : memref<8192xf32, #tpu.memory_space<vmem>> -> memref<4096xf32, #tpu.memory_space<vmem>>
    %dma_start3A_1002 = tpu.memref_slice %arg4[%dma_start3A_999, %mul3A_998] : memref<32x131072xf32, #tpu.memory_space<hbm>> -> memref<1x4096xf32, #tpu.memory_space<hbm>>
    %dma_start3A_1003 = tpu.memref_squeeze %dma_start3A_1002 : memref<1x4096xf32, #tpu.memory_space<hbm>> -> memref<4096xf32, #tpu.memory_space<hbm>>
    %dma_start3A_1004 = tpu.memref_slice %arg4[%dma_start3A_999, %mul3A_998] : memref<32x131072xf32, #tpu.memory_space<hbm>> -> memref<1x4096xf32, #tpu.memory_space<hbm>>
    %dma_start3A_1005 = tpu.memref_squeeze %dma_start3A_1004 : memref<1x4096xf32, #tpu.memory_space<hbm>> -> memref<4096xf32, #tpu.memory_space<hbm>>
    %dma_start3A_1006 = arith.constant 4096 : i32
    %dma_start3A_1007 = tpu.memref_slice %arg8[%dma_start3A_1006] : memref<8192xf32, #tpu.memory_space<vmem>> -> memref<4096xf32, #tpu.memory_space<vmem>>
    tpu.enqueue_dma source(%dma_start3A_1007 : memref<4096xf32, #tpu.memory_space<vmem>>) target(%dma_start3A_1005 : memref<4096xf32, #tpu.memory_space<hbm>>) target_semaphore(%arg12 : memref<!tpu.dma_semaphore, #tpu.memory_space<semaphore_mem>>)
    %dma_wait3A_1008 = arith.constant 0 : i32
    %dma_wait3A_1009 = tpu.memref_slice %arg3[%dma_wait3A_1008] : memref<16777216xf32, #tpu.memory_space<hbm>> -> memref<8192xf32, #tpu.memory_space<hbm>>
    %dma_wait3A_1010 = arith.constant 0 : i32
    %dma_wait3A_1011 = tpu.memref_slice %arg3[%dma_wait3A_1010] : memref<16777216xf32, #tpu.memory_space<hbm>> -> memref<8192xf32, #tpu.memory_space<hbm>>
    tpu.wait_dma2 semaphore(%arg12 : memref<!tpu.dma_semaphore, #tpu.memory_space<semaphore_mem>>) src(%dma_wait3A_1011 : memref<8192xf32, #tpu.memory_space<hbm>>) dst(%arg8 : memref<8192xf32, #tpu.memory_space<vmem>>)
    %scan3A_1012 = arith.constant 0 : i32
    %scan3A_1013 = arith.constant 0 : i32
    %scan3A_1014 = arith.constant 64 : i32
    %scan3A_1015 = arith.addi %scan3A_1013, %scan3A_1014 : i32
    %scan3A_1016 = arith.constant 1 : i32
    scf.for %scan3A_1474 = %scan3A_1013 to %scan3A_1015 step %scan3A_1016  : i32 {
      %mul3A_1475 = arith.constant 128 : i32
      %mul3A_1476 = arith.muli %scan3A_1474, %mul3A_1475 : i32
      %dma_start3A_1477 = tpu.memref_slice %arg8[%mul3A_1476] : memref<8192xf32, #tpu.memory_space<vmem>> -> memref<128xf32, #tpu.memory_space<vmem>>
      %dma_start3A_1478 = arith.constant 0 : i32
      %dma_start3A_1479 = tpu.memref_slice %arg7[%scan3A_1474, %dma_start3A_1478] : memref<64x128xi32, #tpu.memory_space<vmem>> -> memref<1x128xi32, #tpu.memory_space<vmem>>
      %dma_start3A_1480 = tpu.memref_squeeze %dma_start3A_1479 : memref<1x128xi32, #tpu.memory_space<vmem>> -> memref<128xi32, #tpu.memory_space<vmem>>
      %dma_start3A_1481 = arith.constant 4194304 : i32
      %dma_start3A_1482 = tpu.memref_slice %arg3[%dma_start3A_1481] : memref<16777216xf32, #tpu.memory_space<hbm>> -> memref<1048576xf32, #tpu.memory_space<hbm>>
      %dma_start3A_1483 = arith.constant 0 : i32
      %dma_start3A_1484 = tpu.memref_slice %dma_start3A_1482[%dma_start3A_1483] : memref<1048576xf32, #tpu.memory_space<hbm>> -> memref<1048576xf32, #tpu.memory_space<hbm>>
      tpu.enqueue_indirect_dma source(%dma_start3A_1484 : memref<1048576xf32, #tpu.memory_space<hbm>>) target(%dma_start3A_1477 : memref<128xf32, #tpu.memory_space<vmem>>) offsets(%dma_start3A_1480 : memref<128xi32, #tpu.memory_space<vmem>>) semaphore(%arg10 : memref<!tpu.dma_semaphore, #tpu.memory_space<semaphore_mem>>)
    }
    %scan3A_1017 = arith.constant 64 : i32
    %dma_wait3A_1018 = arith.constant 0 : i32
    %dma_wait3A_1019 = tpu.memref_slice %arg3[%dma_wait3A_1018] : memref<16777216xf32, #tpu.memory_space<hbm>> -> memref<8192xf32, #tpu.memory_space<hbm>>
    %dma_wait3A_1020 = arith.constant 0 : i32
    %dma_wait3A_1021 = tpu.memref_slice %arg3[%dma_wait3A_1020] : memref<16777216xf32, #tpu.memory_space<hbm>> -> memref<8192xf32, #tpu.memory_space<hbm>>
    tpu.wait_dma2 semaphore(%arg11 : memref<!tpu.dma_semaphore, #tpu.memory_space<semaphore_mem>>) src(%dma_wait3A_1021 : memref<8192xf32, #tpu.memory_space<hbm>>) dst(%arg9 : memref<8192xf32, #tpu.memory_space<vmem>>)
    %mul3A_1022 = arith.constant 4096 : i32
    %mul3A_1023 = arith.muli %add3A, %mul3A_1022 : i32
    %dma_start3A_1024 = arith.constant 6 : i32
    %dma_start3A_1025 = arith.constant 0 : i32
    %dma_start3A_1026 = tpu.memref_slice %arg9[%dma_start3A_1025] : memref<8192xf32, #tpu.memory_space<vmem>> -> memref<4096xf32, #tpu.memory_space<vmem>>
    %dma_start3A_1027 = tpu.memref_slice %arg4[%dma_start3A_1024, %mul3A_1023] : memref<32x131072xf32, #tpu.memory_space<hbm>> -> memref<1x4096xf32, #tpu.memory_space<hbm>>
    %dma_start3A_1028 = tpu.memref_squeeze %dma_start3A_1027 : memref<1x4096xf32, #tpu.memory_space<hbm>> -> memref<4096xf32, #tpu.memory_space<hbm>>
    %dma_start3A_1029 = tpu.memref_slice %arg4[%dma_start3A_1024, %mul3A_1023] : memref<32x131072xf32, #tpu.memory_space<hbm>> -> memref<1x4096xf32, #tpu.memory_space<hbm>>
    %dma_start3A_1030 = tpu.memref_squeeze %dma_start3A_1029 : memref<1x4096xf32, #tpu.memory_space<hbm>> -> memref<4096xf32, #tpu.memory_space<hbm>>
    %dma_start3A_1031 = arith.constant 0 : i32
    %dma_start3A_1032 = tpu.memref_slice %arg9[%dma_start3A_1031] : memref<8192xf32, #tpu.memory_space<vmem>> -> memref<4096xf32, #tpu.memory_space<vmem>>
    tpu.enqueue_dma source(%dma_start3A_1032 : memref<4096xf32, #tpu.memory_space<vmem>>) target(%dma_start3A_1030 : memref<4096xf32, #tpu.memory_space<hbm>>) target_semaphore(%arg12 : memref<!tpu.dma_semaphore, #tpu.memory_space<semaphore_mem>>)
    %mul3A_1033 = arith.constant 4096 : i32
    %mul3A_1034 = arith.muli %add3A, %mul3A_1033 : i32
    %dma_start3A_1035 = arith.constant 7 : i32
    %dma_start3A_1036 = arith.constant 4096 : i32
    %dma_start3A_1037 = tpu.memref_slice %arg9[%dma_start3A_1036] : memref<8192xf32, #tpu.memory_space<vmem>> -> memref<4096xf32, #tpu.memory_space<vmem>>
    %dma_start3A_1038 = tpu.memref_slice %arg4[%dma_start3A_1035, %mul3A_1034] : memref<32x131072xf32, #tpu.memory_space<hbm>> -> memref<1x4096xf32, #tpu.memory_space<hbm>>
    %dma_start3A_1039 = tpu.memref_squeeze %dma_start3A_1038 : memref<1x4096xf32, #tpu.memory_space<hbm>> -> memref<4096xf32, #tpu.memory_space<hbm>>
    %dma_start3A_1040 = tpu.memref_slice %arg4[%dma_start3A_1035, %mul3A_1034] : memref<32x131072xf32, #tpu.memory_space<hbm>> -> memref<1x4096xf32, #tpu.memory_space<hbm>>
    %dma_start3A_1041 = tpu.memref_squeeze %dma_start3A_1040 : memref<1x4096xf32, #tpu.memory_space<hbm>> -> memref<4096xf32, #tpu.memory_space<hbm>>
    %dma_start3A_1042 = arith.constant 4096 : i32
    %dma_start3A_1043 = tpu.memref_slice %arg9[%dma_start3A_1042] : memref<8192xf32, #tpu.memory_space<vmem>> -> memref<4096xf32, #tpu.memory_space<vmem>>
    tpu.enqueue_dma source(%dma_start3A_1043 : memref<4096xf32, #tpu.memory_space<vmem>>) target(%dma_start3A_1041 : memref<4096xf32, #tpu.memory_space<hbm>>) target_semaphore(%arg12 : memref<!tpu.dma_semaphore, #tpu.memory_space<semaphore_mem>>)
    %dma_wait3A_1044 = arith.constant 0 : i32
    %dma_wait3A_1045 = tpu.memref_slice %arg3[%dma_wait3A_1044] : memref<16777216xf32, #tpu.memory_space<hbm>> -> memref<8192xf32, #tpu.memory_space<hbm>>
    %dma_wait3A_1046 = arith.constant 0 : i32
    %dma_wait3A_1047 = tpu.memref_slice %arg3[%dma_wait3A_1046] : memref<16777216xf32, #tpu.memory_space<hbm>> -> memref<8192xf32, #tpu.memory_space<hbm>>
    tpu.wait_dma2 semaphore(%arg12 : memref<!tpu.dma_semaphore, #tpu.memory_space<semaphore_mem>>) src(%dma_wait3A_1047 : memref<8192xf32, #tpu.memory_space<hbm>>) dst(%arg9 : memref<8192xf32, #tpu.memory_space<vmem>>)
    %scan3A_1048 = arith.constant 0 : i32
    %scan3A_1049 = arith.constant 0 : i32
    %scan3A_1050 = arith.constant 64 : i32
    %scan3A_1051 = arith.addi %scan3A_1049, %scan3A_1050 : i32
    %scan3A_1052 = arith.constant 1 : i32
    scf.for %scan3A_1474 = %scan3A_1049 to %scan3A_1051 step %scan3A_1052  : i32 {
      %mul3A_1475 = arith.constant 128 : i32
      %mul3A_1476 = arith.muli %scan3A_1474, %mul3A_1475 : i32
      %dma_start3A_1477 = tpu.memref_slice %arg9[%mul3A_1476] : memref<8192xf32, #tpu.memory_space<vmem>> -> memref<128xf32, #tpu.memory_space<vmem>>
      %dma_start3A_1478 = arith.constant 0 : i32
      %dma_start3A_1479 = tpu.memref_slice %arg7[%scan3A_1474, %dma_start3A_1478] : memref<64x128xi32, #tpu.memory_space<vmem>> -> memref<1x128xi32, #tpu.memory_space<vmem>>
      %dma_start3A_1480 = tpu.memref_squeeze %dma_start3A_1479 : memref<1x128xi32, #tpu.memory_space<vmem>> -> memref<128xi32, #tpu.memory_space<vmem>>
      %dma_start3A_1481 = arith.constant 5242880 : i32
      %dma_start3A_1482 = tpu.memref_slice %arg3[%dma_start3A_1481] : memref<16777216xf32, #tpu.memory_space<hbm>> -> memref<1048576xf32, #tpu.memory_space<hbm>>
      %dma_start3A_1483 = arith.constant 0 : i32
      %dma_start3A_1484 = tpu.memref_slice %dma_start3A_1482[%dma_start3A_1483] : memref<1048576xf32, #tpu.memory_space<hbm>> -> memref<1048576xf32, #tpu.memory_space<hbm>>
      tpu.enqueue_indirect_dma source(%dma_start3A_1484 : memref<1048576xf32, #tpu.memory_space<hbm>>) target(%dma_start3A_1477 : memref<128xf32, #tpu.memory_space<vmem>>) offsets(%dma_start3A_1480 : memref<128xi32, #tpu.memory_space<vmem>>) semaphore(%arg11 : memref<!tpu.dma_semaphore, #tpu.memory_space<semaphore_mem>>)
    }
    %scan3A_1053 = arith.constant 64 : i32
    %dma_wait3A_1054 = arith.constant 0 : i32
    %dma_wait3A_1055 = tpu.memref_slice %arg3[%dma_wait3A_1054] : memref<16777216xf32, #tpu.memory_space<hbm>> -> memref<8192xf32, #tpu.memory_space<hbm>>
    %dma_wait3A_1056 = arith.constant 0 : i32
    %dma_wait3A_1057 = tpu.memref_slice %arg3[%dma_wait3A_1056] : memref<16777216xf32, #tpu.memory_space<hbm>> -> memref<8192xf32, #tpu.memory_space<hbm>>
    tpu.wait_dma2 semaphore(%arg10 : memref<!tpu.dma_semaphore, #tpu.memory_space<semaphore_mem>>) src(%dma_wait3A_1057 : memref<8192xf32, #tpu.memory_space<hbm>>) dst(%arg8 : memref<8192xf32, #tpu.memory_space<vmem>>)
    %mul3A_1058 = arith.constant 4096 : i32
    %mul3A_1059 = arith.muli %add3A, %mul3A_1058 : i32
    %dma_start3A_1060 = arith.constant 8 : i32
    %dma_start3A_1061 = arith.constant 0 : i32
    %dma_start3A_1062 = tpu.memref_slice %arg8[%dma_start3A_1061] : memref<8192xf32, #tpu.memory_space<vmem>> -> memref<4096xf32, #tpu.memory_space<vmem>>
    %dma_start3A_1063 = tpu.memref_slice %arg4[%dma_start3A_1060, %mul3A_1059] : memref<32x131072xf32, #tpu.memory_space<hbm>> -> memref<1x4096xf32, #tpu.memory_space<hbm>>
    %dma_start3A_1064 = tpu.memref_squeeze %dma_start3A_1063 : memref<1x4096xf32, #tpu.memory_space<hbm>> -> memref<4096xf32, #tpu.memory_space<hbm>>
    %dma_start3A_1065 = tpu.memref_slice %arg4[%dma_start3A_1060, %mul3A_1059] : memref<32x131072xf32, #tpu.memory_space<hbm>> -> memref<1x4096xf32, #tpu.memory_space<hbm>>
    %dma_start3A_1066 = tpu.memref_squeeze %dma_start3A_1065 : memref<1x4096xf32, #tpu.memory_space<hbm>> -> memref<4096xf32, #tpu.memory_space<hbm>>
    %dma_start3A_1067 = arith.constant 0 : i32
    %dma_start3A_1068 = tpu.memref_slice %arg8[%dma_start3A_1067] : memref<8192xf32, #tpu.memory_space<vmem>> -> memref<4096xf32, #tpu.memory_space<vmem>>
    tpu.enqueue_dma source(%dma_start3A_1068 : memref<4096xf32, #tpu.memory_space<vmem>>) target(%dma_start3A_1066 : memref<4096xf32, #tpu.memory_space<hbm>>) target_semaphore(%arg12 : memref<!tpu.dma_semaphore, #tpu.memory_space<semaphore_mem>>)
    %mul3A_1069 = arith.constant 4096 : i32
    %mul3A_1070 = arith.muli %add3A, %mul3A_1069 : i32
    %dma_start3A_1071 = arith.constant 9 : i32
    %dma_start3A_1072 = arith.constant 4096 : i32
    %dma_start3A_1073 = tpu.memref_slice %arg8[%dma_start3A_1072] : memref<8192xf32, #tpu.memory_space<vmem>> -> memref<4096xf32, #tpu.memory_space<vmem>>
    %dma_start3A_1074 = tpu.memref_slice %arg4[%dma_start3A_1071, %mul3A_1070] : memref<32x131072xf32, #tpu.memory_space<hbm>> -> memref<1x4096xf32, #tpu.memory_space<hbm>>
    %dma_start3A_1075 = tpu.memref_squeeze %dma_start3A_1074 : memref<1x4096xf32, #tpu.memory_space<hbm>> -> memref<4096xf32, #tpu.memory_space<hbm>>
    %dma_start3A_1076 = tpu.memref_slice %arg4[%dma_start3A_1071, %mul3A_1070] : memref<32x131072xf32, #tpu.memory_space<hbm>> -> memref<1x4096xf32, #tpu.memory_space<hbm>>
    %dma_start3A_1077 = tpu.memref_squeeze %dma_start3A_1076 : memref<1x4096xf32, #tpu.memory_space<hbm>> -> memref<4096xf32, #tpu.memory_space<hbm>>
    %dma_start3A_1078 = arith.constant 4096 : i32
    %dma_start3A_1079 = tpu.memref_slice %arg8[%dma_start3A_1078] : memref<8192xf32, #tpu.memory_space<vmem>> -> memref<4096xf32, #tpu.memory_space<vmem>>
    tpu.enqueue_dma source(%dma_start3A_1079 : memref<4096xf32, #tpu.memory_space<vmem>>) target(%dma_start3A_1077 : memref<4096xf32, #tpu.memory_space<hbm>>) target_semaphore(%arg12 : memref<!tpu.dma_semaphore, #tpu.memory_space<semaphore_mem>>)
    %dma_wait3A_1080 = arith.constant 0 : i32
    %dma_wait3A_1081 = tpu.memref_slice %arg3[%dma_wait3A_1080] : memref<16777216xf32, #tpu.memory_space<hbm>> -> memref<8192xf32, #tpu.memory_space<hbm>>
    %dma_wait3A_1082 = arith.constant 0 : i32
    %dma_wait3A_1083 = tpu.memref_slice %arg3[%dma_wait3A_1082] : memref<16777216xf32, #tpu.memory_space<hbm>> -> memref<8192xf32, #tpu.memory_space<hbm>>
    tpu.wait_dma2 semaphore(%arg12 : memref<!tpu.dma_semaphore, #tpu.memory_space<semaphore_mem>>) src(%dma_wait3A_1083 : memref<8192xf32, #tpu.memory_space<hbm>>) dst(%arg8 : memref<8192xf32, #tpu.memory_space<vmem>>)
    %scan3A_1084 = arith.constant 0 : i32
    %scan3A_1085 = arith.constant 0 : i32
    %scan3A_1086 = arith.constant 64 : i32
    %scan3A_1087 = arith.addi %scan3A_1085, %scan3A_1086 : i32
    %scan3A_1088 = arith.constant 1 : i32
    scf.for %scan3A_1474 = %scan3A_1085 to %scan3A_1087 step %scan3A_1088  : i32 {
      %mul3A_1475 = arith.constant 128 : i32
      %mul3A_1476 = arith.muli %scan3A_1474, %mul3A_1475 : i32
      %dma_start3A_1477 = tpu.memref_slice %arg8[%mul3A_1476] : memref<8192xf32, #tpu.memory_space<vmem>> -> memref<128xf32, #tpu.memory_space<vmem>>
      %dma_start3A_1478 = arith.constant 0 : i32
      %dma_start3A_1479 = tpu.memref_slice %arg7[%scan3A_1474, %dma_start3A_1478] : memref<64x128xi32, #tpu.memory_space<vmem>> -> memref<1x128xi32, #tpu.memory_space<vmem>>
      %dma_start3A_1480 = tpu.memref_squeeze %dma_start3A_1479 : memref<1x128xi32, #tpu.memory_space<vmem>> -> memref<128xi32, #tpu.memory_space<vmem>>
      %dma_start3A_1481 = arith.constant 6291456 : i32
      %dma_start3A_1482 = tpu.memref_slice %arg3[%dma_start3A_1481] : memref<16777216xf32, #tpu.memory_space<hbm>> -> memref<1048576xf32, #tpu.memory_space<hbm>>
      %dma_start3A_1483 = arith.constant 0 : i32
      %dma_start3A_1484 = tpu.memref_slice %dma_start3A_1482[%dma_start3A_1483] : memref<1048576xf32, #tpu.memory_space<hbm>> -> memref<1048576xf32, #tpu.memory_space<hbm>>
      tpu.enqueue_indirect_dma source(%dma_start3A_1484 : memref<1048576xf32, #tpu.memory_space<hbm>>) target(%dma_start3A_1477 : memref<128xf32, #tpu.memory_space<vmem>>) offsets(%dma_start3A_1480 : memref<128xi32, #tpu.memory_space<vmem>>) semaphore(%arg10 : memref<!tpu.dma_semaphore, #tpu.memory_space<semaphore_mem>>)
    }
    %scan3A_1089 = arith.constant 64 : i32
    %dma_wait3A_1090 = arith.constant 0 : i32
    %dma_wait3A_1091 = tpu.memref_slice %arg3[%dma_wait3A_1090] : memref<16777216xf32, #tpu.memory_space<hbm>> -> memref<8192xf32, #tpu.memory_space<hbm>>
    %dma_wait3A_1092 = arith.constant 0 : i32
    %dma_wait3A_1093 = tpu.memref_slice %arg3[%dma_wait3A_1092] : memref<16777216xf32, #tpu.memory_space<hbm>> -> memref<8192xf32, #tpu.memory_space<hbm>>
    tpu.wait_dma2 semaphore(%arg11 : memref<!tpu.dma_semaphore, #tpu.memory_space<semaphore_mem>>) src(%dma_wait3A_1093 : memref<8192xf32, #tpu.memory_space<hbm>>) dst(%arg9 : memref<8192xf32, #tpu.memory_space<vmem>>)
    %mul3A_1094 = arith.constant 4096 : i32
    %mul3A_1095 = arith.muli %add3A, %mul3A_1094 : i32
    %dma_start3A_1096 = arith.constant 10 : i32
    %dma_start3A_1097 = arith.constant 0 : i32
    %dma_start3A_1098 = tpu.memref_slice %arg9[%dma_start3A_1097] : memref<8192xf32, #tpu.memory_space<vmem>> -> memref<4096xf32, #tpu.memory_space<vmem>>
    %dma_start3A_1099 = tpu.memref_slice %arg4[%dma_start3A_1096, %mul3A_1095] : memref<32x131072xf32, #tpu.memory_space<hbm>> -> memref<1x4096xf32, #tpu.memory_space<hbm>>
    %dma_start3A_1100 = tpu.memref_squeeze %dma_start3A_1099 : memref<1x4096xf32, #tpu.memory_space<hbm>> -> memref<4096xf32, #tpu.memory_space<hbm>>
    %dma_start3A_1101 = tpu.memref_slice %arg4[%dma_start3A_1096, %mul3A_1095] : memref<32x131072xf32, #tpu.memory_space<hbm>> -> memref<1x4096xf32, #tpu.memory_space<hbm>>
    %dma_start3A_1102 = tpu.memref_squeeze %dma_start3A_1101 : memref<1x4096xf32, #tpu.memory_space<hbm>> -> memref<4096xf32, #tpu.memory_space<hbm>>
    %dma_start3A_1103 = arith.constant 0 : i32
    %dma_start3A_1104 = tpu.memref_slice %arg9[%dma_start3A_1103] : memref<8192xf32, #tpu.memory_space<vmem>> -> memref<4096xf32, #tpu.memory_space<vmem>>
    tpu.enqueue_dma source(%dma_start3A_1104 : memref<4096xf32, #tpu.memory_space<vmem>>) target(%dma_start3A_1102 : memref<4096xf32, #tpu.memory_space<hbm>>) target_semaphore(%arg12 : memref<!tpu.dma_semaphore, #tpu.memory_space<semaphore_mem>>)
    %mul3A_1105 = arith.constant 4096 : i32
    %mul3A_1106 = arith.muli %add3A, %mul3A_1105 : i32
    %dma_start3A_1107 = arith.constant 11 : i32
    %dma_start3A_1108 = arith.constant 4096 : i32
    %dma_start3A_1109 = tpu.memref_slice %arg9[%dma_start3A_1108] : memref<8192xf32, #tpu.memory_space<vmem>> -> memref<4096xf32, #tpu.memory_space<vmem>>
    %dma_start3A_1110 = tpu.memref_slice %arg4[%dma_start3A_1107, %mul3A_1106] : memref<32x131072xf32, #tpu.memory_space<hbm>> -> memref<1x4096xf32, #tpu.memory_space<hbm>>
    %dma_start3A_1111 = tpu.memref_squeeze %dma_start3A_1110 : memref<1x4096xf32, #tpu.memory_space<hbm>> -> memref<4096xf32, #tpu.memory_space<hbm>>
    %dma_start3A_1112 = tpu.memref_slice %arg4[%dma_start3A_1107, %mul3A_1106] : memref<32x131072xf32, #tpu.memory_space<hbm>> -> memref<1x4096xf32, #tpu.memory_space<hbm>>
    %dma_start3A_1113 = tpu.memref_squeeze %dma_start3A_1112 : memref<1x4096xf32, #tpu.memory_space<hbm>> -> memref<4096xf32, #tpu.memory_space<hbm>>
    %dma_start3A_1114 = arith.constant 4096 : i32
    %dma_start3A_1115 = tpu.memref_slice %arg9[%dma_start3A_1114] : memref<8192xf32, #tpu.memory_space<vmem>> -> memref<4096xf32, #tpu.memory_space<vmem>>
    tpu.enqueue_dma source(%dma_start3A_1115 : memref<4096xf32, #tpu.memory_space<vmem>>) target(%dma_start3A_1113 : memref<4096xf32, #tpu.memory_space<hbm>>) target_semaphore(%arg12 : memref<!tpu.dma_semaphore, #tpu.memory_space<semaphore_mem>>)
    %dma_wait3A_1116 = arith.constant 0 : i32
    %dma_wait3A_1117 = tpu.memref_slice %arg3[%dma_wait3A_1116] : memref<16777216xf32, #tpu.memory_space<hbm>> -> memref<8192xf32, #tpu.memory_space<hbm>>
    %dma_wait3A_1118 = arith.constant 0 : i32
    %dma_wait3A_1119 = tpu.memref_slice %arg3[%dma_wait3A_1118] : memref<16777216xf32, #tpu.memory_space<hbm>> -> memref<8192xf32, #tpu.memory_space<hbm>>
    tpu.wait_dma2 semaphore(%arg12 : memref<!tpu.dma_semaphore, #tpu.memory_space<semaphore_mem>>) src(%dma_wait3A_1119 : memref<8192xf32, #tpu.memory_space<hbm>>) dst(%arg9 : memref<8192xf32, #tpu.memory_space<vmem>>)
    %scan3A_1120 = arith.constant 0 : i32
    %scan3A_1121 = arith.constant 0 : i32
    %scan3A_1122 = arith.constant 64 : i32
    %scan3A_1123 = arith.addi %scan3A_1121, %scan3A_1122 : i32
    %scan3A_1124 = arith.constant 1 : i32
    scf.for %scan3A_1474 = %scan3A_1121 to %scan3A_1123 step %scan3A_1124  : i32 {
      %mul3A_1475 = arith.constant 128 : i32
      %mul3A_1476 = arith.muli %scan3A_1474, %mul3A_1475 : i32
      %dma_start3A_1477 = tpu.memref_slice %arg9[%mul3A_1476] : memref<8192xf32, #tpu.memory_space<vmem>> -> memref<128xf32, #tpu.memory_space<vmem>>
      %dma_start3A_1478 = arith.constant 0 : i32
      %dma_start3A_1479 = tpu.memref_slice %arg7[%scan3A_1474, %dma_start3A_1478] : memref<64x128xi32, #tpu.memory_space<vmem>> -> memref<1x128xi32, #tpu.memory_space<vmem>>
      %dma_start3A_1480 = tpu.memref_squeeze %dma_start3A_1479 : memref<1x128xi32, #tpu.memory_space<vmem>> -> memref<128xi32, #tpu.memory_space<vmem>>
      %dma_start3A_1481 = arith.constant 7340032 : i32
      %dma_start3A_1482 = tpu.memref_slice %arg3[%dma_start3A_1481] : memref<16777216xf32, #tpu.memory_space<hbm>> -> memref<1048576xf32, #tpu.memory_space<hbm>>
      %dma_start3A_1483 = arith.constant 0 : i32
      %dma_start3A_1484 = tpu.memref_slice %dma_start3A_1482[%dma_start3A_1483] : memref<1048576xf32, #tpu.memory_space<hbm>> -> memref<1048576xf32, #tpu.memory_space<hbm>>
      tpu.enqueue_indirect_dma source(%dma_start3A_1484 : memref<1048576xf32, #tpu.memory_space<hbm>>) target(%dma_start3A_1477 : memref<128xf32, #tpu.memory_space<vmem>>) offsets(%dma_start3A_1480 : memref<128xi32, #tpu.memory_space<vmem>>) semaphore(%arg11 : memref<!tpu.dma_semaphore, #tpu.memory_space<semaphore_mem>>)
    }
    %scan3A_1125 = arith.constant 64 : i32
    %dma_wait3A_1126 = arith.constant 0 : i32
    %dma_wait3A_1127 = tpu.memref_slice %arg3[%dma_wait3A_1126] : memref<16777216xf32, #tpu.memory_space<hbm>> -> memref<8192xf32, #tpu.memory_space<hbm>>
    %dma_wait3A_1128 = arith.constant 0 : i32
    %dma_wait3A_1129 = tpu.memref_slice %arg3[%dma_wait3A_1128] : memref<16777216xf32, #tpu.memory_space<hbm>> -> memref<8192xf32, #tpu.memory_space<hbm>>
    tpu.wait_dma2 semaphore(%arg10 : memref<!tpu.dma_semaphore, #tpu.memory_space<semaphore_mem>>) src(%dma_wait3A_1129 : memref<8192xf32, #tpu.memory_space<hbm>>) dst(%arg8 : memref<8192xf32, #tpu.memory_space<vmem>>)
    %mul3A_1130 = arith.constant 4096 : i32
    %mul3A_1131 = arith.muli %add3A, %mul3A_1130 : i32
    %dma_start3A_1132 = arith.constant 12 : i32
    %dma_start3A_1133 = arith.constant 0 : i32
    %dma_start3A_1134 = tpu.memref_slice %arg8[%dma_start3A_1133] : memref<8192xf32, #tpu.memory_space<vmem>> -> memref<4096xf32, #tpu.memory_space<vmem>>
    %dma_start3A_1135 = tpu.memref_slice %arg4[%dma_start3A_1132, %mul3A_1131] : memref<32x131072xf32, #tpu.memory_space<hbm>> -> memref<1x4096xf32, #tpu.memory_space<hbm>>
    %dma_start3A_1136 = tpu.memref_squeeze %dma_start3A_1135 : memref<1x4096xf32, #tpu.memory_space<hbm>> -> memref<4096xf32, #tpu.memory_space<hbm>>
    %dma_start3A_1137 = tpu.memref_slice %arg4[%dma_start3A_1132, %mul3A_1131] : memref<32x131072xf32, #tpu.memory_space<hbm>> -> memref<1x4096xf32, #tpu.memory_space<hbm>>
    %dma_start3A_1138 = tpu.memref_squeeze %dma_start3A_1137 : memref<1x4096xf32, #tpu.memory_space<hbm>> -> memref<4096xf32, #tpu.memory_space<hbm>>
    %dma_start3A_1139 = arith.constant 0 : i32
    %dma_start3A_1140 = tpu.memref_slice %arg8[%dma_start3A_1139] : memref<8192xf32, #tpu.memory_space<vmem>> -> memref<4096xf32, #tpu.memory_space<vmem>>
    tpu.enqueue_dma source(%dma_start3A_1140 : memref<4096xf32, #tpu.memory_space<vmem>>) target(%dma_start3A_1138 : memref<4096xf32, #tpu.memory_space<hbm>>) target_semaphore(%arg12 : memref<!tpu.dma_semaphore, #tpu.memory_space<semaphore_mem>>)
    %mul3A_1141 = arith.constant 4096 : i32
    %mul3A_1142 = arith.muli %add3A, %mul3A_1141 : i32
    %dma_start3A_1143 = arith.constant 13 : i32
    %dma_start3A_1144 = arith.constant 4096 : i32
    %dma_start3A_1145 = tpu.memref_slice %arg8[%dma_start3A_1144] : memref<8192xf32, #tpu.memory_space<vmem>> -> memref<4096xf32, #tpu.memory_space<vmem>>
    %dma_start3A_1146 = tpu.memref_slice %arg4[%dma_start3A_1143, %mul3A_1142] : memref<32x131072xf32, #tpu.memory_space<hbm>> -> memref<1x4096xf32, #tpu.memory_space<hbm>>
    %dma_start3A_1147 = tpu.memref_squeeze %dma_start3A_1146 : memref<1x4096xf32, #tpu.memory_space<hbm>> -> memref<4096xf32, #tpu.memory_space<hbm>>
    %dma_start3A_1148 = tpu.memref_slice %arg4[%dma_start3A_1143, %mul3A_1142] : memref<32x131072xf32, #tpu.memory_space<hbm>> -> memref<1x4096xf32, #tpu.memory_space<hbm>>
    %dma_start3A_1149 = tpu.memref_squeeze %dma_start3A_1148 : memref<1x4096xf32, #tpu.memory_space<hbm>> -> memref<4096xf32, #tpu.memory_space<hbm>>
    %dma_start3A_1150 = arith.constant 4096 : i32
    %dma_start3A_1151 = tpu.memref_slice %arg8[%dma_start3A_1150] : memref<8192xf32, #tpu.memory_space<vmem>> -> memref<4096xf32, #tpu.memory_space<vmem>>
    tpu.enqueue_dma source(%dma_start3A_1151 : memref<4096xf32, #tpu.memory_space<vmem>>) target(%dma_start3A_1149 : memref<4096xf32, #tpu.memory_space<hbm>>) target_semaphore(%arg12 : memref<!tpu.dma_semaphore, #tpu.memory_space<semaphore_mem>>)
    %dma_wait3A_1152 = arith.constant 0 : i32
    %dma_wait3A_1153 = tpu.memref_slice %arg3[%dma_wait3A_1152] : memref<16777216xf32, #tpu.memory_space<hbm>> -> memref<8192xf32, #tpu.memory_space<hbm>>
    %dma_wait3A_1154 = arith.constant 0 : i32
    %dma_wait3A_1155 = tpu.memref_slice %arg3[%dma_wait3A_1154] : memref<16777216xf32, #tpu.memory_space<hbm>> -> memref<8192xf32, #tpu.memory_space<hbm>>
    tpu.wait_dma2 semaphore(%arg12 : memref<!tpu.dma_semaphore, #tpu.memory_space<semaphore_mem>>) src(%dma_wait3A_1155 : memref<8192xf32, #tpu.memory_space<hbm>>) dst(%arg8 : memref<8192xf32, #tpu.memory_space<vmem>>)
    %scan3A_1156 = arith.constant 0 : i32
    %scan3A_1157 = arith.constant 0 : i32
    %scan3A_1158 = arith.constant 64 : i32
    %scan3A_1159 = arith.addi %scan3A_1157, %scan3A_1158 : i32
    %scan3A_1160 = arith.constant 1 : i32
    scf.for %scan3A_1474 = %scan3A_1157 to %scan3A_1159 step %scan3A_1160  : i32 {
      %mul3A_1475 = arith.constant 128 : i32
      %mul3A_1476 = arith.muli %scan3A_1474, %mul3A_1475 : i32
      %dma_start3A_1477 = tpu.memref_slice %arg8[%mul3A_1476] : memref<8192xf32, #tpu.memory_space<vmem>> -> memref<128xf32, #tpu.memory_space<vmem>>
      %dma_start3A_1478 = arith.constant 0 : i32
      %dma_start3A_1479 = tpu.memref_slice %arg7[%scan3A_1474, %dma_start3A_1478] : memref<64x128xi32, #tpu.memory_space<vmem>> -> memref<1x128xi32, #tpu.memory_space<vmem>>
      %dma_start3A_1480 = tpu.memref_squeeze %dma_start3A_1479 : memref<1x128xi32, #tpu.memory_space<vmem>> -> memref<128xi32, #tpu.memory_space<vmem>>
      %dma_start3A_1481 = arith.constant 8388608 : i32
      %dma_start3A_1482 = tpu.memref_slice %arg3[%dma_start3A_1481] : memref<16777216xf32, #tpu.memory_space<hbm>> -> memref<1048576xf32, #tpu.memory_space<hbm>>
      %dma_start3A_1483 = arith.constant 0 : i32
      %dma_start3A_1484 = tpu.memref_slice %dma_start3A_1482[%dma_start3A_1483] : memref<1048576xf32, #tpu.memory_space<hbm>> -> memref<1048576xf32, #tpu.memory_space<hbm>>
      tpu.enqueue_indirect_dma source(%dma_start3A_1484 : memref<1048576xf32, #tpu.memory_space<hbm>>) target(%dma_start3A_1477 : memref<128xf32, #tpu.memory_space<vmem>>) offsets(%dma_start3A_1480 : memref<128xi32, #tpu.memory_space<vmem>>) semaphore(%arg10 : memref<!tpu.dma_semaphore, #tpu.memory_space<semaphore_mem>>)
    }
    %scan3A_1161 = arith.constant 64 : i32
    %dma_wait3A_1162 = arith.constant 0 : i32
    %dma_wait3A_1163 = tpu.memref_slice %arg3[%dma_wait3A_1162] : memref<16777216xf32, #tpu.memory_space<hbm>> -> memref<8192xf32, #tpu.memory_space<hbm>>
    %dma_wait3A_1164 = arith.constant 0 : i32
    %dma_wait3A_1165 = tpu.memref_slice %arg3[%dma_wait3A_1164] : memref<16777216xf32, #tpu.memory_space<hbm>> -> memref<8192xf32, #tpu.memory_space<hbm>>
    tpu.wait_dma2 semaphore(%arg11 : memref<!tpu.dma_semaphore, #tpu.memory_space<semaphore_mem>>) src(%dma_wait3A_1165 : memref<8192xf32, #tpu.memory_space<hbm>>) dst(%arg9 : memref<8192xf32, #tpu.memory_space<vmem>>)
    %mul3A_1166 = arith.constant 4096 : i32
    %mul3A_1167 = arith.muli %add3A, %mul3A_1166 : i32
    %dma_start3A_1168 = arith.constant 14 : i32
    %dma_start3A_1169 = arith.constant 0 : i32
    %dma_start3A_1170 = tpu.memref_slice %arg9[%dma_start3A_1169] : memref<8192xf32, #tpu.memory_space<vmem>> -> memref<4096xf32, #tpu.memory_space<vmem>>
    %dma_start3A_1171 = tpu.memref_slice %arg4[%dma_start3A_1168, %mul3A_1167] : memref<32x131072xf32, #tpu.memory_space<hbm>> -> memref<1x4096xf32, #tpu.memory_space<hbm>>
    %dma_start3A_1172 = tpu.memref_squeeze %dma_start3A_1171 : memref<1x4096xf32, #tpu.memory_space<hbm>> -> memref<4096xf32, #tpu.memory_space<hbm>>
    %dma_start3A_1173 = tpu.memref_slice %arg4[%dma_start3A_1168, %mul3A_1167] : memref<32x131072xf32, #tpu.memory_space<hbm>> -> memref<1x4096xf32, #tpu.memory_space<hbm>>
    %dma_start3A_1174 = tpu.memref_squeeze %dma_start3A_1173 : memref<1x4096xf32, #tpu.memory_space<hbm>> -> memref<4096xf32, #tpu.memory_space<hbm>>
    %dma_start3A_1175 = arith.constant 0 : i32
    %dma_start3A_1176 = tpu.memref_slice %arg9[%dma_start3A_1175] : memref<8192xf32, #tpu.memory_space<vmem>> -> memref<4096xf32, #tpu.memory_space<vmem>>
    tpu.enqueue_dma source(%dma_start3A_1176 : memref<4096xf32, #tpu.memory_space<vmem>>) target(%dma_start3A_1174 : memref<4096xf32, #tpu.memory_space<hbm>>) target_semaphore(%arg12 : memref<!tpu.dma_semaphore, #tpu.memory_space<semaphore_mem>>)
    %mul3A_1177 = arith.constant 4096 : i32
    %mul3A_1178 = arith.muli %add3A, %mul3A_1177 : i32
    %dma_start3A_1179 = arith.constant 15 : i32
    %dma_start3A_1180 = arith.constant 4096 : i32
    %dma_start3A_1181 = tpu.memref_slice %arg9[%dma_start3A_1180] : memref<8192xf32, #tpu.memory_space<vmem>> -> memref<4096xf32, #tpu.memory_space<vmem>>
    %dma_start3A_1182 = tpu.memref_slice %arg4[%dma_start3A_1179, %mul3A_1178] : memref<32x131072xf32, #tpu.memory_space<hbm>> -> memref<1x4096xf32, #tpu.memory_space<hbm>>
    %dma_start3A_1183 = tpu.memref_squeeze %dma_start3A_1182 : memref<1x4096xf32, #tpu.memory_space<hbm>> -> memref<4096xf32, #tpu.memory_space<hbm>>
    %dma_start3A_1184 = tpu.memref_slice %arg4[%dma_start3A_1179, %mul3A_1178] : memref<32x131072xf32, #tpu.memory_space<hbm>> -> memref<1x4096xf32, #tpu.memory_space<hbm>>
    %dma_start3A_1185 = tpu.memref_squeeze %dma_start3A_1184 : memref<1x4096xf32, #tpu.memory_space<hbm>> -> memref<4096xf32, #tpu.memory_space<hbm>>
    %dma_start3A_1186 = arith.constant 4096 : i32
    %dma_start3A_1187 = tpu.memref_slice %arg9[%dma_start3A_1186] : memref<8192xf32, #tpu.memory_space<vmem>> -> memref<4096xf32, #tpu.memory_space<vmem>>
    tpu.enqueue_dma source(%dma_start3A_1187 : memref<4096xf32, #tpu.memory_space<vmem>>) target(%dma_start3A_1185 : memref<4096xf32, #tpu.memory_space<hbm>>) target_semaphore(%arg12 : memref<!tpu.dma_semaphore, #tpu.memory_space<semaphore_mem>>)
    %dma_wait3A_1188 = arith.constant 0 : i32
    %dma_wait3A_1189 = tpu.memref_slice %arg3[%dma_wait3A_1188] : memref<16777216xf32, #tpu.memory_space<hbm>> -> memref<8192xf32, #tpu.memory_space<hbm>>
    %dma_wait3A_1190 = arith.constant 0 : i32
    %dma_wait3A_1191 = tpu.memref_slice %arg3[%dma_wait3A_1190] : memref<16777216xf32, #tpu.memory_space<hbm>> -> memref<8192xf32, #tpu.memory_space<hbm>>
    tpu.wait_dma2 semaphore(%arg12 : memref<!tpu.dma_semaphore, #tpu.memory_space<semaphore_mem>>) src(%dma_wait3A_1191 : memref<8192xf32, #tpu.memory_space<hbm>>) dst(%arg9 : memref<8192xf32, #tpu.memory_space<vmem>>)
    %scan3A_1192 = arith.constant 0 : i32
    %scan3A_1193 = arith.constant 0 : i32
    %scan3A_1194 = arith.constant 64 : i32
    %scan3A_1195 = arith.addi %scan3A_1193, %scan3A_1194 : i32
    %scan3A_1196 = arith.constant 1 : i32
    scf.for %scan3A_1474 = %scan3A_1193 to %scan3A_1195 step %scan3A_1196  : i32 {
      %mul3A_1475 = arith.constant 128 : i32
      %mul3A_1476 = arith.muli %scan3A_1474, %mul3A_1475 : i32
      %dma_start3A_1477 = tpu.memref_slice %arg9[%mul3A_1476] : memref<8192xf32, #tpu.memory_space<vmem>> -> memref<128xf32, #tpu.memory_space<vmem>>
      %dma_start3A_1478 = arith.constant 0 : i32
      %dma_start3A_1479 = tpu.memref_slice %arg7[%scan3A_1474, %dma_start3A_1478] : memref<64x128xi32, #tpu.memory_space<vmem>> -> memref<1x128xi32, #tpu.memory_space<vmem>>
      %dma_start3A_1480 = tpu.memref_squeeze %dma_start3A_1479 : memref<1x128xi32, #tpu.memory_space<vmem>> -> memref<128xi32, #tpu.memory_space<vmem>>
      %dma_start3A_1481 = arith.constant 9437184 : i32
      %dma_start3A_1482 = tpu.memref_slice %arg3[%dma_start3A_1481] : memref<16777216xf32, #tpu.memory_space<hbm>> -> memref<1048576xf32, #tpu.memory_space<hbm>>
      %dma_start3A_1483 = arith.constant 0 : i32
      %dma_start3A_1484 = tpu.memref_slice %dma_start3A_1482[%dma_start3A_1483] : memref<1048576xf32, #tpu.memory_space<hbm>> -> memref<1048576xf32, #tpu.memory_space<hbm>>
      tpu.enqueue_indirect_dma source(%dma_start3A_1484 : memref<1048576xf32, #tpu.memory_space<hbm>>) target(%dma_start3A_1477 : memref<128xf32, #tpu.memory_space<vmem>>) offsets(%dma_start3A_1480 : memref<128xi32, #tpu.memory_space<vmem>>) semaphore(%arg11 : memref<!tpu.dma_semaphore, #tpu.memory_space<semaphore_mem>>)
    }
    %scan3A_1197 = arith.constant 64 : i32
    %dma_wait3A_1198 = arith.constant 0 : i32
    %dma_wait3A_1199 = tpu.memref_slice %arg3[%dma_wait3A_1198] : memref<16777216xf32, #tpu.memory_space<hbm>> -> memref<8192xf32, #tpu.memory_space<hbm>>
    %dma_wait3A_1200 = arith.constant 0 : i32
    %dma_wait3A_1201 = tpu.memref_slice %arg3[%dma_wait3A_1200] : memref<16777216xf32, #tpu.memory_space<hbm>> -> memref<8192xf32, #tpu.memory_space<hbm>>
    tpu.wait_dma2 semaphore(%arg10 : memref<!tpu.dma_semaphore, #tpu.memory_space<semaphore_mem>>) src(%dma_wait3A_1201 : memref<8192xf32, #tpu.memory_space<hbm>>) dst(%arg8 : memref<8192xf32, #tpu.memory_space<vmem>>)
    %mul3A_1202 = arith.constant 4096 : i32
    %mul3A_1203 = arith.muli %add3A, %mul3A_1202 : i32
    %dma_start3A_1204 = arith.constant 16 : i32
    %dma_start3A_1205 = arith.constant 0 : i32
    %dma_start3A_1206 = tpu.memref_slice %arg8[%dma_start3A_1205] : memref<8192xf32, #tpu.memory_space<vmem>> -> memref<4096xf32, #tpu.memory_space<vmem>>
    %dma_start3A_1207 = tpu.memref_slice %arg4[%dma_start3A_1204, %mul3A_1203] : memref<32x131072xf32, #tpu.memory_space<hbm>> -> memref<1x4096xf32, #tpu.memory_space<hbm>>
    %dma_start3A_1208 = tpu.memref_squeeze %dma_start3A_1207 : memref<1x4096xf32, #tpu.memory_space<hbm>> -> memref<4096xf32, #tpu.memory_space<hbm>>
    %dma_start3A_1209 = tpu.memref_slice %arg4[%dma_start3A_1204, %mul3A_1203] : memref<32x131072xf32, #tpu.memory_space<hbm>> -> memref<1x4096xf32, #tpu.memory_space<hbm>>
    %dma_start3A_1210 = tpu.memref_squeeze %dma_start3A_1209 : memref<1x4096xf32, #tpu.memory_space<hbm>> -> memref<4096xf32, #tpu.memory_space<hbm>>
    %dma_start3A_1211 = arith.constant 0 : i32
    %dma_start3A_1212 = tpu.memref_slice %arg8[%dma_start3A_1211] : memref<8192xf32, #tpu.memory_space<vmem>> -> memref<4096xf32, #tpu.memory_space<vmem>>
    tpu.enqueue_dma source(%dma_start3A_1212 : memref<4096xf32, #tpu.memory_space<vmem>>) target(%dma_start3A_1210 : memref<4096xf32, #tpu.memory_space<hbm>>) target_semaphore(%arg12 : memref<!tpu.dma_semaphore, #tpu.memory_space<semaphore_mem>>)
    %mul3A_1213 = arith.constant 4096 : i32
    %mul3A_1214 = arith.muli %add3A, %mul3A_1213 : i32
    %dma_start3A_1215 = arith.constant 17 : i32
    %dma_start3A_1216 = arith.constant 4096 : i32
    %dma_start3A_1217 = tpu.memref_slice %arg8[%dma_start3A_1216] : memref<8192xf32, #tpu.memory_space<vmem>> -> memref<4096xf32, #tpu.memory_space<vmem>>
    %dma_start3A_1218 = tpu.memref_slice %arg4[%dma_start3A_1215, %mul3A_1214] : memref<32x131072xf32, #tpu.memory_space<hbm>> -> memref<1x4096xf32, #tpu.memory_space<hbm>>
    %dma_start3A_1219 = tpu.memref_squeeze %dma_start3A_1218 : memref<1x4096xf32, #tpu.memory_space<hbm>> -> memref<4096xf32, #tpu.memory_space<hbm>>
    %dma_start3A_1220 = tpu.memref_slice %arg4[%dma_start3A_1215, %mul3A_1214] : memref<32x131072xf32, #tpu.memory_space<hbm>> -> memref<1x4096xf32, #tpu.memory_space<hbm>>
    %dma_start3A_1221 = tpu.memref_squeeze %dma_start3A_1220 : memref<1x4096xf32, #tpu.memory_space<hbm>> -> memref<4096xf32, #tpu.memory_space<hbm>>
    %dma_start3A_1222 = arith.constant 4096 : i32
    %dma_start3A_1223 = tpu.memref_slice %arg8[%dma_start3A_1222] : memref<8192xf32, #tpu.memory_space<vmem>> -> memref<4096xf32, #tpu.memory_space<vmem>>
    tpu.enqueue_dma source(%dma_start3A_1223 : memref<4096xf32, #tpu.memory_space<vmem>>) target(%dma_start3A_1221 : memref<4096xf32, #tpu.memory_space<hbm>>) target_semaphore(%arg12 : memref<!tpu.dma_semaphore, #tpu.memory_space<semaphore_mem>>)
    %dma_wait3A_1224 = arith.constant 0 : i32
    %dma_wait3A_1225 = tpu.memref_slice %arg3[%dma_wait3A_1224] : memref<16777216xf32, #tpu.memory_space<hbm>> -> memref<8192xf32, #tpu.memory_space<hbm>>
    %dma_wait3A_1226 = arith.constant 0 : i32
    %dma_wait3A_1227 = tpu.memref_slice %arg3[%dma_wait3A_1226] : memref<16777216xf32, #tpu.memory_space<hbm>> -> memref<8192xf32, #tpu.memory_space<hbm>>
    tpu.wait_dma2 semaphore(%arg12 : memref<!tpu.dma_semaphore, #tpu.memory_space<semaphore_mem>>) src(%dma_wait3A_1227 : memref<8192xf32, #tpu.memory_space<hbm>>) dst(%arg8 : memref<8192xf32, #tpu.memory_space<vmem>>)
    %scan3A_1228 = arith.constant 0 : i32
    %scan3A_1229 = arith.constant 0 : i32
    %scan3A_1230 = arith.constant 64 : i32
    %scan3A_1231 = arith.addi %scan3A_1229, %scan3A_1230 : i32
    %scan3A_1232 = arith.constant 1 : i32
    scf.for %scan3A_1474 = %scan3A_1229 to %scan3A_1231 step %scan3A_1232  : i32 {
      %mul3A_1475 = arith.constant 128 : i32
      %mul3A_1476 = arith.muli %scan3A_1474, %mul3A_1475 : i32
      %dma_start3A_1477 = tpu.memref_slice %arg8[%mul3A_1476] : memref<8192xf32, #tpu.memory_space<vmem>> -> memref<128xf32, #tpu.memory_space<vmem>>
      %dma_start3A_1478 = arith.constant 0 : i32
      %dma_start3A_1479 = tpu.memref_slice %arg7[%scan3A_1474, %dma_start3A_1478] : memref<64x128xi32, #tpu.memory_space<vmem>> -> memref<1x128xi32, #tpu.memory_space<vmem>>
      %dma_start3A_1480 = tpu.memref_squeeze %dma_start3A_1479 : memref<1x128xi32, #tpu.memory_space<vmem>> -> memref<128xi32, #tpu.memory_space<vmem>>
      %dma_start3A_1481 = arith.constant 10485760 : i32
      %dma_start3A_1482 = tpu.memref_slice %arg3[%dma_start3A_1481] : memref<16777216xf32, #tpu.memory_space<hbm>> -> memref<1048576xf32, #tpu.memory_space<hbm>>
      %dma_start3A_1483 = arith.constant 0 : i32
      %dma_start3A_1484 = tpu.memref_slice %dma_start3A_1482[%dma_start3A_1483] : memref<1048576xf32, #tpu.memory_space<hbm>> -> memref<1048576xf32, #tpu.memory_space<hbm>>
      tpu.enqueue_indirect_dma source(%dma_start3A_1484 : memref<1048576xf32, #tpu.memory_space<hbm>>) target(%dma_start3A_1477 : memref<128xf32, #tpu.memory_space<vmem>>) offsets(%dma_start3A_1480 : memref<128xi32, #tpu.memory_space<vmem>>) semaphore(%arg10 : memref<!tpu.dma_semaphore, #tpu.memory_space<semaphore_mem>>)
    }
    %scan3A_1233 = arith.constant 64 : i32
    %dma_wait3A_1234 = arith.constant 0 : i32
    %dma_wait3A_1235 = tpu.memref_slice %arg3[%dma_wait3A_1234] : memref<16777216xf32, #tpu.memory_space<hbm>> -> memref<8192xf32, #tpu.memory_space<hbm>>
    %dma_wait3A_1236 = arith.constant 0 : i32
    %dma_wait3A_1237 = tpu.memref_slice %arg3[%dma_wait3A_1236] : memref<16777216xf32, #tpu.memory_space<hbm>> -> memref<8192xf32, #tpu.memory_space<hbm>>
    tpu.wait_dma2 semaphore(%arg11 : memref<!tpu.dma_semaphore, #tpu.memory_space<semaphore_mem>>) src(%dma_wait3A_1237 : memref<8192xf32, #tpu.memory_space<hbm>>) dst(%arg9 : memref<8192xf32, #tpu.memory_space<vmem>>)
    %mul3A_1238 = arith.constant 4096 : i32
    %mul3A_1239 = arith.muli %add3A, %mul3A_1238 : i32
    %dma_start3A_1240 = arith.constant 18 : i32
    %dma_start3A_1241 = arith.constant 0 : i32
    %dma_start3A_1242 = tpu.memref_slice %arg9[%dma_start3A_1241] : memref<8192xf32, #tpu.memory_space<vmem>> -> memref<4096xf32, #tpu.memory_space<vmem>>
    %dma_start3A_1243 = tpu.memref_slice %arg4[%dma_start3A_1240, %mul3A_1239] : memref<32x131072xf32, #tpu.memory_space<hbm>> -> memref<1x4096xf32, #tpu.memory_space<hbm>>
    %dma_start3A_1244 = tpu.memref_squeeze %dma_start3A_1243 : memref<1x4096xf32, #tpu.memory_space<hbm>> -> memref<4096xf32, #tpu.memory_space<hbm>>
    %dma_start3A_1245 = tpu.memref_slice %arg4[%dma_start3A_1240, %mul3A_1239] : memref<32x131072xf32, #tpu.memory_space<hbm>> -> memref<1x4096xf32, #tpu.memory_space<hbm>>
    %dma_start3A_1246 = tpu.memref_squeeze %dma_start3A_1245 : memref<1x4096xf32, #tpu.memory_space<hbm>> -> memref<4096xf32, #tpu.memory_space<hbm>>
    %dma_start3A_1247 = arith.constant 0 : i32
    %dma_start3A_1248 = tpu.memref_slice %arg9[%dma_start3A_1247] : memref<8192xf32, #tpu.memory_space<vmem>> -> memref<4096xf32, #tpu.memory_space<vmem>>
    tpu.enqueue_dma source(%dma_start3A_1248 : memref<4096xf32, #tpu.memory_space<vmem>>) target(%dma_start3A_1246 : memref<4096xf32, #tpu.memory_space<hbm>>) target_semaphore(%arg12 : memref<!tpu.dma_semaphore, #tpu.memory_space<semaphore_mem>>)
    %mul3A_1249 = arith.constant 4096 : i32
    %mul3A_1250 = arith.muli %add3A, %mul3A_1249 : i32
    %dma_start3A_1251 = arith.constant 19 : i32
    %dma_start3A_1252 = arith.constant 4096 : i32
    %dma_start3A_1253 = tpu.memref_slice %arg9[%dma_start3A_1252] : memref<8192xf32, #tpu.memory_space<vmem>> -> memref<4096xf32, #tpu.memory_space<vmem>>
    %dma_start3A_1254 = tpu.memref_slice %arg4[%dma_start3A_1251, %mul3A_1250] : memref<32x131072xf32, #tpu.memory_space<hbm>> -> memref<1x4096xf32, #tpu.memory_space<hbm>>
    %dma_start3A_1255 = tpu.memref_squeeze %dma_start3A_1254 : memref<1x4096xf32, #tpu.memory_space<hbm>> -> memref<4096xf32, #tpu.memory_space<hbm>>
    %dma_start3A_1256 = tpu.memref_slice %arg4[%dma_start3A_1251, %mul3A_1250] : memref<32x131072xf32, #tpu.memory_space<hbm>> -> memref<1x4096xf32, #tpu.memory_space<hbm>>
    %dma_start3A_1257 = tpu.memref_squeeze %dma_start3A_1256 : memref<1x4096xf32, #tpu.memory_space<hbm>> -> memref<4096xf32, #tpu.memory_space<hbm>>
    %dma_start3A_1258 = arith.constant 4096 : i32
    %dma_start3A_1259 = tpu.memref_slice %arg9[%dma_start3A_1258] : memref<8192xf32, #tpu.memory_space<vmem>> -> memref<4096xf32, #tpu.memory_space<vmem>>
    tpu.enqueue_dma source(%dma_start3A_1259 : memref<4096xf32, #tpu.memory_space<vmem>>) target(%dma_start3A_1257 : memref<4096xf32, #tpu.memory_space<hbm>>) target_semaphore(%arg12 : memref<!tpu.dma_semaphore, #tpu.memory_space<semaphore_mem>>)
    %dma_wait3A_1260 = arith.constant 0 : i32
    %dma_wait3A_1261 = tpu.memref_slice %arg3[%dma_wait3A_1260] : memref<16777216xf32, #tpu.memory_space<hbm>> -> memref<8192xf32, #tpu.memory_space<hbm>>
    %dma_wait3A_1262 = arith.constant 0 : i32
    %dma_wait3A_1263 = tpu.memref_slice %arg3[%dma_wait3A_1262] : memref<16777216xf32, #tpu.memory_space<hbm>> -> memref<8192xf32, #tpu.memory_space<hbm>>
    tpu.wait_dma2 semaphore(%arg12 : memref<!tpu.dma_semaphore, #tpu.memory_space<semaphore_mem>>) src(%dma_wait3A_1263 : memref<8192xf32, #tpu.memory_space<hbm>>) dst(%arg9 : memref<8192xf32, #tpu.memory_space<vmem>>)
    %scan3A_1264 = arith.constant 0 : i32
    %scan3A_1265 = arith.constant 0 : i32
    %scan3A_1266 = arith.constant 64 : i32
    %scan3A_1267 = arith.addi %scan3A_1265, %scan3A_1266 : i32
    %scan3A_1268 = arith.constant 1 : i32
    scf.for %scan3A_1474 = %scan3A_1265 to %scan3A_1267 step %scan3A_1268  : i32 {
      %mul3A_1475 = arith.constant 128 : i32
      %mul3A_1476 = arith.muli %scan3A_1474, %mul3A_1475 : i32
      %dma_start3A_1477 = tpu.memref_slice %arg9[%mul3A_1476] : memref<8192xf32, #tpu.memory_space<vmem>> -> memref<128xf32, #tpu.memory_space<vmem>>
      %dma_start3A_1478 = arith.constant 0 : i32
      %dma_start3A_1479 = tpu.memref_slice %arg7[%scan3A_1474, %dma_start3A_1478] : memref<64x128xi32, #tpu.memory_space<vmem>> -> memref<1x128xi32, #tpu.memory_space<vmem>>
      %dma_start3A_1480 = tpu.memref_squeeze %dma_start3A_1479 : memref<1x128xi32, #tpu.memory_space<vmem>> -> memref<128xi32, #tpu.memory_space<vmem>>
      %dma_start3A_1481 = arith.constant 11534336 : i32
      %dma_start3A_1482 = tpu.memref_slice %arg3[%dma_start3A_1481] : memref<16777216xf32, #tpu.memory_space<hbm>> -> memref<1048576xf32, #tpu.memory_space<hbm>>
      %dma_start3A_1483 = arith.constant 0 : i32
      %dma_start3A_1484 = tpu.memref_slice %dma_start3A_1482[%dma_start3A_1483] : memref<1048576xf32, #tpu.memory_space<hbm>> -> memref<1048576xf32, #tpu.memory_space<hbm>>
      tpu.enqueue_indirect_dma source(%dma_start3A_1484 : memref<1048576xf32, #tpu.memory_space<hbm>>) target(%dma_start3A_1477 : memref<128xf32, #tpu.memory_space<vmem>>) offsets(%dma_start3A_1480 : memref<128xi32, #tpu.memory_space<vmem>>) semaphore(%arg11 : memref<!tpu.dma_semaphore, #tpu.memory_space<semaphore_mem>>)
    }
    %scan3A_1269 = arith.constant 64 : i32
    %dma_wait3A_1270 = arith.constant 0 : i32
    %dma_wait3A_1271 = tpu.memref_slice %arg3[%dma_wait3A_1270] : memref<16777216xf32, #tpu.memory_space<hbm>> -> memref<8192xf32, #tpu.memory_space<hbm>>
    %dma_wait3A_1272 = arith.constant 0 : i32
    %dma_wait3A_1273 = tpu.memref_slice %arg3[%dma_wait3A_1272] : memref<16777216xf32, #tpu.memory_space<hbm>> -> memref<8192xf32, #tpu.memory_space<hbm>>
    tpu.wait_dma2 semaphore(%arg10 : memref<!tpu.dma_semaphore, #tpu.memory_space<semaphore_mem>>) src(%dma_wait3A_1273 : memref<8192xf32, #tpu.memory_space<hbm>>) dst(%arg8 : memref<8192xf32, #tpu.memory_space<vmem>>)
    %mul3A_1274 = arith.constant 4096 : i32
    %mul3A_1275 = arith.muli %add3A, %mul3A_1274 : i32
    %dma_start3A_1276 = arith.constant 20 : i32
    %dma_start3A_1277 = arith.constant 0 : i32
    %dma_start3A_1278 = tpu.memref_slice %arg8[%dma_start3A_1277] : memref<8192xf32, #tpu.memory_space<vmem>> -> memref<4096xf32, #tpu.memory_space<vmem>>
    %dma_start3A_1279 = tpu.memref_slice %arg4[%dma_start3A_1276, %mul3A_1275] : memref<32x131072xf32, #tpu.memory_space<hbm>> -> memref<1x4096xf32, #tpu.memory_space<hbm>>
    %dma_start3A_1280 = tpu.memref_squeeze %dma_start3A_1279 : memref<1x4096xf32, #tpu.memory_space<hbm>> -> memref<4096xf32, #tpu.memory_space<hbm>>
    %dma_start3A_1281 = tpu.memref_slice %arg4[%dma_start3A_1276, %mul3A_1275] : memref<32x131072xf32, #tpu.memory_space<hbm>> -> memref<1x4096xf32, #tpu.memory_space<hbm>>
    %dma_start3A_1282 = tpu.memref_squeeze %dma_start3A_1281 : memref<1x4096xf32, #tpu.memory_space<hbm>> -> memref<4096xf32, #tpu.memory_space<hbm>>
    %dma_start3A_1283 = arith.constant 0 : i32
    %dma_start3A_1284 = tpu.memref_slice %arg8[%dma_start3A_1283] : memref<8192xf32, #tpu.memory_space<vmem>> -> memref<4096xf32, #tpu.memory_space<vmem>>
    tpu.enqueue_dma source(%dma_start3A_1284 : memref<4096xf32, #tpu.memory_space<vmem>>) target(%dma_start3A_1282 : memref<4096xf32, #tpu.memory_space<hbm>>) target_semaphore(%arg12 : memref<!tpu.dma_semaphore, #tpu.memory_space<semaphore_mem>>)
    %mul3A_1285 = arith.constant 4096 : i32
    %mul3A_1286 = arith.muli %add3A, %mul3A_1285 : i32
    %dma_start3A_1287 = arith.constant 21 : i32
    %dma_start3A_1288 = arith.constant 4096 : i32
    %dma_start3A_1289 = tpu.memref_slice %arg8[%dma_start3A_1288] : memref<8192xf32, #tpu.memory_space<vmem>> -> memref<4096xf32, #tpu.memory_space<vmem>>
    %dma_start3A_1290 = tpu.memref_slice %arg4[%dma_start3A_1287, %mul3A_1286] : memref<32x131072xf32, #tpu.memory_space<hbm>> -> memref<1x4096xf32, #tpu.memory_space<hbm>>
    %dma_start3A_1291 = tpu.memref_squeeze %dma_start3A_1290 : memref<1x4096xf32, #tpu.memory_space<hbm>> -> memref<4096xf32, #tpu.memory_space<hbm>>
    %dma_start3A_1292 = tpu.memref_slice %arg4[%dma_start3A_1287, %mul3A_1286] : memref<32x131072xf32, #tpu.memory_space<hbm>> -> memref<1x4096xf32, #tpu.memory_space<hbm>>
    %dma_start3A_1293 = tpu.memref_squeeze %dma_start3A_1292 : memref<1x4096xf32, #tpu.memory_space<hbm>> -> memref<4096xf32, #tpu.memory_space<hbm>>
    %dma_start3A_1294 = arith.constant 4096 : i32
    %dma_start3A_1295 = tpu.memref_slice %arg8[%dma_start3A_1294] : memref<8192xf32, #tpu.memory_space<vmem>> -> memref<4096xf32, #tpu.memory_space<vmem>>
    tpu.enqueue_dma source(%dma_start3A_1295 : memref<4096xf32, #tpu.memory_space<vmem>>) target(%dma_start3A_1293 : memref<4096xf32, #tpu.memory_space<hbm>>) target_semaphore(%arg12 : memref<!tpu.dma_semaphore, #tpu.memory_space<semaphore_mem>>)
    %dma_wait3A_1296 = arith.constant 0 : i32
    %dma_wait3A_1297 = tpu.memref_slice %arg3[%dma_wait3A_1296] : memref<16777216xf32, #tpu.memory_space<hbm>> -> memref<8192xf32, #tpu.memory_space<hbm>>
    %dma_wait3A_1298 = arith.constant 0 : i32
    %dma_wait3A_1299 = tpu.memref_slice %arg3[%dma_wait3A_1298] : memref<16777216xf32, #tpu.memory_space<hbm>> -> memref<8192xf32, #tpu.memory_space<hbm>>
    tpu.wait_dma2 semaphore(%arg12 : memref<!tpu.dma_semaphore, #tpu.memory_space<semaphore_mem>>) src(%dma_wait3A_1299 : memref<8192xf32, #tpu.memory_space<hbm>>) dst(%arg8 : memref<8192xf32, #tpu.memory_space<vmem>>)
    %scan3A_1300 = arith.constant 0 : i32
    %scan3A_1301 = arith.constant 0 : i32
    %scan3A_1302 = arith.constant 64 : i32
    %scan3A_1303 = arith.addi %scan3A_1301, %scan3A_1302 : i32
    %scan3A_1304 = arith.constant 1 : i32
    scf.for %scan3A_1474 = %scan3A_1301 to %scan3A_1303 step %scan3A_1304  : i32 {
      %mul3A_1475 = arith.constant 128 : i32
      %mul3A_1476 = arith.muli %scan3A_1474, %mul3A_1475 : i32
      %dma_start3A_1477 = tpu.memref_slice %arg8[%mul3A_1476] : memref<8192xf32, #tpu.memory_space<vmem>> -> memref<128xf32, #tpu.memory_space<vmem>>
      %dma_start3A_1478 = arith.constant 0 : i32
      %dma_start3A_1479 = tpu.memref_slice %arg7[%scan3A_1474, %dma_start3A_1478] : memref<64x128xi32, #tpu.memory_space<vmem>> -> memref<1x128xi32, #tpu.memory_space<vmem>>
      %dma_start3A_1480 = tpu.memref_squeeze %dma_start3A_1479 : memref<1x128xi32, #tpu.memory_space<vmem>> -> memref<128xi32, #tpu.memory_space<vmem>>
      %dma_start3A_1481 = arith.constant 12582912 : i32
      %dma_start3A_1482 = tpu.memref_slice %arg3[%dma_start3A_1481] : memref<16777216xf32, #tpu.memory_space<hbm>> -> memref<1048576xf32, #tpu.memory_space<hbm>>
      %dma_start3A_1483 = arith.constant 0 : i32
      %dma_start3A_1484 = tpu.memref_slice %dma_start3A_1482[%dma_start3A_1483] : memref<1048576xf32, #tpu.memory_space<hbm>> -> memref<1048576xf32, #tpu.memory_space<hbm>>
      tpu.enqueue_indirect_dma source(%dma_start3A_1484 : memref<1048576xf32, #tpu.memory_space<hbm>>) target(%dma_start3A_1477 : memref<128xf32, #tpu.memory_space<vmem>>) offsets(%dma_start3A_1480 : memref<128xi32, #tpu.memory_space<vmem>>) semaphore(%arg10 : memref<!tpu.dma_semaphore, #tpu.memory_space<semaphore_mem>>)
    }
    %scan3A_1305 = arith.constant 64 : i32
    %dma_wait3A_1306 = arith.constant 0 : i32
    %dma_wait3A_1307 = tpu.memref_slice %arg3[%dma_wait3A_1306] : memref<16777216xf32, #tpu.memory_space<hbm>> -> memref<8192xf32, #tpu.memory_space<hbm>>
    %dma_wait3A_1308 = arith.constant 0 : i32
    %dma_wait3A_1309 = tpu.memref_slice %arg3[%dma_wait3A_1308] : memref<16777216xf32, #tpu.memory_space<hbm>> -> memref<8192xf32, #tpu.memory_space<hbm>>
    tpu.wait_dma2 semaphore(%arg11 : memref<!tpu.dma_semaphore, #tpu.memory_space<semaphore_mem>>) src(%dma_wait3A_1309 : memref<8192xf32, #tpu.memory_space<hbm>>) dst(%arg9 : memref<8192xf32, #tpu.memory_space<vmem>>)
    %mul3A_1310 = arith.constant 4096 : i32
    %mul3A_1311 = arith.muli %add3A, %mul3A_1310 : i32
    %dma_start3A_1312 = arith.constant 22 : i32
    %dma_start3A_1313 = arith.constant 0 : i32
    %dma_start3A_1314 = tpu.memref_slice %arg9[%dma_start3A_1313] : memref<8192xf32, #tpu.memory_space<vmem>> -> memref<4096xf32, #tpu.memory_space<vmem>>
    %dma_start3A_1315 = tpu.memref_slice %arg4[%dma_start3A_1312, %mul3A_1311] : memref<32x131072xf32, #tpu.memory_space<hbm>> -> memref<1x4096xf32, #tpu.memory_space<hbm>>
    %dma_start3A_1316 = tpu.memref_squeeze %dma_start3A_1315 : memref<1x4096xf32, #tpu.memory_space<hbm>> -> memref<4096xf32, #tpu.memory_space<hbm>>
    %dma_start3A_1317 = tpu.memref_slice %arg4[%dma_start3A_1312, %mul3A_1311] : memref<32x131072xf32, #tpu.memory_space<hbm>> -> memref<1x4096xf32, #tpu.memory_space<hbm>>
    %dma_start3A_1318 = tpu.memref_squeeze %dma_start3A_1317 : memref<1x4096xf32, #tpu.memory_space<hbm>> -> memref<4096xf32, #tpu.memory_space<hbm>>
    %dma_start3A_1319 = arith.constant 0 : i32
    %dma_start3A_1320 = tpu.memref_slice %arg9[%dma_start3A_1319] : memref<8192xf32, #tpu.memory_space<vmem>> -> memref<4096xf32, #tpu.memory_space<vmem>>
    tpu.enqueue_dma source(%dma_start3A_1320 : memref<4096xf32, #tpu.memory_space<vmem>>) target(%dma_start3A_1318 : memref<4096xf32, #tpu.memory_space<hbm>>) target_semaphore(%arg12 : memref<!tpu.dma_semaphore, #tpu.memory_space<semaphore_mem>>)
    %mul3A_1321 = arith.constant 4096 : i32
    %mul3A_1322 = arith.muli %add3A, %mul3A_1321 : i32
    %dma_start3A_1323 = arith.constant 23 : i32
    %dma_start3A_1324 = arith.constant 4096 : i32
    %dma_start3A_1325 = tpu.memref_slice %arg9[%dma_start3A_1324] : memref<8192xf32, #tpu.memory_space<vmem>> -> memref<4096xf32, #tpu.memory_space<vmem>>
    %dma_start3A_1326 = tpu.memref_slice %arg4[%dma_start3A_1323, %mul3A_1322] : memref<32x131072xf32, #tpu.memory_space<hbm>> -> memref<1x4096xf32, #tpu.memory_space<hbm>>
    %dma_start3A_1327 = tpu.memref_squeeze %dma_start3A_1326 : memref<1x4096xf32, #tpu.memory_space<hbm>> -> memref<4096xf32, #tpu.memory_space<hbm>>
    %dma_start3A_1328 = tpu.memref_slice %arg4[%dma_start3A_1323, %mul3A_1322] : memref<32x131072xf32, #tpu.memory_space<hbm>> -> memref<1x4096xf32, #tpu.memory_space<hbm>>
    %dma_start3A_1329 = tpu.memref_squeeze %dma_start3A_1328 : memref<1x4096xf32, #tpu.memory_space<hbm>> -> memref<4096xf32, #tpu.memory_space<hbm>>
    %dma_start3A_1330 = arith.constant 4096 : i32
    %dma_start3A_1331 = tpu.memref_slice %arg9[%dma_start3A_1330] : memref<8192xf32, #tpu.memory_space<vmem>> -> memref<4096xf32, #tpu.memory_space<vmem>>
    tpu.enqueue_dma source(%dma_start3A_1331 : memref<4096xf32, #tpu.memory_space<vmem>>) target(%dma_start3A_1329 : memref<4096xf32, #tpu.memory_space<hbm>>) target_semaphore(%arg12 : memref<!tpu.dma_semaphore, #tpu.memory_space<semaphore_mem>>)
    %dma_wait3A_1332 = arith.constant 0 : i32
    %dma_wait3A_1333 = tpu.memref_slice %arg3[%dma_wait3A_1332] : memref<16777216xf32, #tpu.memory_space<hbm>> -> memref<8192xf32, #tpu.memory_space<hbm>>
    %dma_wait3A_1334 = arith.constant 0 : i32
    %dma_wait3A_1335 = tpu.memref_slice %arg3[%dma_wait3A_1334] : memref<16777216xf32, #tpu.memory_space<hbm>> -> memref<8192xf32, #tpu.memory_space<hbm>>
    tpu.wait_dma2 semaphore(%arg12 : memref<!tpu.dma_semaphore, #tpu.memory_space<semaphore_mem>>) src(%dma_wait3A_1335 : memref<8192xf32, #tpu.memory_space<hbm>>) dst(%arg9 : memref<8192xf32, #tpu.memory_space<vmem>>)
    %scan3A_1336 = arith.constant 0 : i32
    %scan3A_1337 = arith.constant 0 : i32
    %scan3A_1338 = arith.constant 64 : i32
    %scan3A_1339 = arith.addi %scan3A_1337, %scan3A_1338 : i32
    %scan3A_1340 = arith.constant 1 : i32
    scf.for %scan3A_1474 = %scan3A_1337 to %scan3A_1339 step %scan3A_1340  : i32 {
      %mul3A_1475 = arith.constant 128 : i32
      %mul3A_1476 = arith.muli %scan3A_1474, %mul3A_1475 : i32
      %dma_start3A_1477 = tpu.memref_slice %arg9[%mul3A_1476] : memref<8192xf32, #tpu.memory_space<vmem>> -> memref<128xf32, #tpu.memory_space<vmem>>
      %dma_start3A_1478 = arith.constant 0 : i32
      %dma_start3A_1479 = tpu.memref_slice %arg7[%scan3A_1474, %dma_start3A_1478] : memref<64x128xi32, #tpu.memory_space<vmem>> -> memref<1x128xi32, #tpu.memory_space<vmem>>
      %dma_start3A_1480 = tpu.memref_squeeze %dma_start3A_1479 : memref<1x128xi32, #tpu.memory_space<vmem>> -> memref<128xi32, #tpu.memory_space<vmem>>
      %dma_start3A_1481 = arith.constant 13631488 : i32
      %dma_start3A_1482 = tpu.memref_slice %arg3[%dma_start3A_1481] : memref<16777216xf32, #tpu.memory_space<hbm>> -> memref<1048576xf32, #tpu.memory_space<hbm>>
      %dma_start3A_1483 = arith.constant 0 : i32
      %dma_start3A_1484 = tpu.memref_slice %dma_start3A_1482[%dma_start3A_1483] : memref<1048576xf32, #tpu.memory_space<hbm>> -> memref<1048576xf32, #tpu.memory_space<hbm>>
      tpu.enqueue_indirect_dma source(%dma_start3A_1484 : memref<1048576xf32, #tpu.memory_space<hbm>>) target(%dma_start3A_1477 : memref<128xf32, #tpu.memory_space<vmem>>) offsets(%dma_start3A_1480 : memref<128xi32, #tpu.memory_space<vmem>>) semaphore(%arg11 : memref<!tpu.dma_semaphore, #tpu.memory_space<semaphore_mem>>)
    }
    %scan3A_1341 = arith.constant 64 : i32
    %dma_wait3A_1342 = arith.constant 0 : i32
    %dma_wait3A_1343 = tpu.memref_slice %arg3[%dma_wait3A_1342] : memref<16777216xf32, #tpu.memory_space<hbm>> -> memref<8192xf32, #tpu.memory_space<hbm>>
    %dma_wait3A_1344 = arith.constant 0 : i32
    %dma_wait3A_1345 = tpu.memref_slice %arg3[%dma_wait3A_1344] : memref<16777216xf32, #tpu.memory_space<hbm>> -> memref<8192xf32, #tpu.memory_space<hbm>>
    tpu.wait_dma2 semaphore(%arg10 : memref<!tpu.dma_semaphore, #tpu.memory_space<semaphore_mem>>) src(%dma_wait3A_1345 : memref<8192xf32, #tpu.memory_space<hbm>>) dst(%arg8 : memref<8192xf32, #tpu.memory_space<vmem>>)
    %mul3A_1346 = arith.constant 4096 : i32
    %mul3A_1347 = arith.muli %add3A, %mul3A_1346 : i32
    %dma_start3A_1348 = arith.constant 24 : i32
    %dma_start3A_1349 = arith.constant 0 : i32
    %dma_start3A_1350 = tpu.memref_slice %arg8[%dma_start3A_1349] : memref<8192xf32, #tpu.memory_space<vmem>> -> memref<4096xf32, #tpu.memory_space<vmem>>
    %dma_start3A_1351 = tpu.memref_slice %arg4[%dma_start3A_1348, %mul3A_1347] : memref<32x131072xf32, #tpu.memory_space<hbm>> -> memref<1x4096xf32, #tpu.memory_space<hbm>>
    %dma_start3A_1352 = tpu.memref_squeeze %dma_start3A_1351 : memref<1x4096xf32, #tpu.memory_space<hbm>> -> memref<4096xf32, #tpu.memory_space<hbm>>
    %dma_start3A_1353 = tpu.memref_slice %arg4[%dma_start3A_1348, %mul3A_1347] : memref<32x131072xf32, #tpu.memory_space<hbm>> -> memref<1x4096xf32, #tpu.memory_space<hbm>>
    %dma_start3A_1354 = tpu.memref_squeeze %dma_start3A_1353 : memref<1x4096xf32, #tpu.memory_space<hbm>> -> memref<4096xf32, #tpu.memory_space<hbm>>
    %dma_start3A_1355 = arith.constant 0 : i32
    %dma_start3A_1356 = tpu.memref_slice %arg8[%dma_start3A_1355] : memref<8192xf32, #tpu.memory_space<vmem>> -> memref<4096xf32, #tpu.memory_space<vmem>>
    tpu.enqueue_dma source(%dma_start3A_1356 : memref<4096xf32, #tpu.memory_space<vmem>>) target(%dma_start3A_1354 : memref<4096xf32, #tpu.memory_space<hbm>>) target_semaphore(%arg12 : memref<!tpu.dma_semaphore, #tpu.memory_space<semaphore_mem>>)
    %mul3A_1357 = arith.constant 4096 : i32
    %mul3A_1358 = arith.muli %add3A, %mul3A_1357 : i32
    %dma_start3A_1359 = arith.constant 25 : i32
    %dma_start3A_1360 = arith.constant 4096 : i32
    %dma_start3A_1361 = tpu.memref_slice %arg8[%dma_start3A_1360] : memref<8192xf32, #tpu.memory_space<vmem>> -> memref<4096xf32, #tpu.memory_space<vmem>>
    %dma_start3A_1362 = tpu.memref_slice %arg4[%dma_start3A_1359, %mul3A_1358] : memref<32x131072xf32, #tpu.memory_space<hbm>> -> memref<1x4096xf32, #tpu.memory_space<hbm>>
    %dma_start3A_1363 = tpu.memref_squeeze %dma_start3A_1362 : memref<1x4096xf32, #tpu.memory_space<hbm>> -> memref<4096xf32, #tpu.memory_space<hbm>>
    %dma_start3A_1364 = tpu.memref_slice %arg4[%dma_start3A_1359, %mul3A_1358] : memref<32x131072xf32, #tpu.memory_space<hbm>> -> memref<1x4096xf32, #tpu.memory_space<hbm>>
    %dma_start3A_1365 = tpu.memref_squeeze %dma_start3A_1364 : memref<1x4096xf32, #tpu.memory_space<hbm>> -> memref<4096xf32, #tpu.memory_space<hbm>>
    %dma_start3A_1366 = arith.constant 4096 : i32
    %dma_start3A_1367 = tpu.memref_slice %arg8[%dma_start3A_1366] : memref<8192xf32, #tpu.memory_space<vmem>> -> memref<4096xf32, #tpu.memory_space<vmem>>
    tpu.enqueue_dma source(%dma_start3A_1367 : memref<4096xf32, #tpu.memory_space<vmem>>) target(%dma_start3A_1365 : memref<4096xf32, #tpu.memory_space<hbm>>) target_semaphore(%arg12 : memref<!tpu.dma_semaphore, #tpu.memory_space<semaphore_mem>>)
    %dma_wait3A_1368 = arith.constant 0 : i32
    %dma_wait3A_1369 = tpu.memref_slice %arg3[%dma_wait3A_1368] : memref<16777216xf32, #tpu.memory_space<hbm>> -> memref<8192xf32, #tpu.memory_space<hbm>>
    %dma_wait3A_1370 = arith.constant 0 : i32
    %dma_wait3A_1371 = tpu.memref_slice %arg3[%dma_wait3A_1370] : memref<16777216xf32, #tpu.memory_space<hbm>> -> memref<8192xf32, #tpu.memory_space<hbm>>
    tpu.wait_dma2 semaphore(%arg12 : memref<!tpu.dma_semaphore, #tpu.memory_space<semaphore_mem>>) src(%dma_wait3A_1371 : memref<8192xf32, #tpu.memory_space<hbm>>) dst(%arg8 : memref<8192xf32, #tpu.memory_space<vmem>>)
    %scan3A_1372 = arith.constant 0 : i32
    %scan3A_1373 = arith.constant 0 : i32
    %scan3A_1374 = arith.constant 64 : i32
    %scan3A_1375 = arith.addi %scan3A_1373, %scan3A_1374 : i32
    %scan3A_1376 = arith.constant 1 : i32
    scf.for %scan3A_1474 = %scan3A_1373 to %scan3A_1375 step %scan3A_1376  : i32 {
      %mul3A_1475 = arith.constant 128 : i32
      %mul3A_1476 = arith.muli %scan3A_1474, %mul3A_1475 : i32
      %dma_start3A_1477 = tpu.memref_slice %arg8[%mul3A_1476] : memref<8192xf32, #tpu.memory_space<vmem>> -> memref<128xf32, #tpu.memory_space<vmem>>
      %dma_start3A_1478 = arith.constant 0 : i32
      %dma_start3A_1479 = tpu.memref_slice %arg7[%scan3A_1474, %dma_start3A_1478] : memref<64x128xi32, #tpu.memory_space<vmem>> -> memref<1x128xi32, #tpu.memory_space<vmem>>
      %dma_start3A_1480 = tpu.memref_squeeze %dma_start3A_1479 : memref<1x128xi32, #tpu.memory_space<vmem>> -> memref<128xi32, #tpu.memory_space<vmem>>
      %dma_start3A_1481 = arith.constant 14680064 : i32
      %dma_start3A_1482 = tpu.memref_slice %arg3[%dma_start3A_1481] : memref<16777216xf32, #tpu.memory_space<hbm>> -> memref<1048576xf32, #tpu.memory_space<hbm>>
      %dma_start3A_1483 = arith.constant 0 : i32
      %dma_start3A_1484 = tpu.memref_slice %dma_start3A_1482[%dma_start3A_1483] : memref<1048576xf32, #tpu.memory_space<hbm>> -> memref<1048576xf32, #tpu.memory_space<hbm>>
      tpu.enqueue_indirect_dma source(%dma_start3A_1484 : memref<1048576xf32, #tpu.memory_space<hbm>>) target(%dma_start3A_1477 : memref<128xf32, #tpu.memory_space<vmem>>) offsets(%dma_start3A_1480 : memref<128xi32, #tpu.memory_space<vmem>>) semaphore(%arg10 : memref<!tpu.dma_semaphore, #tpu.memory_space<semaphore_mem>>)
    }
    %scan3A_1377 = arith.constant 64 : i32
    %dma_wait3A_1378 = arith.constant 0 : i32
    %dma_wait3A_1379 = tpu.memref_slice %arg3[%dma_wait3A_1378] : memref<16777216xf32, #tpu.memory_space<hbm>> -> memref<8192xf32, #tpu.memory_space<hbm>>
    %dma_wait3A_1380 = arith.constant 0 : i32
    %dma_wait3A_1381 = tpu.memref_slice %arg3[%dma_wait3A_1380] : memref<16777216xf32, #tpu.memory_space<hbm>> -> memref<8192xf32, #tpu.memory_space<hbm>>
    tpu.wait_dma2 semaphore(%arg11 : memref<!tpu.dma_semaphore, #tpu.memory_space<semaphore_mem>>) src(%dma_wait3A_1381 : memref<8192xf32, #tpu.memory_space<hbm>>) dst(%arg9 : memref<8192xf32, #tpu.memory_space<vmem>>)
    %mul3A_1382 = arith.constant 4096 : i32
    %mul3A_1383 = arith.muli %add3A, %mul3A_1382 : i32
    %dma_start3A_1384 = arith.constant 26 : i32
    %dma_start3A_1385 = arith.constant 0 : i32
    %dma_start3A_1386 = tpu.memref_slice %arg9[%dma_start3A_1385] : memref<8192xf32, #tpu.memory_space<vmem>> -> memref<4096xf32, #tpu.memory_space<vmem>>
    %dma_start3A_1387 = tpu.memref_slice %arg4[%dma_start3A_1384, %mul3A_1383] : memref<32x131072xf32, #tpu.memory_space<hbm>> -> memref<1x4096xf32, #tpu.memory_space<hbm>>
    %dma_start3A_1388 = tpu.memref_squeeze %dma_start3A_1387 : memref<1x4096xf32, #tpu.memory_space<hbm>> -> memref<4096xf32, #tpu.memory_space<hbm>>
    %dma_start3A_1389 = tpu.memref_slice %arg4[%dma_start3A_1384, %mul3A_1383] : memref<32x131072xf32, #tpu.memory_space<hbm>> -> memref<1x4096xf32, #tpu.memory_space<hbm>>
    %dma_start3A_1390 = tpu.memref_squeeze %dma_start3A_1389 : memref<1x4096xf32, #tpu.memory_space<hbm>> -> memref<4096xf32, #tpu.memory_space<hbm>>
    %dma_start3A_1391 = arith.constant 0 : i32
    %dma_start3A_1392 = tpu.memref_slice %arg9[%dma_start3A_1391] : memref<8192xf32, #tpu.memory_space<vmem>> -> memref<4096xf32, #tpu.memory_space<vmem>>
    tpu.enqueue_dma source(%dma_start3A_1392 : memref<4096xf32, #tpu.memory_space<vmem>>) target(%dma_start3A_1390 : memref<4096xf32, #tpu.memory_space<hbm>>) target_semaphore(%arg12 : memref<!tpu.dma_semaphore, #tpu.memory_space<semaphore_mem>>)
    %mul3A_1393 = arith.constant 4096 : i32
    %mul3A_1394 = arith.muli %add3A, %mul3A_1393 : i32
    %dma_start3A_1395 = arith.constant 27 : i32
    %dma_start3A_1396 = arith.constant 4096 : i32
    %dma_start3A_1397 = tpu.memref_slice %arg9[%dma_start3A_1396] : memref<8192xf32, #tpu.memory_space<vmem>> -> memref<4096xf32, #tpu.memory_space<vmem>>
    %dma_start3A_1398 = tpu.memref_slice %arg4[%dma_start3A_1395, %mul3A_1394] : memref<32x131072xf32, #tpu.memory_space<hbm>> -> memref<1x4096xf32, #tpu.memory_space<hbm>>
    %dma_start3A_1399 = tpu.memref_squeeze %dma_start3A_1398 : memref<1x4096xf32, #tpu.memory_space<hbm>> -> memref<4096xf32, #tpu.memory_space<hbm>>
    %dma_start3A_1400 = tpu.memref_slice %arg4[%dma_start3A_1395, %mul3A_1394] : memref<32x131072xf32, #tpu.memory_space<hbm>> -> memref<1x4096xf32, #tpu.memory_space<hbm>>
    %dma_start3A_1401 = tpu.memref_squeeze %dma_start3A_1400 : memref<1x4096xf32, #tpu.memory_space<hbm>> -> memref<4096xf32, #tpu.memory_space<hbm>>
    %dma_start3A_1402 = arith.constant 4096 : i32
    %dma_start3A_1403 = tpu.memref_slice %arg9[%dma_start3A_1402] : memref<8192xf32, #tpu.memory_space<vmem>> -> memref<4096xf32, #tpu.memory_space<vmem>>
    tpu.enqueue_dma source(%dma_start3A_1403 : memref<4096xf32, #tpu.memory_space<vmem>>) target(%dma_start3A_1401 : memref<4096xf32, #tpu.memory_space<hbm>>) target_semaphore(%arg12 : memref<!tpu.dma_semaphore, #tpu.memory_space<semaphore_mem>>)
    %dma_wait3A_1404 = arith.constant 0 : i32
    %dma_wait3A_1405 = tpu.memref_slice %arg3[%dma_wait3A_1404] : memref<16777216xf32, #tpu.memory_space<hbm>> -> memref<8192xf32, #tpu.memory_space<hbm>>
    %dma_wait3A_1406 = arith.constant 0 : i32
    %dma_wait3A_1407 = tpu.memref_slice %arg3[%dma_wait3A_1406] : memref<16777216xf32, #tpu.memory_space<hbm>> -> memref<8192xf32, #tpu.memory_space<hbm>>
    tpu.wait_dma2 semaphore(%arg12 : memref<!tpu.dma_semaphore, #tpu.memory_space<semaphore_mem>>) src(%dma_wait3A_1407 : memref<8192xf32, #tpu.memory_space<hbm>>) dst(%arg9 : memref<8192xf32, #tpu.memory_space<vmem>>)
    %scan3A_1408 = arith.constant 0 : i32
    %scan3A_1409 = arith.constant 0 : i32
    %scan3A_1410 = arith.constant 64 : i32
    %scan3A_1411 = arith.addi %scan3A_1409, %scan3A_1410 : i32
    %scan3A_1412 = arith.constant 1 : i32
    scf.for %scan3A_1474 = %scan3A_1409 to %scan3A_1411 step %scan3A_1412  : i32 {
      %mul3A_1475 = arith.constant 128 : i32
      %mul3A_1476 = arith.muli %scan3A_1474, %mul3A_1475 : i32
      %dma_start3A_1477 = tpu.memref_slice %arg9[%mul3A_1476] : memref<8192xf32, #tpu.memory_space<vmem>> -> memref<128xf32, #tpu.memory_space<vmem>>
      %dma_start3A_1478 = arith.constant 0 : i32
      %dma_start3A_1479 = tpu.memref_slice %arg7[%scan3A_1474, %dma_start3A_1478] : memref<64x128xi32, #tpu.memory_space<vmem>> -> memref<1x128xi32, #tpu.memory_space<vmem>>
      %dma_start3A_1480 = tpu.memref_squeeze %dma_start3A_1479 : memref<1x128xi32, #tpu.memory_space<vmem>> -> memref<128xi32, #tpu.memory_space<vmem>>
      %dma_start3A_1481 = arith.constant 15728640 : i32
      %dma_start3A_1482 = tpu.memref_slice %arg3[%dma_start3A_1481] : memref<16777216xf32, #tpu.memory_space<hbm>> -> memref<1048576xf32, #tpu.memory_space<hbm>>
      %dma_start3A_1483 = arith.constant 0 : i32
      %dma_start3A_1484 = tpu.memref_slice %dma_start3A_1482[%dma_start3A_1483] : memref<1048576xf32, #tpu.memory_space<hbm>> -> memref<1048576xf32, #tpu.memory_space<hbm>>
      tpu.enqueue_indirect_dma source(%dma_start3A_1484 : memref<1048576xf32, #tpu.memory_space<hbm>>) target(%dma_start3A_1477 : memref<128xf32, #tpu.memory_space<vmem>>) offsets(%dma_start3A_1480 : memref<128xi32, #tpu.memory_space<vmem>>) semaphore(%arg11 : memref<!tpu.dma_semaphore, #tpu.memory_space<semaphore_mem>>)
    }
    %scan3A_1413 = arith.constant 64 : i32
    %dma_wait3A_1414 = arith.constant 0 : i32
    %dma_wait3A_1415 = tpu.memref_slice %arg3[%dma_wait3A_1414] : memref<16777216xf32, #tpu.memory_space<hbm>> -> memref<8192xf32, #tpu.memory_space<hbm>>
    %dma_wait3A_1416 = arith.constant 0 : i32
    %dma_wait3A_1417 = tpu.memref_slice %arg3[%dma_wait3A_1416] : memref<16777216xf32, #tpu.memory_space<hbm>> -> memref<8192xf32, #tpu.memory_space<hbm>>
    tpu.wait_dma2 semaphore(%arg10 : memref<!tpu.dma_semaphore, #tpu.memory_space<semaphore_mem>>) src(%dma_wait3A_1417 : memref<8192xf32, #tpu.memory_space<hbm>>) dst(%arg8 : memref<8192xf32, #tpu.memory_space<vmem>>)
    %mul3A_1418 = arith.constant 4096 : i32
    %mul3A_1419 = arith.muli %add3A, %mul3A_1418 : i32
    %dma_start3A_1420 = arith.constant 28 : i32
    %dma_start3A_1421 = arith.constant 0 : i32
    %dma_start3A_1422 = tpu.memref_slice %arg8[%dma_start3A_1421] : memref<8192xf32, #tpu.memory_space<vmem>> -> memref<4096xf32, #tpu.memory_space<vmem>>
    %dma_start3A_1423 = tpu.memref_slice %arg4[%dma_start3A_1420, %mul3A_1419] : memref<32x131072xf32, #tpu.memory_space<hbm>> -> memref<1x4096xf32, #tpu.memory_space<hbm>>
    %dma_start3A_1424 = tpu.memref_squeeze %dma_start3A_1423 : memref<1x4096xf32, #tpu.memory_space<hbm>> -> memref<4096xf32, #tpu.memory_space<hbm>>
    %dma_start3A_1425 = tpu.memref_slice %arg4[%dma_start3A_1420, %mul3A_1419] : memref<32x131072xf32, #tpu.memory_space<hbm>> -> memref<1x4096xf32, #tpu.memory_space<hbm>>
    %dma_start3A_1426 = tpu.memref_squeeze %dma_start3A_1425 : memref<1x4096xf32, #tpu.memory_space<hbm>> -> memref<4096xf32, #tpu.memory_space<hbm>>
    %dma_start3A_1427 = arith.constant 0 : i32
    %dma_start3A_1428 = tpu.memref_slice %arg8[%dma_start3A_1427] : memref<8192xf32, #tpu.memory_space<vmem>> -> memref<4096xf32, #tpu.memory_space<vmem>>
    tpu.enqueue_dma source(%dma_start3A_1428 : memref<4096xf32, #tpu.memory_space<vmem>>) target(%dma_start3A_1426 : memref<4096xf32, #tpu.memory_space<hbm>>) target_semaphore(%arg12 : memref<!tpu.dma_semaphore, #tpu.memory_space<semaphore_mem>>)
    %mul3A_1429 = arith.constant 4096 : i32
    %mul3A_1430 = arith.muli %add3A, %mul3A_1429 : i32
    %dma_start3A_1431 = arith.constant 29 : i32
    %dma_start3A_1432 = arith.constant 4096 : i32
    %dma_start3A_1433 = tpu.memref_slice %arg8[%dma_start3A_1432] : memref<8192xf32, #tpu.memory_space<vmem>> -> memref<4096xf32, #tpu.memory_space<vmem>>
    %dma_start3A_1434 = tpu.memref_slice %arg4[%dma_start3A_1431, %mul3A_1430] : memref<32x131072xf32, #tpu.memory_space<hbm>> -> memref<1x4096xf32, #tpu.memory_space<hbm>>
    %dma_start3A_1435 = tpu.memref_squeeze %dma_start3A_1434 : memref<1x4096xf32, #tpu.memory_space<hbm>> -> memref<4096xf32, #tpu.memory_space<hbm>>
    %dma_start3A_1436 = tpu.memref_slice %arg4[%dma_start3A_1431, %mul3A_1430] : memref<32x131072xf32, #tpu.memory_space<hbm>> -> memref<1x4096xf32, #tpu.memory_space<hbm>>
    %dma_start3A_1437 = tpu.memref_squeeze %dma_start3A_1436 : memref<1x4096xf32, #tpu.memory_space<hbm>> -> memref<4096xf32, #tpu.memory_space<hbm>>
    %dma_start3A_1438 = arith.constant 4096 : i32
    %dma_start3A_1439 = tpu.memref_slice %arg8[%dma_start3A_1438] : memref<8192xf32, #tpu.memory_space<vmem>> -> memref<4096xf32, #tpu.memory_space<vmem>>
    tpu.enqueue_dma source(%dma_start3A_1439 : memref<4096xf32, #tpu.memory_space<vmem>>) target(%dma_start3A_1437 : memref<4096xf32, #tpu.memory_space<hbm>>) target_semaphore(%arg12 : memref<!tpu.dma_semaphore, #tpu.memory_space<semaphore_mem>>)
    %dma_wait3A_1440 = arith.constant 0 : i32
    %dma_wait3A_1441 = tpu.memref_slice %arg3[%dma_wait3A_1440] : memref<16777216xf32, #tpu.memory_space<hbm>> -> memref<8192xf32, #tpu.memory_space<hbm>>
    %dma_wait3A_1442 = arith.constant 0 : i32
    %dma_wait3A_1443 = tpu.memref_slice %arg3[%dma_wait3A_1442] : memref<16777216xf32, #tpu.memory_space<hbm>> -> memref<8192xf32, #tpu.memory_space<hbm>>
    tpu.wait_dma2 semaphore(%arg12 : memref<!tpu.dma_semaphore, #tpu.memory_space<semaphore_mem>>) src(%dma_wait3A_1443 : memref<8192xf32, #tpu.memory_space<hbm>>) dst(%arg8 : memref<8192xf32, #tpu.memory_space<vmem>>)
    %dma_wait3A_1444 = arith.constant 0 : i32
    %dma_wait3A_1445 = tpu.memref_slice %arg3[%dma_wait3A_1444] : memref<16777216xf32, #tpu.memory_space<hbm>> -> memref<8192xf32, #tpu.memory_space<hbm>>
    %dma_wait3A_1446 = arith.constant 0 : i32
    %dma_wait3A_1447 = tpu.memref_slice %arg3[%dma_wait3A_1446] : memref<16777216xf32, #tpu.memory_space<hbm>> -> memref<8192xf32, #tpu.memory_space<hbm>>
    tpu.wait_dma2 semaphore(%arg11 : memref<!tpu.dma_semaphore, #tpu.memory_space<semaphore_mem>>) src(%dma_wait3A_1447 : memref<8192xf32, #tpu.memory_space<hbm>>) dst(%arg9 : memref<8192xf32, #tpu.memory_space<vmem>>)
    %mul3A_1448 = arith.constant 4096 : i32
    %mul3A_1449 = arith.muli %add3A, %mul3A_1448 : i32
    %dma_start3A_1450 = arith.constant 30 : i32
    %dma_start3A_1451 = arith.constant 0 : i32
    %dma_start3A_1452 = tpu.memref_slice %arg9[%dma_start3A_1451] : memref<8192xf32, #tpu.memory_space<vmem>> -> memref<4096xf32, #tpu.memory_space<vmem>>
    %dma_start3A_1453 = tpu.memref_slice %arg4[%dma_start3A_1450, %mul3A_1449] : memref<32x131072xf32, #tpu.memory_space<hbm>> -> memref<1x4096xf32, #tpu.memory_space<hbm>>
    %dma_start3A_1454 = tpu.memref_squeeze %dma_start3A_1453 : memref<1x4096xf32, #tpu.memory_space<hbm>> -> memref<4096xf32, #tpu.memory_space<hbm>>
    %dma_start3A_1455 = tpu.memref_slice %arg4[%dma_start3A_1450, %mul3A_1449] : memref<32x131072xf32, #tpu.memory_space<hbm>> -> memref<1x4096xf32, #tpu.memory_space<hbm>>
    %dma_start3A_1456 = tpu.memref_squeeze %dma_start3A_1455 : memref<1x4096xf32, #tpu.memory_space<hbm>> -> memref<4096xf32, #tpu.memory_space<hbm>>
    %dma_start3A_1457 = arith.constant 0 : i32
    %dma_start3A_1458 = tpu.memref_slice %arg9[%dma_start3A_1457] : memref<8192xf32, #tpu.memory_space<vmem>> -> memref<4096xf32, #tpu.memory_space<vmem>>
    tpu.enqueue_dma source(%dma_start3A_1458 : memref<4096xf32, #tpu.memory_space<vmem>>) target(%dma_start3A_1456 : memref<4096xf32, #tpu.memory_space<hbm>>) target_semaphore(%arg12 : memref<!tpu.dma_semaphore, #tpu.memory_space<semaphore_mem>>)
    %mul3A_1459 = arith.constant 4096 : i32
    %mul3A_1460 = arith.muli %add3A, %mul3A_1459 : i32
    %dma_start3A_1461 = arith.constant 31 : i32
    %dma_start3A_1462 = arith.constant 4096 : i32
    %dma_start3A_1463 = tpu.memref_slice %arg9[%dma_start3A_1462] : memref<8192xf32, #tpu.memory_space<vmem>> -> memref<4096xf32, #tpu.memory_space<vmem>>
    %dma_start3A_1464 = tpu.memref_slice %arg4[%dma_start3A_1461, %mul3A_1460] : memref<32x131072xf32, #tpu.memory_space<hbm>> -> memref<1x4096xf32, #tpu.memory_space<hbm>>
    %dma_start3A_1465 = tpu.memref_squeeze %dma_start3A_1464 : memref<1x4096xf32, #tpu.memory_space<hbm>> -> memref<4096xf32, #tpu.memory_space<hbm>>
    %dma_start3A_1466 = tpu.memref_slice %arg4[%dma_start3A_1461, %mul3A_1460] : memref<32x131072xf32, #tpu.memory_space<hbm>> -> memref<1x4096xf32, #tpu.memory_space<hbm>>
    %dma_start3A_1467 = tpu.memref_squeeze %dma_start3A_1466 : memref<1x4096xf32, #tpu.memory_space<hbm>> -> memref<4096xf32, #tpu.memory_space<hbm>>
    %dma_start3A_1468 = arith.constant 4096 : i32
    %dma_start3A_1469 = tpu.memref_slice %arg9[%dma_start3A_1468] : memref<8192xf32, #tpu.memory_space<vmem>> -> memref<4096xf32, #tpu.memory_space<vmem>>
    tpu.enqueue_dma source(%dma_start3A_1469 : memref<4096xf32, #tpu.memory_space<vmem>>) target(%dma_start3A_1467 : memref<4096xf32, #tpu.memory_space<hbm>>) target_semaphore(%arg12 : memref<!tpu.dma_semaphore, #tpu.memory_space<semaphore_mem>>)
    %dma_wait3A_1470 = arith.constant 0 : i32
    %dma_wait3A_1471 = tpu.memref_slice %arg3[%dma_wait3A_1470] : memref<16777216xf32, #tpu.memory_space<hbm>> -> memref<8192xf32, #tpu.memory_space<hbm>>
    %dma_wait3A_1472 = arith.constant 0 : i32
    %dma_wait3A_1473 = tpu.memref_slice %arg3[%dma_wait3A_1472] : memref<16777216xf32, #tpu.memory_space<hbm>> -> memref<8192xf32, #tpu.memory_space<hbm>>
    tpu.wait_dma2 semaphore(%arg12 : memref<!tpu.dma_semaphore, #tpu.memory_space<semaphore_mem>>) src(%dma_wait3A_1473 : memref<8192xf32, #tpu.memory_space<hbm>>) dst(%arg9 : memref<8192xf32, #tpu.memory_space<vmem>>)
    return
  }
}

</mosaic_0001>

<sc_bundles>
// kernel: kernel.3.cloned.1.call-start
scs
__scs_entry_jumppad:
0x0: {  	(pc) =	sbr.rel $0x88, $3  }
0x1: {  	(tag) =	ssettag $0x0;
	lr =	simm.s32 $0x1  }
0x2: {  	[smem:$0x3F9F] =	sst lr;
	_ =	strace $0xD0000000  }
0x3: {  	_ = 	snop  }
0x4: {  	_ = 	snop  }
0x5: {  	_ = 	snop  }
0x6: {  	_ = 	snop  }
0x7: {  	_ = 	snop  }
__scs_overlays_trampoline_lowered:
0x8: {  	[smem:$0x3FAE] =	sst s0  }
0x9: {  	[smem:$0x3FAF] =	sst s1  }
0xa: {  	[smem:$0x3FB0] =	sst s2  }
0xb: {  	[smem:$0x3FB1] =	sst s3  }
0xc: {  	[smem:$0x3FB2] =	sst s4  }
0xd: {  	[smem:$0x3FB3] =	sst s5  }
0xe: {  	[smem:$0x3FB4] =	sst s6  }
0xf: {  	[smem:$0x3FB5] =	sst s7  }
0x10: {  	[smem:$0x3FB6] =	sst s8  }
0x11: {  	[smem:$0x3FB7] =	sst s9;
	s0 =	simm.s32 @!p0 $0x0  }
0x12: {  	s1 =	sld [smem:$0x3F9D];
	s0 =	simm.s32 @p0 $0x1  }
0x13: {  	[smem:$0x3FB8] =	sst s0;
	s0 =	simm.s32 @!p1 $0x0  }
0x14: {  	s2 =	sld [smem:$0x3F9C];
	s0 =	simm.s32 @p1 $0x1  }
0x15: {  	[smem:$0x3FB9] =	sst s0;
	s0 =	simm.s32 @!p2 $0x0  }
0x16: {  	s3 =	sld [smem:$0x3FDB];
	s0 =	simm.s32 @p2 $0x1  }
0x17: {  	s4 =	simm.s32 $0x1BF5;
	[smem:$0x3FBB] =	sst s0  }
0x18: {  	s0 =	sld [smem:$0x3F9E];
	_ =	swait.ge [sflag:s4], $0x0  }
0x19: {  	s7 =	sld [smem:$0x3F9F]  }
0x1a: {  	s8 =	sadd.s32 $0xFFFFE003, lr  }
0x1b: {  	s9 =	sadd.s32 $0xFFFFFEF7, lr;
	s5 =	simm.s32 $0xFFFFFFFF;
	p2 =	slt.u32 s8, $0xFFFFF086  }
0x1c: {  	p1 =	slt.u32 s9, $0xF7A;
	s5 =	simm.s32 @!p2 $0x0  }
0x1d: {  	s5 =	simm.s32 @p1 $0x1;
	p0 =	seq.s32 s7, s2  }
0x1e: {  	s7 =	smul.u32 @!p0 $0xF7A, s2;
	p2 =	seq.s32 @!p0 s5, $0x0  }
0x1f: {  	s9 =	smul.u32 $0xF7A, s1;
	s8 =	simm.s32 @!p0 $0x1BF5;
	p2 =	por !p2, p0  }
0x20: {  	[sflag:s8] =	ssyncset.s32 @!p0 $0xFFFFF086;
	s6 =	sadd.s32 @!p0 s3, s7;
	s7 =	simm.s32 @!p0 $0x108  }
0x21: {  	s3 =	sadd.s32 s3, s9;
	s6 =	sadd.s32 @!p0 $0x88, s6;
	s7 =	simm.s32 @p2 $0x1082  }
0x22: {  	[simem:s7], [sflag:s8] =	dma.local @!p0 [hbm:s6], $0xF7A  }
0x23: {  	s9 =	sor.u32 $0xD0000000, s2;
	s6 =	simm.s32 $0x108;
	_ =	swait.ge @!p0 [sflag:s8], $0x0  }
0x24: {  	s3 =	sadd.s32 $0x88, s3;
	s6 =	simm.s32 @!p1 $0x1082;
	[sflag:s4] =	ssyncset.s32 $0xFFFFF086  }
0x25: {  	[simem:s6], [sflag:s4] =	dma.local [hbm:s3], $0xF7A  }
0x26: {  	[smem:$0x3F9F] =	sst s1;
	(tag) =	ssettag s2;
	_ =	strace s9  }
0x27: {  	s1 =	sld [smem:$0x3FAF]  }
0x28: {  	s2 =	sld [smem:$0x3FB0]  }
0x29: {  	s4 =	sld [smem:$0x3FB2]  }
0x2a: {  	p0 =	seq.s32 s5, $0x0;
	s5 =	sld [smem:$0x3FB3]  }
0x2b: {  	s6 =	sld [smem:$0x3FB4]  }
0x2c: {  	s7 =	sld [smem:$0x3FB5]  }
0x2d: {  	s3 =	simm.s32 $0x108;
	s8 =	sld [smem:$0x3FB6]  }
0x2e: {  	s3 =	simm.s32 @!p0 $0x1082;
	s9 =	sld [smem:$0x3FB7]  }
0x2f: {  	lr =	sadd.s32 s0, s3;
	s0 =	sld [smem:$0x3FAE]  }
0x30: {  	s3 =	sld [smem:$0x3FB1]  }
0x31: {  	[smem:$0x3FBA] =	sst s10  }
0x32: {  	s10 =	sld [smem:$0x3FB8];
	_ =	sdelay $0x3  }
0x33: {  	p0 =	seq.s32 s10, $0x1;
	s10 =	sld [smem:$0x3FBA];
	_ =	sdelay $0x3  }
0x34: {  	[smem:$0x3FBA] =	sst s10  }
0x35: {  	s10 =	sld [smem:$0x3FB9];
	_ =	sdelay $0x3  }
0x36: {  	p1 =	seq.s32 s10, $0x1;
	s10 =	sld [smem:$0x3FBA];
	_ =	sdelay $0x3  }
0x37: {  	[smem:$0x3FBA] =	sst s10  }
0x38: {  	s10 =	sld [smem:$0x3FBB]  }
0x39: {  	_ = 	snop;
	(pc) =	sbr.ind lr, $3  }
0x3a: {  	_ = 	snop  }
0x3b: {  	_ = 	snop  }
0x3c: {  	p2 =	seq.s32 s10, $0x1;
	s10 =	sld [smem:$0x3FBA]  }
0x3d: {  	_ =	shalt  }
0x3e: {  	_ =	shalt  }
0x3f: {  	_ =	shalt  }
0x40: {  	_ =	shalt  }
0x41: {  	_ =	shalt  }
0x42: {  	_ =	shalt  }
0x43: {  	_ =	shalt  }
0x44: {  	_ =	shalt  }
0x45: {  	_ =	shalt  }
0x46: {  	_ =	shalt  }
0x47: {  	_ =	shalt  }
0x48: {  	_ =	shalt  }
0x49: {  	_ =	shalt  }
0x4a: {  	_ =	shalt  }
0x4b: {  	_ =	shalt  }
0x4c: {  	_ =	shalt  }
0x4d: {  	_ =	shalt  }
0x4e: {  	_ =	shalt  }
0x4f: {  	_ =	shalt  }
0x50: {  	_ =	shalt  }
0x51: {  	_ =	shalt  }
0x52: {  	_ =	shalt  }
0x53: {  	_ =	shalt  }
0x54: {  	_ =	shalt  }
0x55: {  	_ =	shalt  }
0x56: {  	_ =	shalt  }
0x57: {  	_ =	shalt  }
0x58: {  	_ =	shalt  }
0x59: {  	_ =	shalt  }
0x5a: {  	_ =	shalt  }
0x5b: {  	_ =	shalt  }
0x5c: {  	_ =	shalt  }
0x5d: {  	_ =	shalt  }
0x5e: {  	_ =	shalt  }
0x5f: {  	_ =	shalt  }
0x60: {  	_ =	shalt  }
0x61: {  	_ =	shalt  }
0x62: {  	_ =	shalt  }
0x63: {  	_ =	shalt  }
0x64: {  	_ =	shalt  }
0x65: {  	_ =	shalt  }
0x66: {  	_ =	shalt  }
0x67: {  	_ =	shalt  }
0x68: {  	_ =	shalt  }
0x69: {  	_ =	shalt  }
0x6a: {  	_ =	shalt  }
0x6b: {  	_ =	shalt  }
0x6c: {  	_ =	shalt  }
0x6d: {  	_ =	shalt  }
0x6e: {  	_ =	shalt  }
0x6f: {  	_ =	shalt  }
0x70: {  	_ =	shalt  }
0x71: {  	_ =	shalt  }
0x72: {  	_ =	shalt  }
0x73: {  	_ =	shalt  }
0x74: {  	_ =	shalt  }
0x75: {  	_ =	shalt  }
0x76: {  	_ =	shalt  }
0x77: {  	_ =	shalt  }
0x78: {  	_ =	shalt  }
0x79: {  	_ =	shalt  }
0x7a: {  	_ =	shalt  }
0x7b: {  	_ =	shalt  }
0x7c: {  	_ =	shalt  }
0x7d: {  	_ =	shalt  }
0x7e: {  	_ =	shalt  }
0x7f: {  	_ =	shalt  }
0x80: {  	_ =	shalt  }
0x81: {  	_ =	shalt  }
0x82: {  	_ =	shalt  }
0x83: {  	_ =	shalt  }
0x84: {  	_ =	shalt  }
0x85: {  	_ =	shalt  }
0x86: {  	_ =	shalt  }
0x87: {  	_ =	shalt  }
.Lfunc_end0:
.L_simem_size_0:
called_computation_lowered:
.L_overlay_start_0:
0x88: {  	s2 =	sld [smem:$0x3FD9]  }
0x89: {  	s3 =	sld [smem:$0x3FFE];
	_ =	sdelay $0x1  }
0x8a: {  	s1 =	srdreg.scid  }
0x8b: {  	s0 =	sand.u32 $0x1, s1  }
0x8c: {  	s18 =	sshll.u32 s0, $0xA;
	s2 =	sadd.s32 s3, s2  }
0x8d: {  	s2 =	sadd.s32 s2, s18  }
0x8e: {  	[smem:$0x3FC6] =	sst s2  }
0x8f: {  	_ = 	snop  }
0x90: {  	s2 =	sld [smem:$0x3FC9]  }
0x91: {  	s19 =	sld [smem:$0x3FC8]  }
0x92: {  	s4 =	sld [smem:$0x3FD0];
	(tm) =	ssettm $0x1  }
0x93: {  	s5 =	sld [smem:$0x3FFB];
	_ =	sdelay $0x3  }
0x94: {  	_ =	strace s5  }
0x95: {  	s5 =	sld [smem:$0x3FFC];
	_ =	sdelay $0x3  }
0x96: {  	_ =	strace s5  }
0x97: {  	s5 =	sld [smem:$0x3FFD];
	_ =	sdelay $0x3  }
0x98: {  	_ =	strace s5  }
0x99: {  	_ =	strace $0x8FFFFFFF  }
0x9a: {  	s20 =	sld [smem:$0x3FDB];
	_ =	sdelay $0x1  }
0x9b: {  	s6 =	simm.s32 $_scs_section_size  }
0x9c: {  	s7 =	simm.s32 $_size__tile_overlayer_lowered;
	s8 =	simm.s32 $_tile_overlayer_lowered  }
0x9d: {  	s23 =	simm.s32 $0x1BFF;
	s22 =	sshll.u32 s8, $0x1;
	s5 =	sadd.s32 s6, s20  }
0x9e: {  	s9 =	simm.s32 $0x0;
	s21 =	sshll.u32 s7, $0x1;
	s7 =	sadd.s32 s22, s5  }
0x9f: {  	[timem:s9], [sflag:s23] =	dma.local [hbm:s7], s21  }
0xa0: {  	_ =	swait.ge [sflag:s23], s21  }
0xa1: {  	s6 =	ssub.s32 $0x0, s21;
	[sflag:s23] =	ssyncset.done $0x0  }
0xa2: {  	[sflag:s23] =	ssyncadd.s32 s6;
	_ =	sdelay $0x1  }
0xa3: {  	s24 =	simm.s32 $0x1B8B  }
0xa4: {  	_ =	swait.ge [sflag:s24], $0x1  }
0xa5: {  	[sflag:s24] =	ssyncset.done $0x0  }
0xa6: {  	s25 =	simm.s32 $0x1B8E;
	[sflag:s24] =	ssyncadd.s32 $0xFFFFFFFF  }
0xa7: {  	s26 =	simm.s32 $execute0_lowered;
	[smem:$0x3FD2] =	sst s25  }
0xa8: {  	s6 =	sshll.u32 s26, $0x1;
	_ =	strace $0x80000046;
	[dreg:$0x1] =	wrdreg $0xFFFFFFFF  }
0xa9: {  	s28 =	simm.s32 $_size_execute0_lowered;
	s5 =	sadd.s32 s5, s6;
	[dreg:$0x0] =	wrdreg $0x0  }
0xaa: {  	s6 =	sshll.u32 s28, $0x1;
	[dreg:$0x2] =	wrdreg s5  }
0xab: {  	[dreg:$0x3] =	wrdreg s6  }
0xac: {  	[dreg:$0x4] =	wrdreg $0xC0  }
0xad: {  	_ =	task [dreg:s9], $0x5FFFF  }
0xae: {  	[dreg:$0x1] =	wrdreg $0xFFFFFFFF  }
0xaf: {  	[dreg:$0x0] =	wrdreg $0x60  }
0xb0: {  	[dreg:$0x2] =	wrdreg s2  }
0xb1: {  	[dreg:$0x3] =	wrdreg s19  }
0xb2: {  	[dreg:$0x4] =	wrdreg s4  }
0xb3: {  	[dreg:$0x5] =	wrdreg $0x9  }
0xb4: {  	_ =	task.clear_ibuf [dreg:s9], $0x6FFFF;
	_ =	strace $0x90000046  }
0xb5: {  	s29 =	simm.s32 $0x9;
	_ =	strace $0x80000048  }
0xb6: {  	_ =	swait.ge [sflag:s29], $0x1  }
0xb7: {  	[sflag:s29] =	ssyncadd.s32 $0xFFFFFFFF  }
0xb8: {  	_ =	strace $0x90000048  }
0xb9: {  	_ =	sfence  }
0xba: {  	s30 =	sld [smem:$0x0];
	_ =	sdelay $0x2  }
0xbb: {  	s31 =	sshll.u32 s1, $0xD;
	s1 =	sshrl.u32 s1, $0x2  }
0xbc: {  	s3 =	sand.u32 $0x4000, s31;
	s1 =	sadd.s32 s1, s30  }
0xbd: {  	s0 =	sor.u32 s3, s0;
	s1 =	sshll.u32 s1, $0x11  }
0xbe: {  	s0 =	sor.u32 s1, s0  }
0xbf: {  	s0 =	sadd.s32 $0x8F2B, s0  }
0xc0: {  	[sflag:s0] =	ssyncadd.remote.s32 $0x1  }
0xc1: {  	_ =	sfence.sel $0xFFFF  }
0xc2: {  	[dreg:$0x0] =	wrdreg $0xFFFFFFFF;
	(pc) =	sbr.abs _section_cstart, $3  }
0xc3: {  	[dreg:$0x1] =	wrdreg $0xFFFFFFFF  }
0xc4: {  	_ =	task.clear_ibuf [dreg:s9], $0x2FFFF;
	_ =	strace $0x9FFFFFFF  }
0xc5: {  	(tm) =	ssettm $0x7FFFFFFF  }
tec
execute0_lowered:
.L_overlay_start_1:
0x0: {  	(tag) =	ssettag $0x1  }
0x1: {  	s0 =	rddreg [dreg:$0x0]  }
0x2: {  	s1 =	rddreg [dreg:$0x1]  }
0x3: {  	s3 =	srdreg.scid;
	s4 =	stileid.u32  }
0x4: {  	s2 =	rddreg [dreg:$0x2];
	s3 =	sand.u32 $0x1, s3;
	s4 =	sshll.u32 s4, $0x1  }
0x5: {  	s7 =	simm.s32 $0x0;
	s5 =	ssub.s32 $0x2, s3;
	s3 =	sor.u32 s3, s4  }
0x6: {  	[smem:$0x7FF] =	sst s7;
	s22 =	sshrl.u32 s5, $0x1;
	s6 =	sshll.u32 s3, $0x7  }
0x7: {  	_ =	strace $0x80000047;
	s4 =	ssub.s32 s5, s22;
	s0 =	sadd.s32 s0, s6  }
0x8: {  	s3 =	sshll.u32 s3, $0x9;
	[dreg:$0x4] =	wrdreg s0;
	s16 =	smax.u32 s4, $0x1  }
0x9: {  	s0 =	sadd.s32 s2, s3;
	[dreg:$0x12] =	wrdreg s16  }
0xa: {  	s2 =	sadd.s32 $0x4000, s0;
	[dreg:$0x5] =	wrdreg s0  }
0xb: {  	s23 =	sadd.s32 $0x8000, s0;
	[dreg:$0x6] =	wrdreg s2  }
0xc: {  	s24 =	sadd.s32 $0xC000, s0;
	[dreg:$0x7] =	wrdreg s23  }
0xd: {  	s25 =	sadd.s32 $0x10000, s0;
	[dreg:$0x8] =	wrdreg s24  }
0xe: {  	s26 =	sadd.s32 $0x14000, s0;
	[dreg:$0x9] =	wrdreg s25  }
0xf: {  	s3 =	sadd.s32 $0x18000, s0;
	[dreg:$0xa] =	wrdreg s26  }
0x10: {  	s5 =	sadd.s32 $0x1C000, s0;
	[dreg:$0xb] =	wrdreg s3  }
0x11: {  	s9 =	sadd.s32 $0x20000, s0;
	[dreg:$0xc] =	wrdreg s5  }
0x12: {  	s10 =	sadd.s32 $0x24000, s0;
	[dreg:$0xd] =	wrdreg s9  }
0x13: {  	s12 =	sadd.s32 $0x28000, s0;
	[dreg:$0xe] =	wrdreg s10  }
0x14: {  	s13 =	sadd.s32 $0x2C000, s0;
	[dreg:$0xf] =	wrdreg s12  }
0x15: {  	s15 =	sadd.s32 $0x30000, s0;
	[dreg:$0x10] =	wrdreg s13  }
0x16: {  	s18 =	sadd.s32 $0x34000, s0;
	[dreg:$0x11] =	wrdreg s15  }
0x17: {  	s30 =	simm.s32 $0x0;
	s19 =	sadd.s32 $0x38000, s0;
	[dreg:$0x13] =	wrdreg s18  }
0x18: {  	s8 =	sadd.s32 $0x40000, s1;
	s21 =	sadd.s32 $0x3C000, s0;
	[dreg:$0x14] =	wrdreg s19  }
0x19: {  	s11 =	sadd.s32 $0x60000, s1;
	s22 =	sadd.s32 $0x40000, s0;
	[dreg:$0x15] =	wrdreg s21  }
0x1a: {  	s14 =	sadd.s32 $0x80000, s1;
	s16 =	sadd.s32 $0x64000, s0;
	[dreg:$0x16] =	wrdreg s22  }
0x1b: {  	s17 =	sadd.s32 $0xA0000, s1;
	s24 =	sadd.s32 $0x44000, s0;
	[dreg:$0x1f] =	wrdreg s16  }
0x1c: {  	s20 =	sadd.s32 $0xC0000, s1;
	s25 =	sadd.s32 $0x48000, s0;
	[dreg:$0x17] =	wrdreg s24  }
0x1d: {  	s28 =	sadd.s32 $0x100000, s1;
	s26 =	sadd.s32 $0x4C000, s0;
	[dreg:$0x18] =	wrdreg s25  }
0x1e: {  	s31 =	sadd.s32 $0x120000, s1;
	s3 =	sadd.s32 $0x50000, s0;
	[dreg:$0x19] =	wrdreg s26  }
0x1f: {  	s29 =	sadd.s32 $0x1E0000, s1;
	s5 =	sadd.s32 $0x54000, s0;
	[dreg:$0x1a] =	wrdreg s3  }
0x20: {  	s6 =	sadd.s32 $0x20000, s1;
	s9 =	sadd.s32 $0x58000, s0;
	[dreg:$0x1b] =	wrdreg s5  }
0x21: {  	s4 =	sadd.s32 $0x140000, s1;
	s12 =	sadd.s32 $0x5C000, s0;
	[dreg:$0x1c] =	wrdreg s9  }
0x22: {  	s23 =	sadd.s32 $0xE0000, s1;
	s13 =	sadd.s32 $0x60000, s0;
	[dreg:$0x1d] =	wrdreg s12  }
0x23: {  	s10 =	sadd.s32 $0x160000, s1;
	s18 =	sadd.s32 $0x68000, s0;
	[dreg:$0x1e] =	wrdreg s13  }
0x24: {  	s15 =	sadd.s32 $0x180000, s1;
	s21 =	sadd.s32 $0x6C000, s0;
	[smem:$0x7F8] =	sst s18  }
0x25: {  	s19 =	sadd.s32 $0x1A0000, s1;
	s22 =	sadd.s32 $0x70000, s0;
	[smem:$0x7F9] =	sst s21  }
0x26: {  	s24 =	sadd.s32 $0x1C0000, s1;
	[smem:$0x7FA] =	sst s22;
	s25 =	sadd.s32 $0x74000, s0  }
0x27: {  	s26 =	sadd.s32 $0x78000, s0;
	s0 =	sadd.s32 $0x7C000, s0;
	s12 =	simm.s32 $0x80  }
0x28: {  	s13 =	simm.s32 $0x1;
	s18 =	simm.s32 $0x2600;
	[smem:$0x7FB] =	sst s25  }
0x29: {  	s21 =	simm.s32 $0x3;
	s22 =	simm.s32 $0x2;
	[smem:$0x7FC] =	sst s26  }
0x2a: {  	[smem:$0x7FD] =	sst s0;
	s25 =	simm.s32 $0x4600;
	s26 =	simm.s32 $0x5600  }
.LBB2_1:
0x2b: {  	s0 =	rddreg [dreg:$0x4];
	s16 =	simm.s32 $0x4  }
0x2c: {  	[tilespmem:s7], [sflag:$0x4] =	stream.linear.gather [hbm4b:s0+s7], $0x400, $0x38;
	[tilespmem:$0x6600] =	vst v63  }
0x2d: {  	_ =	swait.ge [sflag:s16], $0x400  }
0x2e: {  	[sflag:s16] =	ssyncset.done $0x0  }
0x2f: {  	[sflag:s16] =	ssyncadd.s32 $0xFFFFFC00  }
0x30: {  	v0 =	vld [tilespmem:$0x80]  }
0x31: {  	v1 =	vld [tilespmem:$0x0]  }
0x32: {  	v2 =	vld [tilespmem:$0x90]  }
0x33: {  	v3 =	vld [tilespmem:$0x10]  }
0x34: {  	v4 =	vld [tilespmem:$0xA0]  }
0x35: {  	v6 =	vld [tilespmem:$0x20]  }
0x36: {  	v7 =	vld [tilespmem:$0xB0]  }
0x37: {  	v8 =	vld [tilespmem:$0x30]  }
0x38: {  	v9 =	vld [tilespmem:$0xC0]  }
0x39: {  	v52 =	vld [tilespmem:$0x40]  }
0x3a: {  	v10 =	vld [tilespmem:$0xD0]  }
0x3b: {  	v11 =	vld [tilespmem:$0xE0]  }
0x3c: {  	v12 =	vld [tilespmem:$0xF0]  }
0x3d: {  	v13 =	vld [tilespmem:$0x180];
	v5 =	vshll.u32 v0, $0x3;
	v1 =	vshll.u32 v1, $0xC  }
0x3e: {  	v14 =	vld [tilespmem:$0x190];
	v49 =	vshll.u32 v2, $0x3;
	v0 =	vand.u32 $0x7F, v0;
	v3 =	vshll.u32 v3, $0xC  }
0x3f: {  	v15 =	vld [tilespmem:$0x1A0];
	v51 =	vshll.u32 v4, $0x3;
	v2 =	vand.u32 $0x7F, v2;
	v6 =	vshll.u32 v6, $0xC  }
0x40: {  	v16 =	vld [tilespmem:$0x1B0];
	v54 =	vshll.u32 v7, $0x3;
	v4 =	vand.u32 $0x7F, v4;
	v8 =	vshll.u32 v8, $0xC  }
0x41: {  	v17 =	vld [tilespmem:$0x1C0];
	v56 =	vshll.u32 v9, $0x3;
	v7 =	vand.u32 $0x7F, v7;
	v58 =	vshll.u32 v10, $0x3  }
0x42: {  	v18 =	vld [tilespmem:$0x1D0];
	v9 =	vand.u32 $0x7F, v9;
	v60 =	vshll.u32 v11, $0x3;
	v10 =	vand.u32 $0x7F, v10  }
0x43: {  	v55 =	vld [tilespmem:$0x50];
	v62 =	vshll.u32 v12, $0x3;
	v11 =	vand.u32 $0x7F, v11;
	v19 =	vshll.u32 v13, $0x3  }
0x44: {  	v36 =	vld [tilespmem:$0x220];
	v12 =	vand.u32 $0x7F, v12;
	v21 =	vshll.u32 v14, $0x3;
	v13 =	vand.u32 $0x7F, v13  }
0x45: {  	v38 =	vld [tilespmem:$0x230];
	v23 =	vshll.u32 v15, $0x3;
	v14 =	vand.u32 $0x7F, v14;
	v25 =	vshll.u32 v16, $0x3  }
0x46: {  	v57 =	vld [tilespmem:$0x60];
	v15 =	vand.u32 $0x7F, v15;
	v27 =	vshll.u32 v17, $0x3;
	v16 =	vand.u32 $0x7F, v16  }
0x47: {  	v59 =	vld [tilespmem:$0x70];
	v29 =	vshll.u32 v18, $0x3;
	v17 =	vand.u32 $0x7F, v17;
	v5 =	vand.u32 $0xFFFFFC00, v5  }
0x48: {  	v40 =	vld [tilespmem:$0x2C0];
	v18 =	vand.u32 $0x7F, v18;
	v1 =	vadd.s32 v1, v5;
	v5 =	vand.u32 $0xFFFFFC00, v49  }
0x49: {  	v46 =	vld [tilespmem:$0x2D0];
	v45 =	vshll.u32 v36, $0xC;
	v0 =	vor.u32 v0, v1;
	v50 =	vadd.s32 v3, v5  }
0x4a: {  	v61 =	vld [tilespmem:$0x100];
	v3 =	vand.u32 $0xFFFFFC00, v51;
	v5 =	vshll.u32 v52, $0xC;
	v51 =	vshll.u32 v38, $0xC  }
0x4b: {  	v63 =	vld [tilespmem:$0x110];
	v1 =	vor.u32 v2, v50;
	v53 =	vadd.s32 v6, v3;
	v3 =	vand.u32 $0xFFFFFC00, v54  }
0x4c: {  	v20 =	vld [tilespmem:$0x120];
	v6 =	vshll.u32 v55, $0xC;
	v2 =	vor.u32 v4, v53;
	v3 =	vadd.s32 v8, v3  }
0x4d: {  	v22 =	vld [tilespmem:$0x130];
	v4 =	vand.u32 $0xFFFFFC00, v56;
	v8 =	vshll.u32 v57, $0xC;
	v53 =	vshll.u32 v40, $0x3  }
0x4e: {  	v52 =	vld [tilespmem:$0x2E0];
	v57 =	vshll.u32 v46, $0x3;
	v3 =	vor.u32 v7, v3;
	v4 =	vadd.s32 v5, v4  }
0x4f: {  	v24 =	vld [tilespmem:$0x140];
	v5 =	vand.u32 $0xFFFFFC00, v58;
	v7 =	vshll.u32 v59, $0xC;
	v59 =	vand.u32 $0x7F, v40  }
0x50: {  	v54 =	vld [tilespmem:$0x260];
	v4 =	vor.u32 v9, v4;
	v5 =	vadd.s32 v6, v5;
	v6 =	vand.u32 $0xFFFFFC00, v60  }
0x51: {  	v26 =	vld [tilespmem:$0x150];
	v9 =	vshll.u32 v61, $0xC;
	v5 =	vor.u32 v10, v5;
	v6 =	vadd.s32 v8, v6  }
0x52: {  	v28 =	vld [tilespmem:$0x160];
	v8 =	vand.u32 $0xFFFFFC00, v62;
	v10 =	vshll.u32 v63, $0xC;
	[tilespmem:$0x440] =	vst v4;
	v4 =	vand.u32 $0xFFFFFC00, v53  }
0x53: {  	v58 =	vld [tilespmem:$0x270];
	v61 =	vshll.u32 v52, $0x3;
	v63 =	vand.u32 $0x7F, v46;
	v6 =	vor.u32 v11, v6  }
0x54: {  	v30 =	vld [tilespmem:$0x170];
	v7 =	vadd.s32 v7, v8;
	v8 =	vand.u32 $0xFFFFFC00, v19;
	v11 =	vshll.u32 v20, $0xC  }
0x55: {  	v60 =	vld [tilespmem:$0x380];
	[tilespmem:$0x450] =	vst v5;
	v5 =	vshll.u32 v54, $0xC;
	v7 =	vor.u32 v12, v7;
	v8 =	vadd.s32 v9, v8  }
0x56: {  	v56 =	vld [tilespmem:$0x2F0];
	v9 =	vand.u32 $0xFFFFFC00, v21;
	v12 =	vshll.u32 v22, $0xC;
	[tilespmem:$0x460] =	vst v6;
	v6 =	vand.u32 $0xFFFFFC00, v57  }
0x57: {  	v62 =	vld [tilespmem:$0x300];
	v8 =	vor.u32 v13, v8;
	v9 =	vadd.s32 v10, v9;
	v10 =	vand.u32 $0xFFFFFC00, v23  }
0x58: {  	v19 =	vld [tilespmem:$0x1E0];
	v13 =	vshll.u32 v24, $0xC;
	[tilespmem:$0x470] =	vst v7;
	v7 =	vshll.u32 v58, $0xC;
	v9 =	vor.u32 v14, v9  }
0x59: {  	v20 =	vld [tilespmem:$0x1F0];
	v10 =	vadd.s32 v11, v10;
	v11 =	vand.u32 $0xFFFFFC00, v25;
	v14 =	vshll.u32 v26, $0xC  }
0x5a: {  	v32 =	vld [tilespmem:$0x200];
	[tilespmem:$0x480] =	vst v8;
	v8 =	vand.u32 $0xFFFFFC00, v61;
	v26 =	vshll.u32 v60, $0x3;
	v10 =	vor.u32 v15, v10  }
0x5b: {  	v21 =	vld [tilespmem:$0x280];
	v11 =	vadd.s32 v12, v11;
	v12 =	vand.u32 $0xFFFFFC00, v27;
	v15 =	vshll.u32 v28, $0xC  }
0x5c: {  	v22 =	vld [tilespmem:$0x290];
	[tilespmem:$0x490] =	vst v9;
	v5 =	vadd.s32 v5, v8;
	v28 =	vand.u32 $0x7F, v56;
	v9 =	vshll.u32 v62, $0xC  }
0x5d: {  	v34 =	vld [tilespmem:$0x210];
	v11 =	vor.u32 v16, v11;
	v12 =	vadd.s32 v13, v12;
	v13 =	vand.u32 $0xFFFFFC00, v29  }
0x5e: {  	v23 =	vld [tilespmem:$0x2A0];
	v31 =	vshll.u32 v19, $0x3;
	v33 =	vshll.u32 v20, $0x3;
	v19 =	vand.u32 $0x7F, v19  }
0x5f: {  	v24 =	vld [tilespmem:$0x2B0];
	v16 =	vshll.u32 v30, $0xC;
	v20 =	vand.u32 $0x7F, v20;
	v12 =	vor.u32 v17, v12  }
0x60: {  	v13 =	vadd.s32 v14, v13;
	v14 =	vand.u32 $0xFFFFFC00, v31;
	v35 =	vshll.u32 v21, $0x3  }
0x61: {  	v17 =	vshll.u32 v32, $0xC;
	v37 =	vshll.u32 v22, $0x3;
	v39 =	vand.u32 $0x7F, v21  }
0x62: {  	v44 =	vand.u32 $0x7F, v22;
	v22 =	vshll.u32 v56, $0x3;
	v32 =	vand.u32 $0x7F, v60  }
0x63: {  	v25 =	vld [tilespmem:$0x3A0];
	v13 =	vor.u32 v18, v13;
	v14 =	vadd.s32 v15, v14;
	v15 =	vand.u32 $0xFFFFFC00, v33  }
0x64: {  	v18 =	vshll.u32 v34, $0xC;
	v42 =	vshll.u32 v23, $0x3;
	v48 =	vshll.u32 v24, $0x3  }
0x65: {  	[tilespmem:$0x400] =	vst v0;
	v50 =	vand.u32 $0x7F, v23;
	v55 =	vand.u32 $0x7F, v24;
	v24 =	vand.u32 $0x7F, v52  }
0x66: {  	[tilespmem:$0x410] =	vst v1;
	v27 =	vld [tilespmem:$0x320];
	v8 =	vand.u32 $0xFFFFFC00, v22;
	v14 =	vor.u32 v19, v14;
	v15 =	vadd.s32 v16, v15  }
0x67: {  	v43 =	vld [tilespmem:$0x240];
	[tilespmem:$0x430] =	vst v3;
	v16 =	vand.u32 $0xFFFFFC00, v35;
	v3 =	vand.u32 $0xFFFFFC00, v48;
	v5 =	vor.u32 v24, v5  }
0x68: {  	[tilespmem:$0x420] =	vst v2;
	v29 =	vld [tilespmem:$0x3B0];
	v7 =	vadd.s32 v7, v8;
	v8 =	vand.u32 $0xFFFFFC00, v26;
	v35 =	vshll.u32 v25, $0x3  }
0x69: {  	v49 =	vld [tilespmem:$0x250];
	[tilespmem:$0x4A0] =	vst v10;
	v15 =	vor.u32 v20, v15;
	v16 =	vadd.s32 v17, v16;
	v17 =	vand.u32 $0xFFFFFC00, v37  }
0x6a: {  	v21 =	vld [tilespmem:$0x390];
	[tilespmem:$0x4B0] =	vst v11;
	v3 =	vadd.s32 v51, v3;
	v7 =	vor.u32 v28, v7;
	v8 =	vadd.s32 v9, v8  }
0x6b: {  	v31 =	vld [tilespmem:$0x330];
	[tilespmem:$0x4C0] =	vst v12;
	v38 =	vshll.u32 v27, $0xC;
	v0 =	vor.u32 v39, v16;
	v41 =	vadd.s32 v18, v17  }
0x6c: {  	[tilespmem:$0x4D0] =	vst v13;
	v16 =	vand.u32 $0xFFFFFC00, v42;
	v17 =	vshll.u32 v43, $0xC;
	v3 =	vor.u32 v55, v3  }
0x6d: {  	v23 =	vld [tilespmem:$0x310];
	[tilespmem:$0x4E0] =	vst v14;
	v43 =	vand.u32 $0x7F, v25;
	v48 =	vand.u32 $0x7F, v29;
	v1 =	vor.u32 v44, v41  }
0x6e: {  	v33 =	vld [tilespmem:$0x3C0];
	[tilespmem:$0x560] =	vst v5;
	v47 =	vadd.s32 v45, v16;
	v4 =	vadd.s32 v17, v4;
	v16 =	vshll.u32 v49, $0xC  }
0x6f: {  	v36 =	vld [tilespmem:$0x340];
	v30 =	vshll.u32 v21, $0x3;
	[tilespmem:$0x500] =	vst v0;
	v0 =	vor.u32 v32, v8;
	v37 =	vand.u32 $0x7F, v21  }
0x70: {  	v51 =	vld [tilespmem:$0x370];
	[tilespmem:$0x4F0] =	vst v15;
	v8 =	vand.u32 $0xFFFFFC00, v35;
	v41 =	vshll.u32 v29, $0x3;
	v44 =	vshll.u32 v31, $0xC  }
0x71: {  	v39 =	vld [tilespmem:$0x3D0];
	[tilespmem:$0x570] =	vst v7;
	v2 =	vor.u32 v50, v47;
	v4 =	vor.u32 v59, v4;
	v6 =	vadd.s32 v16, v6  }
0x72: {  	v42 =	vld [tilespmem:$0x350];
	[tilespmem:$0x530] =	vst v3;
	v10 =	vshll.u32 v23, $0xC;
	v9 =	vand.u32 $0xFFFFFC00, v30;
	v40 =	vadd.s32 v38, v8  }
0x73: {  	v45 =	vld [tilespmem:$0x3E0];
	[tilespmem:$0x510] =	vst v1;
	v3 =	vand.u32 $0xFFFFFC00, v41;
	v46 =	vshll.u32 v33, $0x3;
	v52 =	vand.u32 $0x7F, v33  }
0x74: {  	v49 =	vld [tilespmem:$0x3F0];
	v6 =	vor.u32 v63, v6;
	v34 =	vadd.s32 v10, v9;
	[tilespmem:$0x520] =	vst v2;
	v2 =	vor.u32 v43, v40  }
0x75: {  	v47 =	vld [tilespmem:$0x360];
	[tilespmem:$0x540] =	vst v4;
	v3 =	vadd.s32 v44, v3;
	v9 =	vshll.u32 v36, $0xC;
	v4 =	vand.u32 $0xFFFFFC00, v46  }
0x76: {  	[tilespmem:$0x580] =	vst v0;
	v1 =	vor.u32 v37, v34;
	v3 =	vor.u32 v48, v3;
	v4 =	vadd.s32 v9, v4  }
0x77: {  	[tilespmem:$0x550] =	vst v6;
	v60 =	vshll.u32 v51, $0xC;
	v50 =	vshll.u32 v39, $0x3;
	v8 =	vshll.u32 v42, $0xC  }
0x78: {  	[tilespmem:$0x5A0] =	vst v2;
	v0 =	vor.u32 v52, v4;
	v55 =	vand.u32 $0x7F, v39;
	v5 =	vand.u32 $0xFFFFFC00, v50  }
0x79: {  	p1 =	por $0x0, $0x0;
	[tilespmem:$0x590] =	vst v1;
	v54 =	vshll.u32 v45, $0x3;
	v58 =	vshll.u32 v49, $0x3;
	v59 =	vand.u32 $0x7F, v45  }
.Ltmp0:
0x7a: {  	[tilespmem:$0x5B0] =	vst v3;
	v53 =	vadd.s32 v8, v5;
	v56 =	vshll.u32 v47, $0xC;
	v4 =	vand.u32 $0xFFFFFC00, v54;
	(pc) =	sbr.rel @p1 .LBB2_2-.Ltmp0, $4  }
0x7b: {  	[tilespmem:$0x5C0] =	vst v0;
	v3 =	vand.u32 $0xFFFFFC00, v58;
	v1 =	vor.u32 v55, v53;
	v57 =	vadd.s32 v56, v4  }
0x7c: {  	v62 =	vand.u32 $0x7F, v49;
	v61 =	vadd.s32 v60, v3;
	[tilespmem:$0x5D0] =	vst v1;
	v0 =	vor.u32 v59, v57  }
0x7d: {  	s2 =	sand.u32 $0x180, s7;
	v63 =	vor.u32 v62, v61;
	[tilespmem:$0x5E0] =	vst v0  }
0x7e: {  	s3 =	simm.s32 $0x10;
	p0 =	por $0x0, $0x0;
	s0 =	simm.s32 $0x640;
	[tilespmem:$0x5F0] =	vst v63  }
0x7f: {  	v0 =	vld [tilespmem:s2+$0x400];
	_ =	sdelay $0x1  }
0x80: {  	s18 =	simm.s32 $0x0  }
0x81: {  	s5 =	sand.u32 $0x800, s7;
	s7 =	sand.u32 $0x380, s18  }
0x82: {  	s5 =	sor.u32 s7, s5  }
0x83: {  	v0 =	vadd.s32 s5, v0  }
0x84: {  	[tilespmem:s0+$0xFFFFFFC0] =	vst v0  }
0x85: {  	v0 =	vld [tilespmem:s2+$0x410];
	_ =	sdelay $0x4  }
0x86: {  	v0 =	vadd.s32 s5, v0  }
0x87: {  	[tilespmem:s0+$0xFFFFFFD0] =	vst v0  }
0x88: {  	v0 =	vld [tilespmem:s2+$0x420];
	_ =	sdelay $0x4  }
0x89: {  	v0 =	vadd.s32 s5, v0  }
0x8a: {  	[tilespmem:s0+$0xFFFFFFE0] =	vst v0  }
0x8b: {  	v0 =	vld [tilespmem:s2+$0x430];
	_ =	sdelay $0x4  }
0x8c: {  	v0 =	vadd.s32 s5, v0  }
0x8d: {  	[tilespmem:s0+$0xFFFFFFF0] =	vst v0  }
0x8e: {  	v0 =	vld [tilespmem:s2+$0x440];
	_ =	sdelay $0x4  }
0x8f: {  	v0 =	vadd.s32 s5, v0  }
0x90: {  	[tilespmem:s0+$0x0] =	vst v0  }
0x91: {  	v0 =	vld [tilespmem:s2+$0x450];
	_ =	sdelay $0x4  }
0x92: {  	v0 =	vadd.s32 s5, v0  }
0x93: {  	[tilespmem:s0+$0x10] =	vst v0  }
0x94: {  	v0 =	vld [tilespmem:s2+$0x460];
	_ =	sdelay $0x4  }
0x95: {  	v0 =	vadd.s32 s5, v0  }
0x96: {  	[tilespmem:s0+$0x20] =	vst v0  }
0x97: {  	v0 =	vld [tilespmem:s2+$0x470]  }
0x98: {  	p1 =	por $0x0, $0x0  }
.Ltmp1:
0x99: {  	_ = 	snop;
	(pc) =	sbr.rel @p1 .LBB2_4-.Ltmp1, $3  }
0x9a: {  	_ =	sdelay $0x1  }
0x9b: {  	p0 =	por $0x1, $0x1;
	s9 =	simm.s32 $0x0;
	s7 =	simm.s32 $0x640;
	v0 =	vadd.s32 s5, v0  }
0x9c: {  	s2 =	sand.u32 $0x180, s3;
	s3 =	simm.s32 $0x20;
	s5 =	simm.s32 $0x0;
	[tilespmem:s0+$0x30] =	vst v0  }
.LBB2_5:
0x9d: {  	p1 =	seq.s32 s3, $0x3F0;
	v0 =	vld [tilespmem:s2+$0x400];
	_ =	sdelay $0x1  }
0x9e: {  	s9 =	sadd.s32 $0x40, s9;
	s5 =	sadd.s32 $0x80, s5  }
0x9f: {  	s16 =	sand.u32 $0x800, s9;
	s18 =	sand.u32 $0x380, s5  }
0xa0: {  	s16 =	sor.u32 s18, s16  }
0xa1: {  	s7 =	sadd.s32 $0x80, s7;
	v0 =	vadd.s32 s16, v0  }
0xa2: {  	[tilespmem:s7+$0xFFFFFFC0] =	vst v0  }
0xa3: {  	v0 =	vld [tilespmem:s2+$0x410];
	_ =	sdelay $0x4  }
0xa4: {  	v0 =	vadd.s32 s16, v0  }
0xa5: {  	[tilespmem:s7+$0xFFFFFFD0] =	vst v0  }
0xa6: {  	v0 =	vld [tilespmem:s2+$0x420];
	_ =	sdelay $0x4  }
0xa7: {  	v0 =	vadd.s32 s16, v0  }
0xa8: {  	[tilespmem:s7+$0xFFFFFFE0] =	vst v0  }
0xa9: {  	v0 =	vld [tilespmem:s2+$0x430];
	_ =	sdelay $0x4  }
0xaa: {  	v0 =	vadd.s32 s16, v0  }
0xab: {  	[tilespmem:s7+$0xFFFFFFF0] =	vst v0  }
0xac: {  	v0 =	vld [tilespmem:s2+$0x440];
	_ =	sdelay $0x4  }
0xad: {  	v0 =	vadd.s32 s16, v0  }
0xae: {  	[tilespmem:s7+$0x0] =	vst v0  }
0xaf: {  	v0 =	vld [tilespmem:s2+$0x450];
	_ =	sdelay $0x4  }
0xb0: {  	v0 =	vadd.s32 s16, v0  }
0xb1: {  	[tilespmem:s7+$0x10] =	vst v0  }
0xb2: {  	v0 =	vld [tilespmem:s2+$0x460];
	_ =	sdelay $0x4  }
0xb3: {  	v0 =	vadd.s32 s16, v0  }
0xb4: {  	[tilespmem:s7+$0x20] =	vst v0  }
0xb5: {  	v0 =	vld [tilespmem:s2+$0x470];
	_ =	sdelay $0x1  }
.Ltmp2:
0xb6: {  	(pc) =	sbr.rel @!p1 .LBB2_5-.Ltmp2, $3  }
0xb7: {  	_ =	sdelay $0x1  }
0xb8: {  	v0 =	vadd.s32 s16, v0  }
0xb9: {  	s2 =	sand.u32 $0x180, s3;
	s3 =	sadd.s32 $0x10, s3;
	[tilespmem:s7+$0x30] =	vst v0  }
0xba: {  	s18 =	simm.s32 $0x2600  }
.LBB2_7:
0xbb: {  	v0 =	vld [tilespmem:s2+$0x400];
	s3 =	sadd.s32 @p0 $0x40, s9  }
0xbc: {  	s5 =	sadd.s32 @p0 $0x80, s5;
	s9 =	simm.s32 $0x0;
	s16 =	simm.s32 $0x0  }
0xbd: {  	s9 =	smov.u32 @p0 s3;
	s16 =	smov.u32 @p0 s5  }
0xbe: {  	s3 =	sand.u32 $0x800, s9;
	s5 =	sand.u32 $0x380, s16  }
0xbf: {  	s3 =	sor.u32 s5, s3;
	s5 =	sadd.s32 @p0 $0x80, s7  }
0xc0: {  	s0 =	smov.u32 @p0 s5;
	v0 =	vadd.s32 s3, v0  }
0xc1: {  	[tilespmem:s0+$0xFFFFFFC0] =	vst v0  }
0xc2: {  	v0 =	vld [tilespmem:s2+$0x410];
	_ =	sdelay $0x4  }
0xc3: {  	v0 =	vadd.s32 s3, v0  }
0xc4: {  	[tilespmem:s0+$0xFFFFFFD0] =	vst v0  }
0xc5: {  	v0 =	vld [tilespmem:s2+$0x420];
	_ =	sdelay $0x4  }
0xc6: {  	v0 =	vadd.s32 s3, v0  }
0xc7: {  	[tilespmem:s0+$0xFFFFFFE0] =	vst v0  }
0xc8: {  	v0 =	vld [tilespmem:s2+$0x430];
	_ =	sdelay $0x4  }
0xc9: {  	v0 =	vadd.s32 s3, v0  }
0xca: {  	[tilespmem:s0+$0xFFFFFFF0] =	vst v0  }
0xcb: {  	v0 =	vld [tilespmem:s2+$0x440];
	_ =	sdelay $0x4  }
0xcc: {  	v0 =	vadd.s32 s3, v0  }
0xcd: {  	[tilespmem:s0+$0x0] =	vst v0  }
0xce: {  	v0 =	vld [tilespmem:s2+$0x450];
	_ =	sdelay $0x4  }
0xcf: {  	v0 =	vadd.s32 s3, v0  }
0xd0: {  	[tilespmem:s0+$0x10] =	vst v0  }
0xd1: {  	v0 =	vld [tilespmem:s2+$0x460];
	_ =	sdelay $0x4  }
0xd2: {  	v0 =	vadd.s32 s3, v0  }
0xd3: {  	[tilespmem:s0+$0x20] =	vst v0  }
0xd4: {  	v0 =	vld [tilespmem:s2+$0x470];
	_ =	sdelay $0x4  }
0xd5: {  	s7 =	simm.s32 $0x0;
	s5 =	simm.s32 $0x3600;
	v0 =	vadd.s32 s3, v0  }
0xd6: {  	s2 =	simm.s32 $0x2600;
	s3 =	simm.s32 $0x600;
	[tilespmem:s0+$0x30] =	vst v0;
	s0 =	simm.s32 $0x200  }
.LBB2_8:
0xd7: {  	[tilespmem:s2], [sflag:$0x1] =	stream.indirect.gather [hbm4b:s1+s12], $0x1, s3, s12, $0xb8;
	[tilespmem:$0x6600] =	vst v63  }
0xd8: {  	s2 =	smov.u32 s0;
	p0 =	seq.s32 s0, $0x7E00  }
.Ltmp3:
0xd9: {  	s0 =	sadd.s32 $0x200, s0;
	(pc) =	sbr.rel @!p0 .LBB2_8-.Ltmp3, $3  }
0xda: {  	_ =	sdelay $0x1  }
0xdb: {  	s3 =	sshra.s32 s2, $0x2  }
0xdc: {  	s2 =	sadd.s32 $0x2600, s3;
	s3 =	sadd.s32 $0x600, s3  }
0xdd: {  	[tilespmem:s2], [sflag:$0x1] =	stream.indirect.gather [hbm4b:s1+s12], $0x1, s3, s12, $0xb8;
	[tilespmem:$0x6600] =	vst v63  }
0xde: {  	s0 =	simm.s32 $0x200;
	s2 =	simm.s32 $0x600;
	s3 =	simm.s32 $0x4600  }
.LBB2_10:
0xdf: {  	[tilespmem:s3], [sflag:$0x2] =	stream.indirect.gather [hbm4b:s6+s12], $0x1, s2, s12, $0xb8;
	[tilespmem:$0x6600] =	vst v63  }
0xe0: {  	s2 =	smov.u32 s0;
	p0 =	sne.s32 s0, $0x7E00  }
.Ltmp4:
0xe1: {  	s0 =	sadd.s32 $0x200, s0;
	(pc) =	sbr.rel @p0 .LBB2_10-.Ltmp4, $3  }
0xe2: {  	_ =	sdelay $0x1  }
0xe3: {  	s3 =	sshra.s32 s2, $0x2  }
0xe4: {  	s2 =	sadd.s32 $0x600, s3;
	s3 =	sadd.s32 $0x4600, s3  }
0xe5: {  	[tilespmem:s3], [sflag:$0x2] =	stream.indirect.gather [hbm4b:s6+s12], $0x1, s2, s12, $0xb8;
	[tilespmem:$0x6600] =	vst v63  }
0xe6: {  	_ =	swait.ge [sflag:s13], $0x2000  }
0xe7: {  	[sflag:s13] =	ssyncset.done $0x0  }
0xe8: {  	s0 =	simm.s32 $0x0;
	s9 =	rddreg [dreg:$0x5];
	[sflag:s13] =	ssyncadd.s32 $0xFFFFE000  }
0xe9: {  	[hbm4b:s9+s0] =	stream.linear.scatter [tilespmem:s18], [sflag:$0x3], $0x1000, $0x38;
	[tilespmem:$0x6600] =	vst v63  }
0xea: {  	s16 =	rddreg [dreg:$0x6]  }
0xeb: {  	[hbm4b:s16+s0] =	stream.linear.scatter [tilespmem:s5], [sflag:$0x3], $0x1000, $0x38;
	[tilespmem:$0x6600] =	vst v63  }
0xec: {  	_ =	swait.ge [sflag:s21], $0x2000  }
0xed: {  	s2 =	simm.s32 $0x600;
	[sflag:s21] =	ssyncset.done $0x0  }
0xee: {  	s3 =	simm.s32 $0x2600;
	s0 =	simm.s32 $0x200;
	[sflag:s21] =	ssyncadd.s32 $0xFFFFE000  }
.LBB2_12:
0xef: {  	[tilespmem:s3], [sflag:$0x1] =	stream.indirect.gather [hbm4b:s8+s12], $0x1, s2, s12, $0xb8;
	[tilespmem:$0x6600] =	vst v63  }
0xf0: {  	s2 =	smov.u32 s0;
	p0 =	sne.s32 s0, $0x7E00  }
.Ltmp5:
0xf1: {  	s0 =	sadd.s32 $0x200, s0;
	(pc) =	sbr.rel @p0 .LBB2_12-.Ltmp5, $3  }
0xf2: {  	_ =	sdelay $0x1  }
0xf3: {  	s3 =	sshra.s32 s2, $0x2  }
0xf4: {  	s2 =	sadd.s32 $0x600, s3;
	s3 =	sadd.s32 $0x2600, s3  }
0xf5: {  	[tilespmem:s3], [sflag:$0x1] =	stream.indirect.gather [hbm4b:s8+s12], $0x1, s2, s12, $0xb8;
	[tilespmem:$0x6600] =	vst v63  }
0xf6: {  	_ =	swait.ge [sflag:s22], $0x2000  }
0xf7: {  	[sflag:s22] =	ssyncset.done $0x0  }
0xf8: {  	s0 =	simm.s32 $0x0;
	s9 =	rddreg [dreg:$0x7];
	[sflag:s22] =	ssyncadd.s32 $0xFFFFE000  }
0xf9: {  	[hbm4b:s9+s0] =	stream.linear.scatter [tilespmem:s25], [sflag:$0x3], $0x1000, $0x38;
	[tilespmem:$0x6600] =	vst v63  }
0xfa: {  	s16 =	rddreg [dreg:$0x8]  }
0xfb: {  	[hbm4b:s16+s0] =	stream.linear.scatter [tilespmem:s26], [sflag:$0x3], $0x1000, $0x38;
	[tilespmem:$0x6600] =	vst v63  }
0xfc: {  	_ =	swait.ge [sflag:s21], $0x2000  }
0xfd: {  	s2 =	simm.s32 $0x600;
	[sflag:s21] =	ssyncset.done $0x0  }
0xfe: {  	s3 =	simm.s32 $0x4600;
	s0 =	simm.s32 $0x200;
	[sflag:s21] =	ssyncadd.s32 $0xFFFFE000  }
.LBB2_14:
0xff: {  	[tilespmem:s3], [sflag:$0x2] =	stream.indirect.gather [hbm4b:s11+s12], $0x1, s2, s12, $0xb8;
	[tilespmem:$0x6600] =	vst v63  }
0x100: {  	s2 =	smov.u32 s0;
	p0 =	sne.s32 s0, $0x7E00  }
.Ltmp6:
0x101: {  	s0 =	sadd.s32 $0x200, s0;
	(pc) =	sbr.rel @p0 .LBB2_14-.Ltmp6, $3  }
0x102: {  	_ =	sdelay $0x1  }
0x103: {  	s3 =	sshra.s32 s2, $0x2  }
0x104: {  	s2 =	sadd.s32 $0x600, s3;
	s3 =	sadd.s32 $0x4600, s3  }
0x105: {  	[tilespmem:s3], [sflag:$0x2] =	stream.indirect.gather [hbm4b:s11+s12], $0x1, s2, s12, $0xb8;
	[tilespmem:$0x6600] =	vst v63  }
0x106: {  	_ =	swait.ge [sflag:s13], $0x2000  }
0x107: {  	[sflag:s13] =	ssyncset.done $0x0  }
0x108: {  	s0 =	simm.s32 $0x0;
	s9 =	rddreg [dreg:$0x9];
	[sflag:s13] =	ssyncadd.s32 $0xFFFFE000  }
0x109: {  	[hbm4b:s9+s0] =	stream.linear.scatter [tilespmem:s18], [sflag:$0x3], $0x1000, $0x38;
	[tilespmem:$0x6600] =	vst v63  }
0x10a: {  	s16 =	rddreg [dreg:$0xa]  }
0x10b: {  	[hbm4b:s16+s0] =	stream.linear.scatter [tilespmem:s5], [sflag:$0x3], $0x1000, $0x38;
	[tilespmem:$0x6600] =	vst v63  }
0x10c: {  	_ =	swait.ge [sflag:s21], $0x2000  }
0x10d: {  	s2 =	simm.s32 $0x600;
	[sflag:s21] =	ssyncset.done $0x0  }
0x10e: {  	s3 =	simm.s32 $0x2600;
	s0 =	simm.s32 $0x200;
	[sflag:s21] =	ssyncadd.s32 $0xFFFFE000  }
.LBB2_16:
0x10f: {  	[tilespmem:s3], [sflag:$0x1] =	stream.indirect.gather [hbm4b:s14+s12], $0x1, s2, s12, $0xb8;
	[tilespmem:$0x6600] =	vst v63  }
0x110: {  	s2 =	smov.u32 s0;
	p0 =	sne.s32 s0, $0x7E00  }
.Ltmp7:
0x111: {  	s0 =	sadd.s32 $0x200, s0;
	(pc) =	sbr.rel @p0 .LBB2_16-.Ltmp7, $3  }
0x112: {  	_ =	sdelay $0x1  }
0x113: {  	s3 =	sshra.s32 s2, $0x2  }
0x114: {  	s2 =	sadd.s32 $0x600, s3;
	s3 =	sadd.s32 $0x2600, s3  }
0x115: {  	[tilespmem:s3], [sflag:$0x1] =	stream.indirect.gather [hbm4b:s14+s12], $0x1, s2, s12, $0xb8;
	[tilespmem:$0x6600] =	vst v63  }
0x116: {  	_ =	swait.ge [sflag:s22], $0x2000  }
0x117: {  	[sflag:s22] =	ssyncset.done $0x0  }
0x118: {  	s0 =	simm.s32 $0x0;
	s9 =	rddreg [dreg:$0xb];
	[sflag:s22] =	ssyncadd.s32 $0xFFFFE000  }
0x119: {  	[hbm4b:s9+s0] =	stream.linear.scatter [tilespmem:s25], [sflag:$0x3], $0x1000, $0x38;
	[tilespmem:$0x6600] =	vst v63  }
0x11a: {  	s16 =	rddreg [dreg:$0xc]  }
0x11b: {  	[hbm4b:s16+s0] =	stream.linear.scatter [tilespmem:s26], [sflag:$0x3], $0x1000, $0x38;
	[tilespmem:$0x6600] =	vst v63  }
0x11c: {  	_ =	swait.ge [sflag:s21], $0x2000  }
0x11d: {  	s2 =	simm.s32 $0x600;
	[sflag:s21] =	ssyncset.done $0x0  }
0x11e: {  	s3 =	simm.s32 $0x4600;
	s0 =	simm.s32 $0x200;
	[sflag:s21] =	ssyncadd.s32 $0xFFFFE000  }
.LBB2_18:
0x11f: {  	[tilespmem:s3], [sflag:$0x2] =	stream.indirect.gather [hbm4b:s17+s12], $0x1, s2, s12, $0xb8;
	[tilespmem:$0x6600] =	vst v63  }
0x120: {  	s2 =	smov.u32 s0;
	p0 =	sne.s32 s0, $0x7E00  }
.Ltmp8:
0x121: {  	s0 =	sadd.s32 $0x200, s0;
	(pc) =	sbr.rel @p0 .LBB2_18-.Ltmp8, $3  }
0x122: {  	_ =	sdelay $0x1  }
0x123: {  	s3 =	sshra.s32 s2, $0x2  }
0x124: {  	s2 =	sadd.s32 $0x600, s3;
	s3 =	sadd.s32 $0x4600, s3  }
0x125: {  	[tilespmem:s3], [sflag:$0x2] =	stream.indirect.gather [hbm4b:s17+s12], $0x1, s2, s12, $0xb8;
	[tilespmem:$0x6600] =	vst v63  }
0x126: {  	_ =	swait.ge [sflag:s13], $0x2000  }
0x127: {  	[sflag:s13] =	ssyncset.done $0x0  }
0x128: {  	s0 =	simm.s32 $0x0;
	s9 =	rddreg [dreg:$0xd];
	[sflag:s13] =	ssyncadd.s32 $0xFFFFE000  }
0x129: {  	[hbm4b:s9+s0] =	stream.linear.scatter [tilespmem:s18], [sflag:$0x3], $0x1000, $0x38;
	[tilespmem:$0x6600] =	vst v63  }
0x12a: {  	s16 =	rddreg [dreg:$0xe]  }
0x12b: {  	[hbm4b:s16+s0] =	stream.linear.scatter [tilespmem:s5], [sflag:$0x3], $0x1000, $0x38;
	[tilespmem:$0x6600] =	vst v63  }
0x12c: {  	_ =	swait.ge [sflag:s21], $0x2000  }
0x12d: {  	s2 =	simm.s32 $0x600;
	[sflag:s21] =	ssyncset.done $0x0  }
0x12e: {  	s3 =	simm.s32 $0x2600;
	s0 =	simm.s32 $0x200;
	[sflag:s21] =	ssyncadd.s32 $0xFFFFE000  }
.LBB2_20:
0x12f: {  	[tilespmem:s3], [sflag:$0x1] =	stream.indirect.gather [hbm4b:s20+s12], $0x1, s2, s12, $0xb8;
	[tilespmem:$0x6600] =	vst v63  }
0x130: {  	s2 =	smov.u32 s0;
	p0 =	sne.s32 s0, $0x7E00  }
.Ltmp9:
0x131: {  	s0 =	sadd.s32 $0x200, s0;
	(pc) =	sbr.rel @p0 .LBB2_20-.Ltmp9, $3  }
0x132: {  	_ =	sdelay $0x1  }
0x133: {  	s3 =	sshra.s32 s2, $0x2  }
0x134: {  	s2 =	sadd.s32 $0x600, s3;
	s3 =	sadd.s32 $0x2600, s3  }
0x135: {  	[tilespmem:s3], [sflag:$0x1] =	stream.indirect.gather [hbm4b:s20+s12], $0x1, s2, s12, $0xb8;
	[tilespmem:$0x6600] =	vst v63  }
0x136: {  	_ =	swait.ge [sflag:s22], $0x2000  }
0x137: {  	[sflag:s22] =	ssyncset.done $0x0  }
0x138: {  	s0 =	simm.s32 $0x0;
	s9 =	rddreg [dreg:$0xf];
	[sflag:s22] =	ssyncadd.s32 $0xFFFFE000  }
0x139: {  	[hbm4b:s9+s0] =	stream.linear.scatter [tilespmem:s25], [sflag:$0x3], $0x1000, $0x38;
	[tilespmem:$0x6600] =	vst v63  }
0x13a: {  	s16 =	rddreg [dreg:$0x10]  }
0x13b: {  	[hbm4b:s16+s0] =	stream.linear.scatter [tilespmem:s26], [sflag:$0x3], $0x1000, $0x38;
	[tilespmem:$0x6600] =	vst v63  }
0x13c: {  	_ =	swait.ge [sflag:s21], $0x2000  }
0x13d: {  	s2 =	simm.s32 $0x600;
	[sflag:s21] =	ssyncset.done $0x0  }
0x13e: {  	s3 =	simm.s32 $0x4600;
	s0 =	simm.s32 $0x200;
	[sflag:s21] =	ssyncadd.s32 $0xFFFFE000  }
.LBB2_22:
0x13f: {  	[tilespmem:s3], [sflag:$0x2] =	stream.indirect.gather [hbm4b:s23+s12], $0x1, s2, s12, $0xb8;
	[tilespmem:$0x6600] =	vst v63  }
0x140: {  	s2 =	smov.u32 s0;
	p0 =	sne.s32 s0, $0x7E00  }
.Ltmp10:
0x141: {  	s0 =	sadd.s32 $0x200, s0;
	(pc) =	sbr.rel @p0 .LBB2_22-.Ltmp10, $3  }
0x142: {  	_ =	sdelay $0x1  }
0x143: {  	s3 =	sshra.s32 s2, $0x2  }
0x144: {  	s2 =	sadd.s32 $0x600, s3;
	s3 =	sadd.s32 $0x4600, s3  }
0x145: {  	[tilespmem:s3], [sflag:$0x2] =	stream.indirect.gather [hbm4b:s23+s12], $0x1, s2, s12, $0xb8;
	[tilespmem:$0x6600] =	vst v63  }
0x146: {  	_ =	swait.ge [sflag:s13], $0x2000  }
0x147: {  	[sflag:s13] =	ssyncset.done $0x0  }
0x148: {  	s0 =	simm.s32 $0x0;
	s9 =	rddreg [dreg:$0x11];
	[sflag:s13] =	ssyncadd.s32 $0xFFFFE000  }
0x149: {  	[hbm4b:s9+s0] =	stream.linear.scatter [tilespmem:s18], [sflag:$0x3], $0x1000, $0x38;
	[tilespmem:$0x6600] =	vst v63  }
0x14a: {  	s16 =	rddreg [dreg:$0x13]  }
0x14b: {  	[hbm4b:s16+s0] =	stream.linear.scatter [tilespmem:s5], [sflag:$0x3], $0x1000, $0x38;
	[tilespmem:$0x6600] =	vst v63  }
0x14c: {  	_ =	swait.ge [sflag:s21], $0x2000  }
0x14d: {  	s2 =	simm.s32 $0x600;
	[sflag:s21] =	ssyncset.done $0x0  }
0x14e: {  	s3 =	simm.s32 $0x2600;
	s0 =	simm.s32 $0x200;
	[sflag:s21] =	ssyncadd.s32 $0xFFFFE000  }
.LBB2_24:
0x14f: {  	[tilespmem:s3], [sflag:$0x1] =	stream.indirect.gather [hbm4b:s28+s12], $0x1, s2, s12, $0xb8;
	[tilespmem:$0x6600] =	vst v63  }
0x150: {  	s2 =	smov.u32 s0;
	p0 =	sne.s32 s0, $0x7E00  }
.Ltmp11:
0x151: {  	s0 =	sadd.s32 $0x200, s0;
	(pc) =	sbr.rel @p0 .LBB2_24-.Ltmp11, $3  }
0x152: {  	_ =	sdelay $0x1  }
0x153: {  	s3 =	sshra.s32 s2, $0x2  }
0x154: {  	s2 =	sadd.s32 $0x600, s3;
	s3 =	sadd.s32 $0x2600, s3  }
0x155: {  	[tilespmem:s3], [sflag:$0x1] =	stream.indirect.gather [hbm4b:s28+s12], $0x1, s2, s12, $0xb8;
	[tilespmem:$0x6600] =	vst v63  }
0x156: {  	_ =	swait.ge [sflag:s22], $0x2000  }
0x157: {  	[sflag:s22] =	ssyncset.done $0x0  }
0x158: {  	s0 =	simm.s32 $0x0;
	s9 =	rddreg [dreg:$0x14];
	[sflag:s22] =	ssyncadd.s32 $0xFFFFE000  }
0x159: {  	[hbm4b:s9+s0] =	stream.linear.scatter [tilespmem:s25], [sflag:$0x3], $0x1000, $0x38;
	[tilespmem:$0x6600] =	vst v63  }
0x15a: {  	s16 =	rddreg [dreg:$0x15]  }
0x15b: {  	[hbm4b:s16+s0] =	stream.linear.scatter [tilespmem:s26], [sflag:$0x3], $0x1000, $0x38;
	[tilespmem:$0x6600] =	vst v63  }
0x15c: {  	_ =	swait.ge [sflag:s21], $0x2000  }
0x15d: {  	s2 =	simm.s32 $0x600;
	[sflag:s21] =	ssyncset.done $0x0  }
0x15e: {  	s3 =	simm.s32 $0x4600;
	s0 =	simm.s32 $0x200;
	[sflag:s21] =	ssyncadd.s32 $0xFFFFE000  }
.LBB2_26:
0x15f: {  	[tilespmem:s3], [sflag:$0x2] =	stream.indirect.gather [hbm4b:s31+s12], $0x1, s2, s12, $0xb8;
	[tilespmem:$0x6600] =	vst v63  }
0x160: {  	s2 =	smov.u32 s0;
	p0 =	sne.s32 s0, $0x7E00  }
.Ltmp12:
0x161: {  	s0 =	sadd.s32 $0x200, s0;
	(pc) =	sbr.rel @p0 .LBB2_26-.Ltmp12, $3  }
0x162: {  	_ =	sdelay $0x1  }
0x163: {  	s3 =	sshra.s32 s2, $0x2  }
0x164: {  	s2 =	sadd.s32 $0x600, s3;
	s3 =	sadd.s32 $0x4600, s3  }
0x165: {  	[tilespmem:s3], [sflag:$0x2] =	stream.indirect.gather [hbm4b:s31+s12], $0x1, s2, s12, $0xb8;
	[tilespmem:$0x6600] =	vst v63  }
0x166: {  	_ =	swait.ge [sflag:s13], $0x2000  }
0x167: {  	[sflag:s13] =	ssyncset.done $0x0  }
0x168: {  	s0 =	simm.s32 $0x0;
	s9 =	rddreg [dreg:$0x16];
	[sflag:s13] =	ssyncadd.s32 $0xFFFFE000  }
0x169: {  	[hbm4b:s9+s0] =	stream.linear.scatter [tilespmem:s18], [sflag:$0x3], $0x1000, $0x38;
	[tilespmem:$0x6600] =	vst v63  }
0x16a: {  	s16 =	rddreg [dreg:$0x17]  }
0x16b: {  	[hbm4b:s16+s0] =	stream.linear.scatter [tilespmem:s5], [sflag:$0x3], $0x1000, $0x38;
	[tilespmem:$0x6600] =	vst v63  }
0x16c: {  	_ =	swait.ge [sflag:s21], $0x2000  }
0x16d: {  	s2 =	simm.s32 $0x600;
	[sflag:s21] =	ssyncset.done $0x0  }
0x16e: {  	s3 =	simm.s32 $0x2600;
	s0 =	simm.s32 $0x200;
	[sflag:s21] =	ssyncadd.s32 $0xFFFFE000  }
.LBB2_28:
0x16f: {  	[tilespmem:s3], [sflag:$0x1] =	stream.indirect.gather [hbm4b:s4+s12], $0x1, s2, s12, $0xb8;
	[tilespmem:$0x6600] =	vst v63  }
0x170: {  	s2 =	smov.u32 s0;
	p0 =	sne.s32 s0, $0x7E00  }
.Ltmp13:
0x171: {  	s0 =	sadd.s32 $0x200, s0;
	(pc) =	sbr.rel @p0 .LBB2_28-.Ltmp13, $3  }
0x172: {  	_ =	sdelay $0x1  }
0x173: {  	s3 =	sshra.s32 s2, $0x2  }
0x174: {  	s2 =	sadd.s32 $0x600, s3;
	s3 =	sadd.s32 $0x2600, s3  }
0x175: {  	[tilespmem:s3], [sflag:$0x1] =	stream.indirect.gather [hbm4b:s4+s12], $0x1, s2, s12, $0xb8;
	[tilespmem:$0x6600] =	vst v63  }
0x176: {  	_ =	swait.ge [sflag:s22], $0x2000  }
0x177: {  	[sflag:s22] =	ssyncset.done $0x0  }
0x178: {  	s0 =	simm.s32 $0x0;
	s9 =	rddreg [dreg:$0x18];
	[sflag:s22] =	ssyncadd.s32 $0xFFFFE000  }
0x179: {  	[hbm4b:s9+s0] =	stream.linear.scatter [tilespmem:s25], [sflag:$0x3], $0x1000, $0x38;
	[tilespmem:$0x6600] =	vst v63  }
0x17a: {  	s16 =	rddreg [dreg:$0x19]  }
0x17b: {  	[hbm4b:s16+s0] =	stream.linear.scatter [tilespmem:s26], [sflag:$0x3], $0x1000, $0x38;
	[tilespmem:$0x6600] =	vst v63  }
0x17c: {  	_ =	swait.ge [sflag:s21], $0x2000  }
0x17d: {  	s2 =	simm.s32 $0x600;
	[sflag:s21] =	ssyncset.done $0x0  }
0x17e: {  	s3 =	simm.s32 $0x4600;
	s0 =	simm.s32 $0x200;
	[sflag:s21] =	ssyncadd.s32 $0xFFFFE000  }
.LBB2_30:
0x17f: {  	[tilespmem:s3], [sflag:$0x2] =	stream.indirect.gather [hbm4b:s10+s12], $0x1, s2, s12, $0xb8;
	[tilespmem:$0x6600] =	vst v63  }
0x180: {  	s2 =	smov.u32 s0;
	p0 =	sne.s32 s0, $0x7E00  }
.Ltmp14:
0x181: {  	s0 =	sadd.s32 $0x200, s0;
	(pc) =	sbr.rel @p0 .LBB2_30-.Ltmp14, $3  }
0x182: {  	_ =	sdelay $0x1  }
0x183: {  	s3 =	sshra.s32 s2, $0x2  }
0x184: {  	s2 =	sadd.s32 $0x600, s3;
	s3 =	sadd.s32 $0x4600, s3  }
0x185: {  	[tilespmem:s3], [sflag:$0x2] =	stream.indirect.gather [hbm4b:s10+s12], $0x1, s2, s12, $0xb8;
	[tilespmem:$0x6600] =	vst v63  }
0x186: {  	_ =	swait.ge [sflag:s13], $0x2000  }
0x187: {  	[sflag:s13] =	ssyncset.done $0x0  }
0x188: {  	s0 =	simm.s32 $0x0;
	s9 =	rddreg [dreg:$0x1a];
	[sflag:s13] =	ssyncadd.s32 $0xFFFFE000  }
0x189: {  	[hbm4b:s9+s0] =	stream.linear.scatter [tilespmem:s18], [sflag:$0x3], $0x1000, $0x38;
	[tilespmem:$0x6600] =	vst v63  }
0x18a: {  	s16 =	rddreg [dreg:$0x1b]  }
0x18b: {  	[hbm4b:s16+s0] =	stream.linear.scatter [tilespmem:s5], [sflag:$0x3], $0x1000, $0x38;
	[tilespmem:$0x6600] =	vst v63  }
0x18c: {  	_ =	swait.ge [sflag:s21], $0x2000  }
0x18d: {  	s2 =	simm.s32 $0x600;
	[sflag:s21] =	ssyncset.done $0x0  }
0x18e: {  	s3 =	simm.s32 $0x2600;
	s0 =	simm.s32 $0x200;
	[sflag:s21] =	ssyncadd.s32 $0xFFFFE000  }
.LBB2_32:
0x18f: {  	[tilespmem:s3], [sflag:$0x1] =	stream.indirect.gather [hbm4b:s15+s12], $0x1, s2, s12, $0xb8;
	[tilespmem:$0x6600] =	vst v63  }
0x190: {  	s2 =	smov.u32 s0;
	p0 =	sne.s32 s0, $0x7E00  }
.Ltmp15:
0x191: {  	s0 =	sadd.s32 $0x200, s0;
	(pc) =	sbr.rel @p0 .LBB2_32-.Ltmp15, $3  }
0x192: {  	_ =	sdelay $0x1  }
0x193: {  	s3 =	sshra.s32 s2, $0x2  }
0x194: {  	s2 =	sadd.s32 $0x600, s3;
	s3 =	sadd.s32 $0x2600, s3  }
0x195: {  	[tilespmem:s3], [sflag:$0x1] =	stream.indirect.gather [hbm4b:s15+s12], $0x1, s2, s12, $0xb8;
	[tilespmem:$0x6600] =	vst v63  }
0x196: {  	_ =	swait.ge [sflag:s22], $0x2000  }
0x197: {  	[sflag:s22] =	ssyncset.done $0x0  }
0x198: {  	s0 =	simm.s32 $0x0;
	s9 =	rddreg [dreg:$0x1c];
	[sflag:s22] =	ssyncadd.s32 $0xFFFFE000  }
0x199: {  	[hbm4b:s9+s0] =	stream.linear.scatter [tilespmem:s25], [sflag:$0x3], $0x1000, $0x38;
	[tilespmem:$0x6600] =	vst v63  }
0x19a: {  	s16 =	rddreg [dreg:$0x1d]  }
0x19b: {  	[hbm4b:s16+s0] =	stream.linear.scatter [tilespmem:s26], [sflag:$0x3], $0x1000, $0x38;
	[tilespmem:$0x6600] =	vst v63  }
0x19c: {  	_ =	swait.ge [sflag:s21], $0x2000  }
0x19d: {  	s2 =	simm.s32 $0x600;
	[sflag:s21] =	ssyncset.done $0x0  }
0x19e: {  	s3 =	simm.s32 $0x4600;
	s0 =	simm.s32 $0x200;
	[sflag:s21] =	ssyncadd.s32 $0xFFFFE000  }
.LBB2_34:
0x19f: {  	[tilespmem:s3], [sflag:$0x2] =	stream.indirect.gather [hbm4b:s19+s12], $0x1, s2, s12, $0xb8;
	[tilespmem:$0x6600] =	vst v63  }
0x1a0: {  	s2 =	smov.u32 s0;
	p0 =	sne.s32 s0, $0x7E00  }
.Ltmp16:
0x1a1: {  	s0 =	sadd.s32 $0x200, s0;
	(pc) =	sbr.rel @p0 .LBB2_34-.Ltmp16, $3  }
0x1a2: {  	_ =	sdelay $0x1  }
0x1a3: {  	s3 =	sshra.s32 s2, $0x2  }
0x1a4: {  	s2 =	sadd.s32 $0x600, s3;
	s3 =	sadd.s32 $0x4600, s3  }
0x1a5: {  	[tilespmem:s3], [sflag:$0x2] =	stream.indirect.gather [hbm4b:s19+s12], $0x1, s2, s12, $0xb8;
	[tilespmem:$0x6600] =	vst v63  }
0x1a6: {  	_ =	swait.ge [sflag:s13], $0x2000  }
0x1a7: {  	[sflag:s13] =	ssyncset.done $0x0  }
0x1a8: {  	s0 =	simm.s32 $0x0;
	s9 =	rddreg [dreg:$0x1e];
	[sflag:s13] =	ssyncadd.s32 $0xFFFFE000  }
0x1a9: {  	[hbm4b:s9+s0] =	stream.linear.scatter [tilespmem:s18], [sflag:$0x3], $0x1000, $0x38;
	[tilespmem:$0x6600] =	vst v63  }
0x1aa: {  	s16 =	rddreg [dreg:$0x1f]  }
0x1ab: {  	[hbm4b:s16+s0] =	stream.linear.scatter [tilespmem:s5], [sflag:$0x3], $0x1000, $0x38;
	[tilespmem:$0x6600] =	vst v63  }
0x1ac: {  	_ =	swait.ge [sflag:s21], $0x2000  }
0x1ad: {  	s2 =	simm.s32 $0x600;
	[sflag:s21] =	ssyncset.done $0x0  }
0x1ae: {  	s3 =	simm.s32 $0x2600;
	s0 =	simm.s32 $0x200;
	[sflag:s21] =	ssyncadd.s32 $0xFFFFE000  }
.LBB2_36:
0x1af: {  	[tilespmem:s3], [sflag:$0x1] =	stream.indirect.gather [hbm4b:s24+s12], $0x1, s2, s12, $0xb8;
	[tilespmem:$0x6600] =	vst v63  }
0x1b0: {  	s2 =	smov.u32 s0;
	p0 =	sne.s32 s0, $0x7E00  }
.Ltmp17:
0x1b1: {  	s0 =	sadd.s32 $0x200, s0;
	(pc) =	sbr.rel @p0 .LBB2_36-.Ltmp17, $3  }
0x1b2: {  	_ =	sdelay $0x1  }
0x1b3: {  	s3 =	sshra.s32 s2, $0x2  }
0x1b4: {  	s2 =	sadd.s32 $0x600, s3;
	s3 =	sadd.s32 $0x2600, s3  }
0x1b5: {  	[tilespmem:s3], [sflag:$0x1] =	stream.indirect.gather [hbm4b:s24+s12], $0x1, s2, s12, $0xb8;
	[tilespmem:$0x6600] =	vst v63  }
0x1b6: {  	_ =	swait.ge [sflag:s22], $0x2000  }
0x1b7: {  	s9 =	sld [smem:$0x7F8]  }
0x1b8: {  	[sflag:s22] =	ssyncset.done $0x0  }
0x1b9: {  	s0 =	simm.s32 $0x0;
	s16 =	sld [smem:$0x7F9];
	[sflag:s22] =	ssyncadd.s32 $0xFFFFE000  }
0x1ba: {  	[hbm4b:s9+s0] =	stream.linear.scatter [tilespmem:s25], [sflag:$0x3], $0x1000, $0x38;
	[tilespmem:$0x6600] =	vst v63  }
0x1bb: {  	_ = 	snop  }
0x1bc: {  	[hbm4b:s16+s0] =	stream.linear.scatter [tilespmem:s26], [sflag:$0x3], $0x1000, $0x38;
	[tilespmem:$0x6600] =	vst v63  }
0x1bd: {  	_ =	swait.ge [sflag:s21], $0x2000  }
0x1be: {  	s2 =	simm.s32 $0x600;
	[sflag:s21] =	ssyncset.done $0x0  }
0x1bf: {  	s3 =	simm.s32 $0x4600;
	s0 =	simm.s32 $0x200;
	[sflag:s21] =	ssyncadd.s32 $0xFFFFE000  }
.LBB2_38:
0x1c0: {  	[tilespmem:s3], [sflag:$0x2] =	stream.indirect.gather [hbm4b:s29+s12], $0x1, s2, s12, $0xb8;
	[tilespmem:$0x6600] =	vst v63  }
0x1c1: {  	s2 =	smov.u32 s0;
	p0 =	sne.s32 s0, $0x7E00  }
.Ltmp18:
0x1c2: {  	s0 =	sadd.s32 $0x200, s0;
	(pc) =	sbr.rel @p0 .LBB2_38-.Ltmp18, $3  }
0x1c3: {  	_ =	sdelay $0x1  }
0x1c4: {  	s3 =	sshra.s32 s2, $0x2  }
0x1c5: {  	s2 =	sadd.s32 $0x600, s3;
	s3 =	sadd.s32 $0x4600, s3  }
0x1c6: {  	[tilespmem:s3], [sflag:$0x2] =	stream.indirect.gather [hbm4b:s29+s12], $0x1, s2, s12, $0xb8;
	[tilespmem:$0x6600] =	vst v63  }
0x1c7: {  	_ =	swait.ge [sflag:s13], $0x2000  }
0x1c8: {  	s0 =	sld [smem:$0x7FA]  }
0x1c9: {  	[sflag:s13] =	ssyncset.done $0x0  }
0x1ca: {  	s3 =	sld [smem:$0x7FB];
	[sflag:s13] =	ssyncadd.s32 $0xFFFFE000  }
0x1cb: {  	[hbm4b:s0+s7] =	stream.linear.scatter [tilespmem:s18], [sflag:$0x3], $0x1000, $0x38;
	[tilespmem:$0x6600] =	vst v63  }
0x1cc: {  	_ = 	snop  }
0x1cd: {  	[hbm4b:s3+s7] =	stream.linear.scatter [tilespmem:s5], [sflag:$0x3], $0x1000, $0x38;
	[tilespmem:$0x6600] =	vst v63  }
0x1ce: {  	_ =	swait.ge [sflag:s21], $0x2000  }
0x1cf: {  	[sflag:s21] =	ssyncset.done $0x0  }
0x1d0: {  	[sflag:s21] =	ssyncadd.s32 $0xFFFFE000  }
0x1d1: {  	_ =	swait.ge [sflag:s22], $0x2000  }
0x1d2: {  	s5 =	sld [smem:$0x7FC]  }
0x1d3: {  	[sflag:s22] =	ssyncset.done $0x0  }
0x1d4: {  	s9 =	sld [smem:$0x7FD];
	[sflag:s22] =	ssyncadd.s32 $0xFFFFE000  }
0x1d5: {  	[hbm4b:s5+s7] =	stream.linear.scatter [tilespmem:s25], [sflag:$0x3], $0x1000, $0x38;
	[tilespmem:$0x6600] =	vst v63  }
0x1d6: {  	_ = 	snop  }
0x1d7: {  	[hbm4b:s9+s7] =	stream.linear.scatter [tilespmem:s26], [sflag:$0x3], $0x1000, $0x38;
	[tilespmem:$0x6600] =	vst v63  }
0x1d8: {  	_ =	swait.ge [sflag:s21], $0x2000  }
0x1d9: {  	s30 =	sadd.s32 $0x1, s30;
	s16 =	rddreg [dreg:$0x12]  }
0x1da: {  	p0 =	sne.s32 s30, s16  }
.Ltmp19:
0x1db: {  	_ = 	snop;
	(pc) =	sbr.rel @p0 .LBB2_1-.Ltmp19, $4  }
.Ltmp20:
0x1dc: {  	_ = 	snop;
	(pc) =	sbr.rel @!p0 .LBB2_40-.Ltmp20, $4  }
0x1dd: {  	_ = 	snop  }
0x1de: {  	[sflag:s21] =	ssyncset.done $0x0  }
0x1df: {  	[sflag:s21] =	ssyncadd.s32 $0xFFFFE000  }
0x1e0: {  	_ = 	snop  }
.LBB2_2:
.Ltmp21:
0x1e1: {  	(pc) =	sbr.rel .LBB2_7-.Ltmp21, $2  }
0x1e2: {  	_ =	sdelay $0x2  }
0x1e3: {  	s9 =	simm.s32 $0x0;
	s5 =	simm.s32 $0x0;
	s7 =	simm.s32 $0x640  }
.LBB2_4:
.Ltmp22:
0x1e4: {  	(pc) =	sbr.rel .LBB2_7-.Ltmp22, $3  }
0x1e5: {  	_ =	sdelay $0x1  }
0x1e6: {  	s9 =	simm.s32 $0x0  }
0x1e7: {  	s5 =	simm.s32 $0x0;
	s7 =	simm.s32 $0x640;
	s18 =	simm.s32 $0x2600  }
.LBB2_40:
0x1e8: {  	_ =	sfence.sel $0x180000  }
0x1e9: {  	[bflag:$0x0] =	sbarrier.arrive $0xFFFF  }
0x1ea: {  	_ =	strace $0x90000047  }
0x1eb: {  	s0 =	stileid.u32;
	[bflag:$0x2] =	sbarrier.arrive $0xFFFF  }
0x1ec: {  	p0 =	sne.s32 s0, $0x0;
	s0 =	rddreg [dreg:$0x3]  }
0x1ed: {  	s0 =	sadd.s32 @!p0 $0x100000, s0  }
0x1ee: {  	[sflag:s0] =	ssyncadd.tile.s32 @!p0 $0x1;
	_ =	shalt  }
.Lfunc_end2:
_tile_overlayer_lowered:
.L_overlay_start_2:
0x1ef: {  	(tag) =	ssettag $0x2  }
0x1f0: {  	s0 =	rddreg [dreg:$0x0];
	s2 =	stileid.u32  }
0x1f1: {  	s1 =	rddreg [dreg:$0x1];
	p0 =	sne.s32 s2, $0x0  }
0x1f2: {  	s3 =	rddreg [dreg:$0x2];
	[bflag:$0x3] =	sbarrier.arrive $0xFFFF;
	s2 =	simm.s32 @!p0 $0x1C04  }
0x1f3: {  	[timem:s3], [sflag:s2] =	dma.local @!p0 [hbm:s0], s1  }
0x1f4: {  	s0 =	simm.s32 @!p0 $0x4  }
0x1f5: {  	_ =	swait.ge @!p0 [sflag:s0], s1  }
0x1f6: {  	s1 =	ssub.s32 @!p0 $0x0, s1;
	[sflag:s0] =	ssyncset.done @!p0 $0x0  }
0x1f7: {  	[sflag:s0] =	ssyncadd.s32 @!p0 s1  }
0x1f8: {  	[bflag:$0x3] =	sbarrier.arrive $0xFFFF  }
0x1f9: {  	_ =	shalt  }

</sc_bundles>
